<compile_context>
chip_gen: v7x
topology: tpu7x:2x2x1
jax: 0.10.2.dev20260603
libtpu: 0.0.44.dev20260713+nightly
codegen_flags: <defaults>
</compile_context>

<pallas_src>
import functools

import jax
import jax.numpy as jnp
from jax import lax
from jax.experimental import pallas as pl
from jax.experimental.pallas import tpu as pltpu
from jax.experimental.pallas import tpu_sc as plsc

_N = 10000
_NP = 10240
_D = 128
_H = 64
_NE = 320000
_CB = 128
_CH = 160
_NE_T = _CB * _CH
_NE_PAD = 16 * _NE_T
_NT = 16
_NODES_T = _NP // _NT


def _sc_mesh():
    return plsc.VectorSubcoreMesh(core_axis_name="c", subcore_axis_name="s")


def _make_sc_propagate():
    f32 = jnp.float32
    out_type = (
        jax.ShapeDtypeStruct((2 * _NP, _H), f32),
        jax.ShapeDtypeStruct((2 * _NP, _H), f32),
        jax.ShapeDtypeStruct((2 * _NP, _H), f32),
        jax.ShapeDtypeStruct((2 * _NP, _H), f32),
        jax.ShapeDtypeStruct((_NP,), f32),
    )
    scratch = [
        pltpu.VMEM((_CH, _CB), jnp.int32),
        pltpu.VMEM((_CH, _CB), jnp.int32),
        pltpu.VMEM((_CB, _H), f32),
        pltpu.VMEM((_CB, _H), f32),
        pltpu.VMEM((_NP // _H, _H), f32),
        pltpu.VMEM((32, _H), f32),
        pltpu.VMEM((_NT, _NODES_T // _H, _H), f32),
        pltpu.VMEM((_NODES_T,), f32),
        pltpu.VMEM((_NODES_T,), f32),
        pltpu.VMEM((_NODES_T,), f32),
        pltpu.VMEM_SHARED((_NP, _H), f32),
        pltpu.SemaphoreType.DMA,
        pltpu.SemaphoreType.DMA,
    ]

    @functools.partial(pl.kernel, out_type=out_type, mesh=_sc_mesh(),
                       scratch_types=scratch,
                       compiler_params=pltpu.CompilerParams(
                           needs_layout_passes=False,
                           use_tc_tiling_on_sc=False))
    def sc_propagate(x2, row2, col3, p0, p1, p2, p3, s3,
                     rowbuf, colbuf, gbuf0, gbuf1, sbuf, zbuf,
                     sumb, disb, dis2b, s3b, accS,
                     gsem0, gsem1):
        c = lax.axis_index("c")
        s = lax.axis_index("s")
        base = s * _NODES_T
        zeros16 = jnp.zeros((16,), f32)

        eb = s * _CH
        pltpu.sync_copy(row2.at[pl.ds(c * (_NT * _CH) + eb, _CH)], rowbuf)
        pltpu.sync_copy(col3.at[pl.ds(eb, _CH)], colbuf)

        def _zb(m, _):
            for r in range(4):
                zbuf[m, pl.ds(r * 16, 16)] = zeros16
            return 0
        lax.fori_loop(0, 32, _zb, 0)

        def _zd(m, _):
            for r in range(4):
                sbuf[m, pl.ds(r * 16, 16)] = zeros16
            return 0
        lax.fori_loop(0, _NP // _H, _zd, 0)

        ones16 = jnp.ones((16,), f32)

        def _dg(g, _):
            for u in range(_CB // 16):
                cv = colbuf[g, pl.ds(u * 16, 16)]
                plsc.addupdate_scatter(sbuf, [cv >> 6, cv & 63], ones16)
            return 0
        lax.fori_loop(0, _CH, _dg, 0)

        pltpu.sync_copy(sbuf, accS.at[pl.ds(s * (_NP // _H), _NP // _H)])
        plsc.subcore_barrier()
        for t in range(_NT):
            pltpu.sync_copy(
                accS.at[pl.ds(t * (_NP // _H) + s * (_NODES_T // _H),
                              _NODES_T // _H)],
                sumb.at[t])
        plsc.subcore_barrier()

        def _nw(j, _):
            sl = pl.ds(j * 16, 16)
            r = j >> 2
            co = (j & 3) * 16
            d = sumb[0, r, pl.ds(co, 16)]
            for i in range(1, _NT):
                d = d + sumb[i, r, pl.ds(co, 16)]
            ii = lax.bitcast_convert_type(d, jnp.int32)
            y = lax.bitcast_convert_type(
                jnp.int32(0x5F3759DF) - (ii >> 1), f32)
            for _i in range(3):
                y = y * (1.5 - 0.5 * d * y * y)
            dis = jnp.where(d > 0.0, y, 0.0)
            disb[sl] = dis
            dis2b[sl] = dis * dis
            s3b[sl] = d * dis
            return 0
        lax.fori_loop(0, _NODES_T // 16, _nw, 0)

        @pl.when(c == 0)
        def _():
            pltpu.sync_copy(s3b, s3.at[pl.ds(base, _NODES_T)])

        _SC = _NP // _H

        def _pj(j, _):
            rb = base + j * _SC
            pltpu.sync_copy(x2.at[pl.ds(c * _NP + rb, _SC)], sbuf)

            def _pn(n, _n):
                nn = j * _SC + n
                i16 = jnp.zeros((16,), jnp.int32) + nn
                spl = plsc.load_gather(disb, [i16])
                for r in range(4):
                    sl = pl.ds(r * 16, 16)
                    sbuf[n, sl] = sbuf[n, sl] * spl
                return 0
            lax.fori_loop(0, _SC, _pn, 0)
            pltpu.sync_copy(sbuf, p0.at[pl.ds(c * _NP + rb, _SC)])
            return 0
        lax.fori_loop(0, _NODES_T // _SC, _pj, 0)
        plsc.subcore_barrier()

        bufs = [p0, p1, p2, p3]
        for k in (1, 2, 3):
            src = bufs[k - 1]
            dst = bufs[k]

            def _zr(m, _):
                pltpu.sync_copy(zbuf, accS.at[pl.ds(base + m * 32, 32)])
                return 0
            lax.fori_loop(0, _NODES_T // 32, _zr, 0)
            plsc.subcore_barrier()

            pltpu.async_copy(src.at[rowbuf.at[0]], gbuf0, gsem0)
            pltpu.async_copy(src.at[rowbuf.at[1]], gbuf1, gsem1)

            def _el(i, _):
                g0 = i * 2
                g1 = g0 + 1
                pltpu.make_async_copy(src.at[rowbuf.at[0]], gbuf0, gsem0).wait()
                pltpu.sync_copy(gbuf0, accS.at[colbuf.at[g0]], add=True)

                @pl.when(i < _CH // 2 - 1)
                def _():
                    pltpu.async_copy(src.at[rowbuf.at[g0 + 2]], gbuf0, gsem0)

                pltpu.make_async_copy(src.at[rowbuf.at[1]], gbuf1, gsem1).wait()
                pltpu.sync_copy(gbuf1, accS.at[colbuf.at[g1]], add=True)

                @pl.when(i < _CH // 2 - 1)
                def _():
                    pltpu.async_copy(src.at[rowbuf.at[g1 + 2]], gbuf1, gsem1)
                return 0
            lax.fori_loop(0, _CH // 2, _el, 0)
            plsc.subcore_barrier()

            def _dr(j, _):
                rb = base + j * _SC
                pltpu.sync_copy(accS.at[pl.ds(rb, _SC)], sbuf)

                def _dn(n, _n):
                    nn = j * _SC + n
                    i16 = jnp.zeros((16,), jnp.int32) + nn
                    sp2 = plsc.load_gather(dis2b, [i16])
                    for r in range(4):
                        sl = pl.ds(r * 16, 16)
                        sbuf[n, sl] = sbuf[n, sl] * sp2
                    return 0
                lax.fori_loop(0, _SC, _dn, 0)
                pltpu.sync_copy(sbuf, dst.at[pl.ds(c * _NP + rb, _SC)])
                return 0
            lax.fori_loop(0, _NODES_T // _SC, _dr, 0)
            plsc.subcore_barrier()

    return sc_propagate


_sc_propagate = _make_sc_propagate()


def _tc_body(x_ref, p10, p11, p20, p21, p30, p31, s3_ref, w_ref, b_ref, o_ref):
    acc = jnp.dot(x_ref[...], w_ref[0], preferred_element_type=jnp.float32)
    s3v = s3_ref[...]
    for k, (pa, pb) in enumerate(((p10, p11), (p20, p21), (p30, p31)), start=1):
        t = jnp.dot(pa[...], w_ref[k, :_H, :], preferred_element_type=jnp.float32)
        t = t + jnp.dot(pb[...], w_ref[k, _H:, :], preferred_element_type=jnp.float32)
        acc = acc + t * s3v
    o_ref[...] = jnp.maximum(acc + b_ref[...], 0.0)


_BLK = 640


def _tc_combine(xpad, p1, p2, p3, s3r, Ws, bias2):
    nblk = _NP // _BLK
    phalf = lambda off: pl.BlockSpec((_BLK, _H), lambda i, o=off: (i + o, 0))
    return pl.pallas_call(
        _tc_body,
        grid=(nblk,),
        in_specs=[
            pl.BlockSpec((_BLK, _D), lambda i: (i, 0)),
            phalf(0), phalf(nblk),
            phalf(0), phalf(nblk),
            phalf(0), phalf(nblk),
            pl.BlockSpec((_BLK, 1), lambda i: (i, 0)),
            pl.BlockSpec((4, _D, _D), lambda i: (0, 0, 0)),
            pl.BlockSpec((1, _D), lambda i: (0, 0)),
        ],
        out_specs=pl.BlockSpec((_BLK, _D), lambda i: (i, 0)),
        out_shape=jax.ShapeDtypeStruct((_NP, _D), jnp.float32),
    )(xpad, p1, p1, p2, p2, p3, p3, s3r, Ws, bias2)


def kernel(x, edge_index, edge_attr, batch, Ws, bias):
    f32 = jnp.float32
    row = edge_index[0].astype(jnp.int32)
    col = edge_index[1].astype(jnp.int32)
    padv = jnp.full((_NE_PAD - _NE,), _NP - 1, jnp.int32)
    rowp = jnp.concatenate([row, padv])
    colp = jnp.concatenate([col, padv])
    row2 = jnp.stack([rowp, rowp + _NP]).reshape(2 * _NT * _CH, _CB)
    col3 = colp.reshape(_NT * _CH, _CB)
    x = x.astype(f32)
    x2 = (jnp.zeros((2 * _NP, _H), f32)
          .at[:_N].set(x[:, :_H])
          .at[_NP:_NP + _N].set(x[:, _H:]))

    p0, p1, p2, p3, s3 = _sc_propagate(x2, row2, col3)

    xpad = jnp.zeros((_NP, _D), f32).at[:_N].set(x)
    out = _tc_combine(xpad, p1, p2, p3, s3.reshape(_NP, 1),
                      Ws.astype(f32), bias.astype(f32).reshape(1, _D))
    return out[:_N]

# --- scband reference (transcript-rebuilt; emitter-appended) ---
"""Pipeline reference for scband-tagconv-module-13271448944811 (READ-ONLY COPY).

The authoritative reference and input builder live on the scoring server;
editing this copy changes nothing except your own understanding.
"""

import jax, jax.numpy as jnp
import numpy as np

N_NODES = 10000
N_EDGES = 320000
D_IN = 128
D_OUT = 128
K = 3


def setup_inputs(seed: int = 0) -> dict:
    key = jax.random.key(seed)
    k1, k2, k3, k4, k5 = jax.random.split(key, 5)
    x = jax.random.normal(k1, (N_NODES, D_IN), dtype=jnp.float32)
    edge_index = jax.random.randint(k2, (2, N_EDGES), 0, N_NODES, dtype=jnp.int64)
    edge_attr = jax.random.normal(k3, (N_EDGES, 16), dtype=jnp.float32)
    batch = jnp.zeros((N_NODES,), dtype=jnp.int64)
    # TAGConv has K+1 linear layers (no per-layer bias) plus one shared bias
    Ws = jax.random.normal(k4, (K + 1, D_IN, D_OUT), dtype=jnp.float32) * (1.0 / np.sqrt(D_IN))
    bias = jax.random.normal(k5, (D_OUT,), dtype=jnp.float32) * 0.01
    return {"x": x, "edge_index": edge_index, "edge_attr": edge_attr, "batch": batch, "Ws": Ws, "bias": bias}


def reference(x, edge_index, edge_attr, batch, Ws, bias):
    # TAGConv: out = sum_{k=0..K} (A_hat^k x) W_k + bias, A_hat = D^-1/2 A D^-1/2 (no self-loops)
    row = edge_index[0]
    col = edge_index[1]
    n = x.shape[0]
    edge_weight = jnp.ones((row.shape[0],), dtype=x.dtype)
    deg = jnp.zeros((n,), dtype=x.dtype).at[col].add(edge_weight)
    deg_inv_sqrt = jnp.where(deg > 0, deg ** -0.5, 0.0)
    norm = deg_inv_sqrt[row] * edge_weight * deg_inv_sqrt[col]
    out = x @ Ws[0]
    h = x
    for k in range(1, K + 1):
        msg = h[row] * norm[:, None]
        h = jnp.zeros_like(h).at[col].add(msg)
        out = out + h @ Ws[k]
    out = out + bias
    # dropout p=0.0 -> identity; activation == 'ReLU'
    out = jax.nn.relu(out)
    return out

if __name__ == "__main__":
    import jax
    _d = setup_inputs()
    print(jax.jit(kernel)(*tuple(_d.values())))

</pallas_src>

<mosaic_0001>
#map = affine_map<(d0, d1) -> (0, 0)>
#map1 = affine_map<(d0, d1) -> (0)>
module attributes {stable_mosaic.version = 14 : i64} {
  func.func @sc_propagate(%arg0: i32, %arg1: i32, %arg2: memref<20480x64xf32, #tpu.memory_space<hbm>>, %arg3: memref<5120x128xi32, #tpu.memory_space<hbm>>, %arg4: memref<2560x128xi32, #tpu.memory_space<hbm>>, %arg5: memref<20480x64xf32, #tpu.memory_space<hbm>>, %arg6: memref<20480x64xf32, #tpu.memory_space<hbm>>, %arg7: memref<20480x64xf32, #tpu.memory_space<hbm>>, %arg8: memref<20480x64xf32, #tpu.memory_space<hbm>>, %arg9: memref<10240xf32, #tpu.memory_space<hbm>>, %arg10: memref<160x128xi32, #tpu.memory_space<vmem>>, %arg11: memref<160x128xi32, #tpu.memory_space<vmem>>, %arg12: memref<128x64xf32, #tpu.memory_space<vmem>>, %arg13: memref<128x64xf32, #tpu.memory_space<vmem>>, %arg14: memref<160x64xf32, #tpu.memory_space<vmem>>, %arg15: memref<32x64xf32, #tpu.memory_space<vmem>>, %arg16: memref<16x10x64xf32, #tpu.memory_space<vmem>>, %arg17: memref<640xf32, #tpu.memory_space<vmem>>, %arg18: memref<640xf32, #tpu.memory_space<vmem>>, %arg19: memref<640xf32, #tpu.memory_space<vmem>>, %arg20: memref<10240x64xf32, #tpu.memory_space<vmem_shared>>, %arg21: memref<!tpu.dma_semaphore, #tpu.memory_space<semaphore_mem>>, %arg22: memref<!tpu.dma_semaphore, #tpu.memory_space<semaphore_mem>>) attributes {dimension_semantics = [#tpu.dimension_semantics<core_parallel>, #tpu.dimension_semantics<subcore_parallel>], iteration_bounds = array<i64: 2, 16>, scalar_prefetch = 0 : i64, scratch_operands = 13 : i64, tpu.core_type = #tpu.core_type<sc_vector_subcore>, window_params = [{transform_indices = #map}, {transform_indices = #map}, {transform_indices = #map}, {transform_indices = #map}, {transform_indices = #map}, {transform_indices = #map}, {transform_indices = #map}, {transform_indices = #map1}]} {
    %mul3A = arith.constant 640 : i32
    %mul3A_0 = arith.muli %arg1, %mul3A : i32
    %broadcast_in_dim3A = arith.constant 0.000000e+00 : f32
    %broadcast_in_dim3A_1 = vector.broadcast %broadcast_in_dim3A : f32 to vector<16xf32>
    %mul3A_2 = arith.constant 160 : i32
    %mul3A_3 = arith.muli %arg1, %mul3A_2 : i32
    %mul3A_4 = arith.constant 2560 : i32
    %mul3A_5 = arith.muli %arg0, %mul3A_4 : i32
    %add3A = arith.addi %mul3A_5, %mul3A_3 : i32
    "tpu.region"() ({
      %run_scoped3A_240 = tpu.sem_alloc : memref<!tpu.dma_semaphore, #tpu.memory_space<semaphore_mem>>
      %dma_start3A_241 = arith.constant 0 : i32
      %dma_start3A_242 = tpu.memref_slice %arg3[%add3A, %dma_start3A_241] : memref<5120x128xi32, #tpu.memory_space<hbm>> -> memref<160x128xi32, #tpu.memory_space<hbm>>
      %dma_start3A_243 = arith.constant 0 : i32
      %dma_start3A_244 = tpu.memref_slice %arg3[%add3A, %dma_start3A_243] : memref<5120x128xi32, #tpu.memory_space<hbm>> -> memref<160x128xi32, #tpu.memory_space<hbm>>
      tpu.enqueue_dma source(%dma_start3A_244 : memref<160x128xi32, #tpu.memory_space<hbm>>) target(%arg10 : memref<160x128xi32, #tpu.memory_space<vmem>>) target_semaphore(%run_scoped3A_240 : memref<!tpu.dma_semaphore, #tpu.memory_space<semaphore_mem>>)
      %dma_wait3A = arith.constant 0 : i32
      %dma_wait3A_245 = tpu.memref_slice %arg3[%add3A, %dma_wait3A] : memref<5120x128xi32, #tpu.memory_space<hbm>> -> memref<160x128xi32, #tpu.memory_space<hbm>>
      %dma_wait3A_246 = arith.constant 0 : i32
      %dma_wait3A_247 = tpu.memref_slice %arg3[%add3A, %dma_wait3A_246] : memref<5120x128xi32, #tpu.memory_space<hbm>> -> memref<160x128xi32, #tpu.memory_space<hbm>>
      tpu.wait_dma2 semaphore(%run_scoped3A_240 : memref<!tpu.dma_semaphore, #tpu.memory_space<semaphore_mem>>) src(%dma_wait3A_247 : memref<160x128xi32, #tpu.memory_space<hbm>>) dst(%arg10 : memref<160x128xi32, #tpu.memory_space<vmem>>)
      tpu.yield
    }) : () -> ()
    "tpu.region"() ({
      %run_scoped3A_240 = tpu.sem_alloc : memref<!tpu.dma_semaphore, #tpu.memory_space<semaphore_mem>>
      %dma_start3A_241 = arith.constant 0 : i32
      %dma_start3A_242 = tpu.memref_slice %arg4[%mul3A_3, %dma_start3A_241] : memref<2560x128xi32, #tpu.memory_space<hbm>> -> memref<160x128xi32, #tpu.memory_space<hbm>>
      %dma_start3A_243 = arith.constant 0 : i32
      %dma_start3A_244 = tpu.memref_slice %arg4[%mul3A_3, %dma_start3A_243] : memref<2560x128xi32, #tpu.memory_space<hbm>> -> memref<160x128xi32, #tpu.memory_space<hbm>>
      tpu.enqueue_dma source(%dma_start3A_244 : memref<160x128xi32, #tpu.memory_space<hbm>>) target(%arg11 : memref<160x128xi32, #tpu.memory_space<vmem>>) target_semaphore(%run_scoped3A_240 : memref<!tpu.dma_semaphore, #tpu.memory_space<semaphore_mem>>)
      %dma_wait3A = arith.constant 0 : i32
      %dma_wait3A_245 = tpu.memref_slice %arg4[%mul3A_3, %dma_wait3A] : memref<2560x128xi32, #tpu.memory_space<hbm>> -> memref<160x128xi32, #tpu.memory_space<hbm>>
      %dma_wait3A_246 = arith.constant 0 : i32
      %dma_wait3A_247 = tpu.memref_slice %arg4[%mul3A_3, %dma_wait3A_246] : memref<2560x128xi32, #tpu.memory_space<hbm>> -> memref<160x128xi32, #tpu.memory_space<hbm>>
      tpu.wait_dma2 semaphore(%run_scoped3A_240 : memref<!tpu.dma_semaphore, #tpu.memory_space<semaphore_mem>>) src(%dma_wait3A_247 : memref<160x128xi32, #tpu.memory_space<hbm>>) dst(%arg11 : memref<160x128xi32, #tpu.memory_space<vmem>>)
      tpu.yield
    }) : () -> ()
    %scan3A = arith.constant 0 : i32
    %scan3A_6 = arith.constant 0 : i32
    %scan3A_7 = arith.constant 32 : i32
    %scan3A_8 = arith.addi %scan3A_6, %scan3A_7 : i32
    %scan3A_9 = arith.constant 1 : i32
    %scan3A_10 = scf.for %scan3A_240 = %scan3A_6 to %scan3A_8 step %scan3A_9 iter_args(%scan3A_241 = %scan3A) -> (i32)  : i32 {
      %swap3A = arith.index_cast %scan3A_240 : i32 to index
      %swap3A_242 = arith.constant 0 : index
      %swap3A_243 = tpu.vector_load %arg15[%swap3A, %swap3A_242] {strides = array<i32>} : memref<32x64xf32, #tpu.memory_space<vmem>>, vector<16xf32>,
      tpu.vector_store %arg15[%swap3A, %swap3A_242], %broadcast_in_dim3A_1 {strides = array<i32>} : memref<32x64xf32, #tpu.memory_space<vmem>>, vector<16xf32>,
      %swap3A_244 = arith.index_cast %scan3A_240 : i32 to index
      %swap3A_245 = arith.constant 16 : index
      %swap3A_246 = tpu.vector_load %arg15[%swap3A_244, %swap3A_245] {strides = array<i32>} : memref<32x64xf32, #tpu.memory_space<vmem>>, vector<16xf32>,
      tpu.vector_store %arg15[%swap3A_244, %swap3A_245], %broadcast_in_dim3A_1 {strides = array<i32>} : memref<32x64xf32, #tpu.memory_space<vmem>>, vector<16xf32>,
      %swap3A_247 = arith.index_cast %scan3A_240 : i32 to index
      %swap3A_248 = arith.constant 32 : index
      %swap3A_249 = tpu.vector_load %arg15[%swap3A_247, %swap3A_248] {strides = array<i32>} : memref<32x64xf32, #tpu.memory_space<vmem>>, vector<16xf32>,
      tpu.vector_store %arg15[%swap3A_247, %swap3A_248], %broadcast_in_dim3A_1 {strides = array<i32>} : memref<32x64xf32, #tpu.memory_space<vmem>>, vector<16xf32>,
      %swap3A_250 = arith.index_cast %scan3A_240 : i32 to index
      %swap3A_251 = arith.constant 48 : index
      %swap3A_252 = tpu.vector_load %arg15[%swap3A_250, %swap3A_251] {strides = array<i32>} : memref<32x64xf32, #tpu.memory_space<vmem>>, vector<16xf32>,
      tpu.vector_store %arg15[%swap3A_250, %swap3A_251], %broadcast_in_dim3A_1 {strides = array<i32>} : memref<32x64xf32, #tpu.memory_space<vmem>>, vector<16xf32>,
      %scan3A_253 = arith.constant 0 : i32
      scf.yield %scan3A_253 : i32
    }
    %scan3A_11 = arith.constant 32 : i32
    %scan3A_12 = arith.constant 0 : i32
    %scan3A_13 = arith.constant 0 : i32
    %scan3A_14 = arith.constant 160 : i32
    %scan3A_15 = arith.addi %scan3A_13, %scan3A_14 : i32
    %scan3A_16 = arith.constant 1 : i32
    %scan3A_17 = scf.for %scan3A_240 = %scan3A_13 to %scan3A_15 step %scan3A_16 iter_args(%scan3A_241 = %scan3A_12) -> (i32)  : i32 {
      %swap3A = arith.index_cast %scan3A_240 : i32 to index
      %swap3A_242 = arith.constant 0 : index
      %swap3A_243 = tpu.vector_load %arg14[%swap3A, %swap3A_242] {strides = array<i32>} : memref<160x64xf32, #tpu.memory_space<vmem>>, vector<16xf32>,
      tpu.vector_store %arg14[%swap3A, %swap3A_242], %broadcast_in_dim3A_1 {strides = array<i32>} : memref<160x64xf32, #tpu.memory_space<vmem>>, vector<16xf32>,
      %swap3A_244 = arith.index_cast %scan3A_240 : i32 to index
      %swap3A_245 = arith.constant 16 : index
      %swap3A_246 = tpu.vector_load %arg14[%swap3A_244, %swap3A_245] {strides = array<i32>} : memref<160x64xf32, #tpu.memory_space<vmem>>, vector<16xf32>,
      tpu.vector_store %arg14[%swap3A_244, %swap3A_245], %broadcast_in_dim3A_1 {strides = array<i32>} : memref<160x64xf32, #tpu.memory_space<vmem>>, vector<16xf32>,
      %swap3A_247 = arith.index_cast %scan3A_240 : i32 to index
      %swap3A_248 = arith.constant 32 : index
      %swap3A_249 = tpu.vector_load %arg14[%swap3A_247, %swap3A_248] {strides = array<i32>} : memref<160x64xf32, #tpu.memory_space<vmem>>, vector<16xf32>,
      tpu.vector_store %arg14[%swap3A_247, %swap3A_248], %broadcast_in_dim3A_1 {strides = array<i32>} : memref<160x64xf32, #tpu.memory_space<vmem>>, vector<16xf32>,
      %swap3A_250 = arith.index_cast %scan3A_240 : i32 to index
      %swap3A_251 = arith.constant 48 : index
      %swap3A_252 = tpu.vector_load %arg14[%swap3A_250, %swap3A_251] {strides = array<i32>} : memref<160x64xf32, #tpu.memory_space<vmem>>, vector<16xf32>,
      tpu.vector_store %arg14[%swap3A_250, %swap3A_251], %broadcast_in_dim3A_1 {strides = array<i32>} : memref<160x64xf32, #tpu.memory_space<vmem>>, vector<16xf32>,
      %scan3A_253 = arith.constant 0 : i32
      scf.yield %scan3A_253 : i32
    }
    %scan3A_18 = arith.constant 160 : i32
    %broadcast_in_dim3A_19 = arith.constant 1.000000e+00 : f32
    %broadcast_in_dim3A_20 = vector.broadcast %broadcast_in_dim3A_19 : f32 to vector<16xf32>
    %scan3A_21 = arith.constant 0 : i32
    %scan3A_22 = arith.constant 0 : i32
    %scan3A_23 = arith.constant 160 : i32
    %scan3A_24 = arith.addi %scan3A_22, %scan3A_23 : i32
    %scan3A_25 = arith.constant 1 : i32
    %scan3A_26 = scf.for %scan3A_240 = %scan3A_22 to %scan3A_24 step %scan3A_25 iter_args(%scan3A_241 = %scan3A_21) -> (i32)  : i32 {
      %get3A = arith.index_cast %scan3A_240 : i32 to index
      %get3A_242 = arith.constant 0 : index
      %get3A_243 = tpu.vector_load %arg11[%get3A, %get3A_242] {strides = array<i32>} : memref<160x128xi32, #tpu.memory_space<vmem>>, vector<16xi32>,
      %shift_right_arithmetic3A = arith.constant 6 : i32
      %shift_right_arithmetic3A_244 = vector.broadcast %shift_right_arithmetic3A : i32 to vector<16xi32>
      %shift_right_arithmetic3A_245 = arith.shrsi %get3A_243, %shift_right_arithmetic3A_244 : vector<16xi32>
      %and3A = arith.constant 63 : i32
      %and3A_246 = vector.broadcast %and3A : i32 to vector<16xi32>
      %and3A_247 = arith.andi %get3A_243, %and3A_246 : vector<16xi32>
      tpu.vector_store_idx %arg14[%shift_right_arithmetic3A_245, %and3A_247], %broadcast_in_dim3A_20 {add = true} : memref<160x64xf32, #tpu.memory_space<vmem>>[vector<16xi32>, vector<16xi32>], vector<16xf32>,
      %get3A_248 = arith.index_cast %scan3A_240 : i32 to index
      %get3A_249 = arith.constant 16 : index
      %get3A_250 = tpu.vector_load %arg11[%get3A_248, %get3A_249] {strides = array<i32>} : memref<160x128xi32, #tpu.memory_space<vmem>>, vector<16xi32>,
      %shift_right_arithmetic3A_251 = arith.constant 6 : i32
      %shift_right_arithmetic3A_252 = vector.broadcast %shift_right_arithmetic3A_251 : i32 to vector<16xi32>
      %shift_right_arithmetic3A_253 = arith.shrsi %get3A_250, %shift_right_arithmetic3A_252 : vector<16xi32>
      %and3A_254 = arith.constant 63 : i32
      %and3A_255 = vector.broadcast %and3A_254 : i32 to vector<16xi32>
      %and3A_256 = arith.andi %get3A_250, %and3A_255 : vector<16xi32>
      tpu.vector_store_idx %arg14[%shift_right_arithmetic3A_253, %and3A_256], %broadcast_in_dim3A_20 {add = true} : memref<160x64xf32, #tpu.memory_space<vmem>>[vector<16xi32>, vector<16xi32>], vector<16xf32>,
      %get3A_257 = arith.index_cast %scan3A_240 : i32 to index
      %get3A_258 = arith.constant 32 : index
      %get3A_259 = tpu.vector_load %arg11[%get3A_257, %get3A_258] {strides = array<i32>} : memref<160x128xi32, #tpu.memory_space<vmem>>, vector<16xi32>,
      %shift_right_arithmetic3A_260 = arith.constant 6 : i32
      %shift_right_arithmetic3A_261 = vector.broadcast %shift_right_arithmetic3A_260 : i32 to vector<16xi32>
      %shift_right_arithmetic3A_262 = arith.shrsi %get3A_259, %shift_right_arithmetic3A_261 : vector<16xi32>
      %and3A_263 = arith.constant 63 : i32
      %and3A_264 = vector.broadcast %and3A_263 : i32 to vector<16xi32>
      %and3A_265 = arith.andi %get3A_259, %and3A_264 : vector<16xi32>
      tpu.vector_store_idx %arg14[%shift_right_arithmetic3A_262, %and3A_265], %broadcast_in_dim3A_20 {add = true} : memref<160x64xf32, #tpu.memory_space<vmem>>[vector<16xi32>, vector<16xi32>], vector<16xf32>,
      %get3A_266 = arith.index_cast %scan3A_240 : i32 to index
      %get3A_267 = arith.constant 48 : index
      %get3A_268 = tpu.vector_load %arg11[%get3A_266, %get3A_267] {strides = array<i32>} : memref<160x128xi32, #tpu.memory_space<vmem>>, vector<16xi32>,
      %shift_right_arithmetic3A_269 = arith.constant 6 : i32
      %shift_right_arithmetic3A_270 = vector.broadcast %shift_right_arithmetic3A_269 : i32 to vector<16xi32>
      %shift_right_arithmetic3A_271 = arith.shrsi %get3A_268, %shift_right_arithmetic3A_270 : vector<16xi32>
      %and3A_272 = arith.constant 63 : i32
      %and3A_273 = vector.broadcast %and3A_272 : i32 to vector<16xi32>
      %and3A_274 = arith.andi %get3A_268, %and3A_273 : vector<16xi32>
      tpu.vector_store_idx %arg14[%shift_right_arithmetic3A_271, %and3A_274], %broadcast_in_dim3A_20 {add = true} : memref<160x64xf32, #tpu.memory_space<vmem>>[vector<16xi32>, vector<16xi32>], vector<16xf32>,
      %get3A_275 = arith.index_cast %scan3A_240 : i32 to index
      %get3A_276 = arith.constant 64 : index
      %get3A_277 = tpu.vector_load %arg11[%get3A_275, %get3A_276] {strides = array<i32>} : memref<160x128xi32, #tpu.memory_space<vmem>>, vector<16xi32>,
      %shift_right_arithmetic3A_278 = arith.constant 6 : i32
      %shift_right_arithmetic3A_279 = vector.broadcast %shift_right_arithmetic3A_278 : i32 to vector<16xi32>
      %shift_right_arithmetic3A_280 = arith.shrsi %get3A_277, %shift_right_arithmetic3A_279 : vector<16xi32>
      %and3A_281 = arith.constant 63 : i32
      %and3A_282 = vector.broadcast %and3A_281 : i32 to vector<16xi32>
      %and3A_283 = arith.andi %get3A_277, %and3A_282 : vector<16xi32>
      tpu.vector_store_idx %arg14[%shift_right_arithmetic3A_280, %and3A_283], %broadcast_in_dim3A_20 {add = true} : memref<160x64xf32, #tpu.memory_space<vmem>>[vector<16xi32>, vector<16xi32>], vector<16xf32>,
      %get3A_284 = arith.index_cast %scan3A_240 : i32 to index
      %get3A_285 = arith.constant 80 : index
      %get3A_286 = tpu.vector_load %arg11[%get3A_284, %get3A_285] {strides = array<i32>} : memref<160x128xi32, #tpu.memory_space<vmem>>, vector<16xi32>,
      %shift_right_arithmetic3A_287 = arith.constant 6 : i32
      %shift_right_arithmetic3A_288 = vector.broadcast %shift_right_arithmetic3A_287 : i32 to vector<16xi32>
      %shift_right_arithmetic3A_289 = arith.shrsi %get3A_286, %shift_right_arithmetic3A_288 : vector<16xi32>
      %and3A_290 = arith.constant 63 : i32
      %and3A_291 = vector.broadcast %and3A_290 : i32 to vector<16xi32>
      %and3A_292 = arith.andi %get3A_286, %and3A_291 : vector<16xi32>
      tpu.vector_store_idx %arg14[%shift_right_arithmetic3A_289, %and3A_292], %broadcast_in_dim3A_20 {add = true} : memref<160x64xf32, #tpu.memory_space<vmem>>[vector<16xi32>, vector<16xi32>], vector<16xf32>,
      %get3A_293 = arith.index_cast %scan3A_240 : i32 to index
      %get3A_294 = arith.constant 96 : index
      %get3A_295 = tpu.vector_load %arg11[%get3A_293, %get3A_294] {strides = array<i32>} : memref<160x128xi32, #tpu.memory_space<vmem>>, vector<16xi32>,
      %shift_right_arithmetic3A_296 = arith.constant 6 : i32
      %shift_right_arithmetic3A_297 = vector.broadcast %shift_right_arithmetic3A_296 : i32 to vector<16xi32>
      %shift_right_arithmetic3A_298 = arith.shrsi %get3A_295, %shift_right_arithmetic3A_297 : vector<16xi32>
      %and3A_299 = arith.constant 63 : i32
      %and3A_300 = vector.broadcast %and3A_299 : i32 to vector<16xi32>
      %and3A_301 = arith.andi %get3A_295, %and3A_300 : vector<16xi32>
      tpu.vector_store_idx %arg14[%shift_right_arithmetic3A_298, %and3A_301], %broadcast_in_dim3A_20 {add = true} : memref<160x64xf32, #tpu.memory_space<vmem>>[vector<16xi32>, vector<16xi32>], vector<16xf32>,
      %get3A_302 = arith.index_cast %scan3A_240 : i32 to index
      %get3A_303 = arith.constant 112 : index
      %get3A_304 = tpu.vector_load %arg11[%get3A_302, %get3A_303] {strides = array<i32>} : memref<160x128xi32, #tpu.memory_space<vmem>>, vector<16xi32>,
      %shift_right_arithmetic3A_305 = arith.constant 6 : i32
      %shift_right_arithmetic3A_306 = vector.broadcast %shift_right_arithmetic3A_305 : i32 to vector<16xi32>
      %shift_right_arithmetic3A_307 = arith.shrsi %get3A_304, %shift_right_arithmetic3A_306 : vector<16xi32>
      %and3A_308 = arith.constant 63 : i32
      %and3A_309 = vector.broadcast %and3A_308 : i32 to vector<16xi32>
      %and3A_310 = arith.andi %get3A_304, %and3A_309 : vector<16xi32>
      tpu.vector_store_idx %arg14[%shift_right_arithmetic3A_307, %and3A_310], %broadcast_in_dim3A_20 {add = true} : memref<160x64xf32, #tpu.memory_space<vmem>>[vector<16xi32>, vector<16xi32>], vector<16xf32>,
      %scan3A_311 = arith.constant 0 : i32
      scf.yield %scan3A_311 : i32
    }
    %scan3A_27 = arith.constant 160 : i32
    %mul3A_28 = arith.constant 160 : i32
    %mul3A_29 = arith.muli %arg1, %mul3A_28 : i32
    "tpu.region"() ({
      %run_scoped3A_240 = tpu.sem_alloc : memref<!tpu.dma_semaphore, #tpu.memory_space<semaphore_mem>>
      %dma_start3A_241 = arith.constant 0 : i32
      %dma_start3A_242 = tpu.memref_slice %arg20[%mul3A_29, %dma_start3A_241] : memref<10240x64xf32, #tpu.memory_space<vmem_shared>> -> memref<160x64xf32, #tpu.memory_space<vmem_shared>>
      %dma_start3A_243 = arith.constant 0 : i32
      %dma_start3A_244 = tpu.memref_slice %arg20[%mul3A_29, %dma_start3A_243] : memref<10240x64xf32, #tpu.memory_space<vmem_shared>> -> memref<160x64xf32, #tpu.memory_space<vmem_shared>>
      tpu.enqueue_dma source(%arg14 : memref<160x64xf32, #tpu.memory_space<vmem>>) target(%dma_start3A_244 : memref<160x64xf32, #tpu.memory_space<vmem_shared>>) target_semaphore(%run_scoped3A_240 : memref<!tpu.dma_semaphore, #tpu.memory_space<semaphore_mem>>)
      %dma_wait3A = arith.constant 0 : i32
      %dma_wait3A_245 = tpu.memref_slice %arg20[%mul3A_29, %dma_wait3A] : memref<10240x64xf32, #tpu.memory_space<vmem_shared>> -> memref<160x64xf32, #tpu.memory_space<vmem_shared>>
      %dma_wait3A_246 = arith.constant 0 : i32
      %dma_wait3A_247 = tpu.memref_slice %arg20[%mul3A_29, %dma_wait3A_246] : memref<10240x64xf32, #tpu.memory_space<vmem_shared>> -> memref<160x64xf32, #tpu.memory_space<vmem_shared>>
      tpu.wait_dma2 semaphore(%run_scoped3A_240 : memref<!tpu.dma_semaphore, #tpu.memory_space<semaphore_mem>>) src(%arg14 : memref<160x64xf32, #tpu.memory_space<vmem>>) dst(%dma_wait3A_247 : memref<160x64xf32, #tpu.memory_space<vmem_shared>>)
      tpu.yield
    }) : () -> ()
    %barrier3A = arith.constant 0 : index
    tpu.barrier barrier_id(%barrier3A)
    %mul3A_30 = arith.constant 10 : i32
    %mul3A_31 = arith.muli %arg1, %mul3A_30 : i32
    %add3A_32 = arith.constant 0 : i32
    %add3A_33 = arith.addi %add3A_32, %mul3A_31 : i32
    %run_scoped3A = arith.constant 0 : i32
    "tpu.region"() ({
      %run_scoped3A_240 = tpu.sem_alloc : memref<!tpu.dma_semaphore, #tpu.memory_space<semaphore_mem>>
      %dma_start3A_241 = arith.constant 0 : i32
      %dma_start3A_242 = arith.constant 0 : i32
      %dma_start3A_243 = tpu.memref_slice %arg16[%run_scoped3A, %dma_start3A_241, %dma_start3A_242] : memref<16x10x64xf32, #tpu.memory_space<vmem>> -> memref<1x10x64xf32, #tpu.memory_space<vmem>>
      %dma_start3A_244 = tpu.memref_squeeze %dma_start3A_243 : memref<1x10x64xf32, #tpu.memory_space<vmem>> -> memref<10x64xf32, #tpu.memory_space<vmem>>
      %dma_start3A_245 = arith.constant 0 : i32
      %dma_start3A_246 = tpu.memref_slice %arg20[%add3A_33, %dma_start3A_245] : memref<10240x64xf32, #tpu.memory_space<vmem_shared>> -> memref<10x64xf32, #tpu.memory_space<vmem_shared>>
      %dma_start3A_247 = arith.constant 0 : i32
      %dma_start3A_248 = arith.constant 0 : i32
      %dma_start3A_249 = tpu.memref_slice %arg16[%run_scoped3A, %dma_start3A_247, %dma_start3A_248] : memref<16x10x64xf32, #tpu.memory_space<vmem>> -> memref<1x10x64xf32, #tpu.memory_space<vmem>>
      %dma_start3A_250 = tpu.memref_squeeze %dma_start3A_249 : memref<1x10x64xf32, #tpu.memory_space<vmem>> -> memref<10x64xf32, #tpu.memory_space<vmem>>
      %dma_start3A_251 = arith.constant 0 : i32
      %dma_start3A_252 = tpu.memref_slice %arg20[%add3A_33, %dma_start3A_251] : memref<10240x64xf32, #tpu.memory_space<vmem_shared>> -> memref<10x64xf32, #tpu.memory_space<vmem_shared>>
      tpu.enqueue_dma source(%dma_start3A_252 : memref<10x64xf32, #tpu.memory_space<vmem_shared>>) target(%dma_start3A_250 : memref<10x64xf32, #tpu.memory_space<vmem>>) target_semaphore(%run_scoped3A_240 : memref<!tpu.dma_semaphore, #tpu.memory_space<semaphore_mem>>)
      %dma_wait3A = arith.constant 0 : i32
      %dma_wait3A_253 = arith.constant 0 : i32
      %dma_wait3A_254 = tpu.memref_slice %arg16[%run_scoped3A, %dma_wait3A, %dma_wait3A_253] : memref<16x10x64xf32, #tpu.memory_space<vmem>> -> memref<1x10x64xf32, #tpu.memory_space<vmem>>
      %dma_wait3A_255 = tpu.memref_squeeze %dma_wait3A_254 : memref<1x10x64xf32, #tpu.memory_space<vmem>> -> memref<10x64xf32, #tpu.memory_space<vmem>>
      %dma_wait3A_256 = arith.constant 0 : i32
      %dma_wait3A_257 = tpu.memref_slice %arg20[%add3A_33, %dma_wait3A_256] : memref<10240x64xf32, #tpu.memory_space<vmem_shared>> -> memref<10x64xf32, #tpu.memory_space<vmem_shared>>
      %dma_wait3A_258 = arith.constant 0 : i32
      %dma_wait3A_259 = arith.constant 0 : i32
      %dma_wait3A_260 = tpu.memref_slice %arg16[%run_scoped3A, %dma_wait3A_258, %dma_wait3A_259] : memref<16x10x64xf32, #tpu.memory_space<vmem>> -> memref<1x10x64xf32, #tpu.memory_space<vmem>>
      %dma_wait3A_261 = tpu.memref_squeeze %dma_wait3A_260 : memref<1x10x64xf32, #tpu.memory_space<vmem>> -> memref<10x64xf32, #tpu.memory_space<vmem>>
      %dma_wait3A_262 = arith.constant 0 : i32
      %dma_wait3A_263 = tpu.memref_slice %arg20[%add3A_33, %dma_wait3A_262] : memref<10240x64xf32, #tpu.memory_space<vmem_shared>> -> memref<10x64xf32, #tpu.memory_space<vmem_shared>>
      tpu.wait_dma2 semaphore(%run_scoped3A_240 : memref<!tpu.dma_semaphore, #tpu.memory_space<semaphore_mem>>) src(%dma_wait3A_263 : memref<10x64xf32, #tpu.memory_space<vmem_shared>>) dst(%dma_wait3A_261 : memref<10x64xf32, #tpu.memory_space<vmem>>)
      tpu.yield
    }) : () -> ()
    %mul3A_34 = arith.constant 10 : i32
    %mul3A_35 = arith.muli %arg1, %mul3A_34 : i32
    %add3A_36 = arith.constant 160 : i32
    %add3A_37 = arith.addi %add3A_36, %mul3A_35 : i32
    %run_scoped3A_38 = arith.constant 1 : i32
    "tpu.region"() ({
      %run_scoped3A_240 = tpu.sem_alloc : memref<!tpu.dma_semaphore, #tpu.memory_space<semaphore_mem>>
      %dma_start3A_241 = arith.constant 0 : i32
      %dma_start3A_242 = arith.constant 0 : i32
      %dma_start3A_243 = tpu.memref_slice %arg16[%run_scoped3A_38, %dma_start3A_241, %dma_start3A_242] : memref<16x10x64xf32, #tpu.memory_space<vmem>> -> memref<1x10x64xf32, #tpu.memory_space<vmem>>
      %dma_start3A_244 = tpu.memref_squeeze %dma_start3A_243 : memref<1x10x64xf32, #tpu.memory_space<vmem>> -> memref<10x64xf32, #tpu.memory_space<vmem>>
      %dma_start3A_245 = arith.constant 0 : i32
      %dma_start3A_246 = tpu.memref_slice %arg20[%add3A_37, %dma_start3A_245] : memref<10240x64xf32, #tpu.memory_space<vmem_shared>> -> memref<10x64xf32, #tpu.memory_space<vmem_shared>>
      %dma_start3A_247 = arith.constant 0 : i32
      %dma_start3A_248 = arith.constant 0 : i32
      %dma_start3A_249 = tpu.memref_slice %arg16[%run_scoped3A_38, %dma_start3A_247, %dma_start3A_248] : memref<16x10x64xf32, #tpu.memory_space<vmem>> -> memref<1x10x64xf32, #tpu.memory_space<vmem>>
      %dma_start3A_250 = tpu.memref_squeeze %dma_start3A_249 : memref<1x10x64xf32, #tpu.memory_space<vmem>> -> memref<10x64xf32, #tpu.memory_space<vmem>>
      %dma_start3A_251 = arith.constant 0 : i32
      %dma_start3A_252 = tpu.memref_slice %arg20[%add3A_37, %dma_start3A_251] : memref<10240x64xf32, #tpu.memory_space<vmem_shared>> -> memref<10x64xf32, #tpu.memory_space<vmem_shared>>
      tpu.enqueue_dma source(%dma_start3A_252 : memref<10x64xf32, #tpu.memory_space<vmem_shared>>) target(%dma_start3A_250 : memref<10x64xf32, #tpu.memory_space<vmem>>) target_semaphore(%run_scoped3A_240 : memref<!tpu.dma_semaphore, #tpu.memory_space<semaphore_mem>>)
      %dma_wait3A = arith.constant 0 : i32
      %dma_wait3A_253 = arith.constant 0 : i32
      %dma_wait3A_254 = tpu.memref_slice %arg16[%run_scoped3A_38, %dma_wait3A, %dma_wait3A_253] : memref<16x10x64xf32, #tpu.memory_space<vmem>> -> memref<1x10x64xf32, #tpu.memory_space<vmem>>
      %dma_wait3A_255 = tpu.memref_squeeze %dma_wait3A_254 : memref<1x10x64xf32, #tpu.memory_space<vmem>> -> memref<10x64xf32, #tpu.memory_space<vmem>>
      %dma_wait3A_256 = arith.constant 0 : i32
      %dma_wait3A_257 = tpu.memref_slice %arg20[%add3A_37, %dma_wait3A_256] : memref<10240x64xf32, #tpu.memory_space<vmem_shared>> -> memref<10x64xf32, #tpu.memory_space<vmem_shared>>
      %dma_wait3A_258 = arith.constant 0 : i32
      %dma_wait3A_259 = arith.constant 0 : i32
      %dma_wait3A_260 = tpu.memref_slice %arg16[%run_scoped3A_38, %dma_wait3A_258, %dma_wait3A_259] : memref<16x10x64xf32, #tpu.memory_space<vmem>> -> memref<1x10x64xf32, #tpu.memory_space<vmem>>
      %dma_wait3A_261 = tpu.memref_squeeze %dma_wait3A_260 : memref<1x10x64xf32, #tpu.memory_space<vmem>> -> memref<10x64xf32, #tpu.memory_space<vmem>>
      %dma_wait3A_262 = arith.constant 0 : i32
      %dma_wait3A_263 = tpu.memref_slice %arg20[%add3A_37, %dma_wait3A_262] : memref<10240x64xf32, #tpu.memory_space<vmem_shared>> -> memref<10x64xf32, #tpu.memory_space<vmem_shared>>
      tpu.wait_dma2 semaphore(%run_scoped3A_240 : memref<!tpu.dma_semaphore, #tpu.memory_space<semaphore_mem>>) src(%dma_wait3A_263 : memref<10x64xf32, #tpu.memory_space<vmem_shared>>) dst(%dma_wait3A_261 : memref<10x64xf32, #tpu.memory_space<vmem>>)
      tpu.yield
    }) : () -> ()
    %mul3A_39 = arith.constant 10 : i32
    %mul3A_40 = arith.muli %arg1, %mul3A_39 : i32
    %add3A_41 = arith.constant 320 : i32
    %add3A_42 = arith.addi %add3A_41, %mul3A_40 : i32
    %run_scoped3A_43 = arith.constant 2 : i32
    "tpu.region"() ({
      %run_scoped3A_240 = tpu.sem_alloc : memref<!tpu.dma_semaphore, #tpu.memory_space<semaphore_mem>>
      %dma_start3A_241 = arith.constant 0 : i32
      %dma_start3A_242 = arith.constant 0 : i32
      %dma_start3A_243 = tpu.memref_slice %arg16[%run_scoped3A_43, %dma_start3A_241, %dma_start3A_242] : memref<16x10x64xf32, #tpu.memory_space<vmem>> -> memref<1x10x64xf32, #tpu.memory_space<vmem>>
      %dma_start3A_244 = tpu.memref_squeeze %dma_start3A_243 : memref<1x10x64xf32, #tpu.memory_space<vmem>> -> memref<10x64xf32, #tpu.memory_space<vmem>>
      %dma_start3A_245 = arith.constant 0 : i32
      %dma_start3A_246 = tpu.memref_slice %arg20[%add3A_42, %dma_start3A_245] : memref<10240x64xf32, #tpu.memory_space<vmem_shared>> -> memref<10x64xf32, #tpu.memory_space<vmem_shared>>
      %dma_start3A_247 = arith.constant 0 : i32
      %dma_start3A_248 = arith.constant 0 : i32
      %dma_start3A_249 = tpu.memref_slice %arg16[%run_scoped3A_43, %dma_start3A_247, %dma_start3A_248] : memref<16x10x64xf32, #tpu.memory_space<vmem>> -> memref<1x10x64xf32, #tpu.memory_space<vmem>>
      %dma_start3A_250 = tpu.memref_squeeze %dma_start3A_249 : memref<1x10x64xf32, #tpu.memory_space<vmem>> -> memref<10x64xf32, #tpu.memory_space<vmem>>
      %dma_start3A_251 = arith.constant 0 : i32
      %dma_start3A_252 = tpu.memref_slice %arg20[%add3A_42, %dma_start3A_251] : memref<10240x64xf32, #tpu.memory_space<vmem_shared>> -> memref<10x64xf32, #tpu.memory_space<vmem_shared>>
      tpu.enqueue_dma source(%dma_start3A_252 : memref<10x64xf32, #tpu.memory_space<vmem_shared>>) target(%dma_start3A_250 : memref<10x64xf32, #tpu.memory_space<vmem>>) target_semaphore(%run_scoped3A_240 : memref<!tpu.dma_semaphore, #tpu.memory_space<semaphore_mem>>)
      %dma_wait3A = arith.constant 0 : i32
      %dma_wait3A_253 = arith.constant 0 : i32
      %dma_wait3A_254 = tpu.memref_slice %arg16[%run_scoped3A_43, %dma_wait3A, %dma_wait3A_253] : memref<16x10x64xf32, #tpu.memory_space<vmem>> -> memref<1x10x64xf32, #tpu.memory_space<vmem>>
      %dma_wait3A_255 = tpu.memref_squeeze %dma_wait3A_254 : memref<1x10x64xf32, #tpu.memory_space<vmem>> -> memref<10x64xf32, #tpu.memory_space<vmem>>
      %dma_wait3A_256 = arith.constant 0 : i32
      %dma_wait3A_257 = tpu.memref_slice %arg20[%add3A_42, %dma_wait3A_256] : memref<10240x64xf32, #tpu.memory_space<vmem_shared>> -> memref<10x64xf32, #tpu.memory_space<vmem_shared>>
      %dma_wait3A_258 = arith.constant 0 : i32
      %dma_wait3A_259 = arith.constant 0 : i32
      %dma_wait3A_260 = tpu.memref_slice %arg16[%run_scoped3A_43, %dma_wait3A_258, %dma_wait3A_259] : memref<16x10x64xf32, #tpu.memory_space<vmem>> -> memref<1x10x64xf32, #tpu.memory_space<vmem>>
      %dma_wait3A_261 = tpu.memref_squeeze %dma_wait3A_260 : memref<1x10x64xf32, #tpu.memory_space<vmem>> -> memref<10x64xf32, #tpu.memory_space<vmem>>
      %dma_wait3A_262 = arith.constant 0 : i32
      %dma_wait3A_263 = tpu.memref_slice %arg20[%add3A_42, %dma_wait3A_262] : memref<10240x64xf32, #tpu.memory_space<vmem_shared>> -> memref<10x64xf32, #tpu.memory_space<vmem_shared>>
      tpu.wait_dma2 semaphore(%run_scoped3A_240 : memref<!tpu.dma_semaphore, #tpu.memory_space<semaphore_mem>>) src(%dma_wait3A_263 : memref<10x64xf32, #tpu.memory_space<vmem_shared>>) dst(%dma_wait3A_261 : memref<10x64xf32, #tpu.memory_space<vmem>>)
      tpu.yield
    }) : () -> ()
    %mul3A_44 = arith.constant 10 : i32
    %mul3A_45 = arith.muli %arg1, %mul3A_44 : i32
    %add3A_46 = arith.constant 480 : i32
    %add3A_47 = arith.addi %add3A_46, %mul3A_45 : i32
    %run_scoped3A_48 = arith.constant 3 : i32
    "tpu.region"() ({
      %run_scoped3A_240 = tpu.sem_alloc : memref<!tpu.dma_semaphore, #tpu.memory_space<semaphore_mem>>
      %dma_start3A_241 = arith.constant 0 : i32
      %dma_start3A_242 = arith.constant 0 : i32
      %dma_start3A_243 = tpu.memref_slice %arg16[%run_scoped3A_48, %dma_start3A_241, %dma_start3A_242] : memref<16x10x64xf32, #tpu.memory_space<vmem>> -> memref<1x10x64xf32, #tpu.memory_space<vmem>>
      %dma_start3A_244 = tpu.memref_squeeze %dma_start3A_243 : memref<1x10x64xf32, #tpu.memory_space<vmem>> -> memref<10x64xf32, #tpu.memory_space<vmem>>
      %dma_start3A_245 = arith.constant 0 : i32
      %dma_start3A_246 = tpu.memref_slice %arg20[%add3A_47, %dma_start3A_245] : memref<10240x64xf32, #tpu.memory_space<vmem_shared>> -> memref<10x64xf32, #tpu.memory_space<vmem_shared>>
      %dma_start3A_247 = arith.constant 0 : i32
      %dma_start3A_248 = arith.constant 0 : i32
      %dma_start3A_249 = tpu.memref_slice %arg16[%run_scoped3A_48, %dma_start3A_247, %dma_start3A_248] : memref<16x10x64xf32, #tpu.memory_space<vmem>> -> memref<1x10x64xf32, #tpu.memory_space<vmem>>
      %dma_start3A_250 = tpu.memref_squeeze %dma_start3A_249 : memref<1x10x64xf32, #tpu.memory_space<vmem>> -> memref<10x64xf32, #tpu.memory_space<vmem>>
      %dma_start3A_251 = arith.constant 0 : i32
      %dma_start3A_252 = tpu.memref_slice %arg20[%add3A_47, %dma_start3A_251] : memref<10240x64xf32, #tpu.memory_space<vmem_shared>> -> memref<10x64xf32, #tpu.memory_space<vmem_shared>>
      tpu.enqueue_dma source(%dma_start3A_252 : memref<10x64xf32, #tpu.memory_space<vmem_shared>>) target(%dma_start3A_250 : memref<10x64xf32, #tpu.memory_space<vmem>>) target_semaphore(%run_scoped3A_240 : memref<!tpu.dma_semaphore, #tpu.memory_space<semaphore_mem>>)
      %dma_wait3A = arith.constant 0 : i32
      %dma_wait3A_253 = arith.constant 0 : i32
      %dma_wait3A_254 = tpu.memref_slice %arg16[%run_scoped3A_48, %dma_wait3A, %dma_wait3A_253] : memref<16x10x64xf32, #tpu.memory_space<vmem>> -> memref<1x10x64xf32, #tpu.memory_space<vmem>>
      %dma_wait3A_255 = tpu.memref_squeeze %dma_wait3A_254 : memref<1x10x64xf32, #tpu.memory_space<vmem>> -> memref<10x64xf32, #tpu.memory_space<vmem>>
      %dma_wait3A_256 = arith.constant 0 : i32
      %dma_wait3A_257 = tpu.memref_slice %arg20[%add3A_47, %dma_wait3A_256] : memref<10240x64xf32, #tpu.memory_space<vmem_shared>> -> memref<10x64xf32, #tpu.memory_space<vmem_shared>>
      %dma_wait3A_258 = arith.constant 0 : i32
      %dma_wait3A_259 = arith.constant 0 : i32
      %dma_wait3A_260 = tpu.memref_slice %arg16[%run_scoped3A_48, %dma_wait3A_258, %dma_wait3A_259] : memref<16x10x64xf32, #tpu.memory_space<vmem>> -> memref<1x10x64xf32, #tpu.memory_space<vmem>>
      %dma_wait3A_261 = tpu.memref_squeeze %dma_wait3A_260 : memref<1x10x64xf32, #tpu.memory_space<vmem>> -> memref<10x64xf32, #tpu.memory_space<vmem>>
      %dma_wait3A_262 = arith.constant 0 : i32
      %dma_wait3A_263 = tpu.memref_slice %arg20[%add3A_47, %dma_wait3A_262] : memref<10240x64xf32, #tpu.memory_space<vmem_shared>> -> memref<10x64xf32, #tpu.memory_space<vmem_shared>>
      tpu.wait_dma2 semaphore(%run_scoped3A_240 : memref<!tpu.dma_semaphore, #tpu.memory_space<semaphore_mem>>) src(%dma_wait3A_263 : memref<10x64xf32, #tpu.memory_space<vmem_shared>>) dst(%dma_wait3A_261 : memref<10x64xf32, #tpu.memory_space<vmem>>)
      tpu.yield
    }) : () -> ()
    %mul3A_49 = arith.constant 10 : i32
    %mul3A_50 = arith.muli %arg1, %mul3A_49 : i32
    %add3A_51 = arith.constant 640 : i32
    %add3A_52 = arith.addi %add3A_51, %mul3A_50 : i32
    %run_scoped3A_53 = arith.constant 4 : i32
    "tpu.region"() ({
      %run_scoped3A_240 = tpu.sem_alloc : memref<!tpu.dma_semaphore, #tpu.memory_space<semaphore_mem>>
      %dma_start3A_241 = arith.constant 0 : i32
      %dma_start3A_242 = arith.constant 0 : i32
      %dma_start3A_243 = tpu.memref_slice %arg16[%run_scoped3A_53, %dma_start3A_241, %dma_start3A_242] : memref<16x10x64xf32, #tpu.memory_space<vmem>> -> memref<1x10x64xf32, #tpu.memory_space<vmem>>
      %dma_start3A_244 = tpu.memref_squeeze %dma_start3A_243 : memref<1x10x64xf32, #tpu.memory_space<vmem>> -> memref<10x64xf32, #tpu.memory_space<vmem>>
      %dma_start3A_245 = arith.constant 0 : i32
      %dma_start3A_246 = tpu.memref_slice %arg20[%add3A_52, %dma_start3A_245] : memref<10240x64xf32, #tpu.memory_space<vmem_shared>> -> memref<10x64xf32, #tpu.memory_space<vmem_shared>>
      %dma_start3A_247 = arith.constant 0 : i32
      %dma_start3A_248 = arith.constant 0 : i32
      %dma_start3A_249 = tpu.memref_slice %arg16[%run_scoped3A_53, %dma_start3A_247, %dma_start3A_248] : memref<16x10x64xf32, #tpu.memory_space<vmem>> -> memref<1x10x64xf32, #tpu.memory_space<vmem>>
      %dma_start3A_250 = tpu.memref_squeeze %dma_start3A_249 : memref<1x10x64xf32, #tpu.memory_space<vmem>> -> memref<10x64xf32, #tpu.memory_space<vmem>>
      %dma_start3A_251 = arith.constant 0 : i32
      %dma_start3A_252 = tpu.memref_slice %arg20[%add3A_52, %dma_start3A_251] : memref<10240x64xf32, #tpu.memory_space<vmem_shared>> -> memref<10x64xf32, #tpu.memory_space<vmem_shared>>
      tpu.enqueue_dma source(%dma_start3A_252 : memref<10x64xf32, #tpu.memory_space<vmem_shared>>) target(%dma_start3A_250 : memref<10x64xf32, #tpu.memory_space<vmem>>) target_semaphore(%run_scoped3A_240 : memref<!tpu.dma_semaphore, #tpu.memory_space<semaphore_mem>>)
      %dma_wait3A = arith.constant 0 : i32
      %dma_wait3A_253 = arith.constant 0 : i32
      %dma_wait3A_254 = tpu.memref_slice %arg16[%run_scoped3A_53, %dma_wait3A, %dma_wait3A_253] : memref<16x10x64xf32, #tpu.memory_space<vmem>> -> memref<1x10x64xf32, #tpu.memory_space<vmem>>
      %dma_wait3A_255 = tpu.memref_squeeze %dma_wait3A_254 : memref<1x10x64xf32, #tpu.memory_space<vmem>> -> memref<10x64xf32, #tpu.memory_space<vmem>>
      %dma_wait3A_256 = arith.constant 0 : i32
      %dma_wait3A_257 = tpu.memref_slice %arg20[%add3A_52, %dma_wait3A_256] : memref<10240x64xf32, #tpu.memory_space<vmem_shared>> -> memref<10x64xf32, #tpu.memory_space<vmem_shared>>
      %dma_wait3A_258 = arith.constant 0 : i32
      %dma_wait3A_259 = arith.constant 0 : i32
      %dma_wait3A_260 = tpu.memref_slice %arg16[%run_scoped3A_53, %dma_wait3A_258, %dma_wait3A_259] : memref<16x10x64xf32, #tpu.memory_space<vmem>> -> memref<1x10x64xf32, #tpu.memory_space<vmem>>
      %dma_wait3A_261 = tpu.memref_squeeze %dma_wait3A_260 : memref<1x10x64xf32, #tpu.memory_space<vmem>> -> memref<10x64xf32, #tpu.memory_space<vmem>>
      %dma_wait3A_262 = arith.constant 0 : i32
      %dma_wait3A_263 = tpu.memref_slice %arg20[%add3A_52, %dma_wait3A_262] : memref<10240x64xf32, #tpu.memory_space<vmem_shared>> -> memref<10x64xf32, #tpu.memory_space<vmem_shared>>
      tpu.wait_dma2 semaphore(%run_scoped3A_240 : memref<!tpu.dma_semaphore, #tpu.memory_space<semaphore_mem>>) src(%dma_wait3A_263 : memref<10x64xf32, #tpu.memory_space<vmem_shared>>) dst(%dma_wait3A_261 : memref<10x64xf32, #tpu.memory_space<vmem>>)
      tpu.yield
    }) : () -> ()
    %mul3A_54 = arith.constant 10 : i32
    %mul3A_55 = arith.muli %arg1, %mul3A_54 : i32
    %add3A_56 = arith.constant 800 : i32
    %add3A_57 = arith.addi %add3A_56, %mul3A_55 : i32
    %run_scoped3A_58 = arith.constant 5 : i32
    "tpu.region"() ({
      %run_scoped3A_240 = tpu.sem_alloc : memref<!tpu.dma_semaphore, #tpu.memory_space<semaphore_mem>>
      %dma_start3A_241 = arith.constant 0 : i32
      %dma_start3A_242 = arith.constant 0 : i32
      %dma_start3A_243 = tpu.memref_slice %arg16[%run_scoped3A_58, %dma_start3A_241, %dma_start3A_242] : memref<16x10x64xf32, #tpu.memory_space<vmem>> -> memref<1x10x64xf32, #tpu.memory_space<vmem>>
      %dma_start3A_244 = tpu.memref_squeeze %dma_start3A_243 : memref<1x10x64xf32, #tpu.memory_space<vmem>> -> memref<10x64xf32, #tpu.memory_space<vmem>>
      %dma_start3A_245 = arith.constant 0 : i32
      %dma_start3A_246 = tpu.memref_slice %arg20[%add3A_57, %dma_start3A_245] : memref<10240x64xf32, #tpu.memory_space<vmem_shared>> -> memref<10x64xf32, #tpu.memory_space<vmem_shared>>
      %dma_start3A_247 = arith.constant 0 : i32
      %dma_start3A_248 = arith.constant 0 : i32
      %dma_start3A_249 = tpu.memref_slice %arg16[%run_scoped3A_58, %dma_start3A_247, %dma_start3A_248] : memref<16x10x64xf32, #tpu.memory_space<vmem>> -> memref<1x10x64xf32, #tpu.memory_space<vmem>>
      %dma_start3A_250 = tpu.memref_squeeze %dma_start3A_249 : memref<1x10x64xf32, #tpu.memory_space<vmem>> -> memref<10x64xf32, #tpu.memory_space<vmem>>
      %dma_start3A_251 = arith.constant 0 : i32
      %dma_start3A_252 = tpu.memref_slice %arg20[%add3A_57, %dma_start3A_251] : memref<10240x64xf32, #tpu.memory_space<vmem_shared>> -> memref<10x64xf32, #tpu.memory_space<vmem_shared>>
      tpu.enqueue_dma source(%dma_start3A_252 : memref<10x64xf32, #tpu.memory_space<vmem_shared>>) target(%dma_start3A_250 : memref<10x64xf32, #tpu.memory_space<vmem>>) target_semaphore(%run_scoped3A_240 : memref<!tpu.dma_semaphore, #tpu.memory_space<semaphore_mem>>)
      %dma_wait3A = arith.constant 0 : i32
      %dma_wait3A_253 = arith.constant 0 : i32
      %dma_wait3A_254 = tpu.memref_slice %arg16[%run_scoped3A_58, %dma_wait3A, %dma_wait3A_253] : memref<16x10x64xf32, #tpu.memory_space<vmem>> -> memref<1x10x64xf32, #tpu.memory_space<vmem>>
      %dma_wait3A_255 = tpu.memref_squeeze %dma_wait3A_254 : memref<1x10x64xf32, #tpu.memory_space<vmem>> -> memref<10x64xf32, #tpu.memory_space<vmem>>
      %dma_wait3A_256 = arith.constant 0 : i32
      %dma_wait3A_257 = tpu.memref_slice %arg20[%add3A_57, %dma_wait3A_256] : memref<10240x64xf32, #tpu.memory_space<vmem_shared>> -> memref<10x64xf32, #tpu.memory_space<vmem_shared>>
      %dma_wait3A_258 = arith.constant 0 : i32
      %dma_wait3A_259 = arith.constant 0 : i32
      %dma_wait3A_260 = tpu.memref_slice %arg16[%run_scoped3A_58, %dma_wait3A_258, %dma_wait3A_259] : memref<16x10x64xf32, #tpu.memory_space<vmem>> -> memref<1x10x64xf32, #tpu.memory_space<vmem>>
      %dma_wait3A_261 = tpu.memref_squeeze %dma_wait3A_260 : memref<1x10x64xf32, #tpu.memory_space<vmem>> -> memref<10x64xf32, #tpu.memory_space<vmem>>
      %dma_wait3A_262 = arith.constant 0 : i32
      %dma_wait3A_263 = tpu.memref_slice %arg20[%add3A_57, %dma_wait3A_262] : memref<10240x64xf32, #tpu.memory_space<vmem_shared>> -> memref<10x64xf32, #tpu.memory_space<vmem_shared>>
      tpu.wait_dma2 semaphore(%run_scoped3A_240 : memref<!tpu.dma_semaphore, #tpu.memory_space<semaphore_mem>>) src(%dma_wait3A_263 : memref<10x64xf32, #tpu.memory_space<vmem_shared>>) dst(%dma_wait3A_261 : memref<10x64xf32, #tpu.memory_space<vmem>>)
      tpu.yield
    }) : () -> ()
    %mul3A_59 = arith.constant 10 : i32
    %mul3A_60 = arith.muli %arg1, %mul3A_59 : i32
    %add3A_61 = arith.constant 960 : i32
    %add3A_62 = arith.addi %add3A_61, %mul3A_60 : i32
    %run_scoped3A_63 = arith.constant 6 : i32
    "tpu.region"() ({
      %run_scoped3A_240 = tpu.sem_alloc : memref<!tpu.dma_semaphore, #tpu.memory_space<semaphore_mem>>
      %dma_start3A_241 = arith.constant 0 : i32
      %dma_start3A_242 = arith.constant 0 : i32
      %dma_start3A_243 = tpu.memref_slice %arg16[%run_scoped3A_63, %dma_start3A_241, %dma_start3A_242] : memref<16x10x64xf32, #tpu.memory_space<vmem>> -> memref<1x10x64xf32, #tpu.memory_space<vmem>>
      %dma_start3A_244 = tpu.memref_squeeze %dma_start3A_243 : memref<1x10x64xf32, #tpu.memory_space<vmem>> -> memref<10x64xf32, #tpu.memory_space<vmem>>
      %dma_start3A_245 = arith.constant 0 : i32
      %dma_start3A_246 = tpu.memref_slice %arg20[%add3A_62, %dma_start3A_245] : memref<10240x64xf32, #tpu.memory_space<vmem_shared>> -> memref<10x64xf32, #tpu.memory_space<vmem_shared>>
      %dma_start3A_247 = arith.constant 0 : i32
      %dma_start3A_248 = arith.constant 0 : i32
      %dma_start3A_249 = tpu.memref_slice %arg16[%run_scoped3A_63, %dma_start3A_247, %dma_start3A_248] : memref<16x10x64xf32, #tpu.memory_space<vmem>> -> memref<1x10x64xf32, #tpu.memory_space<vmem>>
      %dma_start3A_250 = tpu.memref_squeeze %dma_start3A_249 : memref<1x10x64xf32, #tpu.memory_space<vmem>> -> memref<10x64xf32, #tpu.memory_space<vmem>>
      %dma_start3A_251 = arith.constant 0 : i32
      %dma_start3A_252 = tpu.memref_slice %arg20[%add3A_62, %dma_start3A_251] : memref<10240x64xf32, #tpu.memory_space<vmem_shared>> -> memref<10x64xf32, #tpu.memory_space<vmem_shared>>
      tpu.enqueue_dma source(%dma_start3A_252 : memref<10x64xf32, #tpu.memory_space<vmem_shared>>) target(%dma_start3A_250 : memref<10x64xf32, #tpu.memory_space<vmem>>) target_semaphore(%run_scoped3A_240 : memref<!tpu.dma_semaphore, #tpu.memory_space<semaphore_mem>>)
      %dma_wait3A = arith.constant 0 : i32
      %dma_wait3A_253 = arith.constant 0 : i32
      %dma_wait3A_254 = tpu.memref_slice %arg16[%run_scoped3A_63, %dma_wait3A, %dma_wait3A_253] : memref<16x10x64xf32, #tpu.memory_space<vmem>> -> memref<1x10x64xf32, #tpu.memory_space<vmem>>
      %dma_wait3A_255 = tpu.memref_squeeze %dma_wait3A_254 : memref<1x10x64xf32, #tpu.memory_space<vmem>> -> memref<10x64xf32, #tpu.memory_space<vmem>>
      %dma_wait3A_256 = arith.constant 0 : i32
      %dma_wait3A_257 = tpu.memref_slice %arg20[%add3A_62, %dma_wait3A_256] : memref<10240x64xf32, #tpu.memory_space<vmem_shared>> -> memref<10x64xf32, #tpu.memory_space<vmem_shared>>
      %dma_wait3A_258 = arith.constant 0 : i32
      %dma_wait3A_259 = arith.constant 0 : i32
      %dma_wait3A_260 = tpu.memref_slice %arg16[%run_scoped3A_63, %dma_wait3A_258, %dma_wait3A_259] : memref<16x10x64xf32, #tpu.memory_space<vmem>> -> memref<1x10x64xf32, #tpu.memory_space<vmem>>
      %dma_wait3A_261 = tpu.memref_squeeze %dma_wait3A_260 : memref<1x10x64xf32, #tpu.memory_space<vmem>> -> memref<10x64xf32, #tpu.memory_space<vmem>>
      %dma_wait3A_262 = arith.constant 0 : i32
      %dma_wait3A_263 = tpu.memref_slice %arg20[%add3A_62, %dma_wait3A_262] : memref<10240x64xf32, #tpu.memory_space<vmem_shared>> -> memref<10x64xf32, #tpu.memory_space<vmem_shared>>
      tpu.wait_dma2 semaphore(%run_scoped3A_240 : memref<!tpu.dma_semaphore, #tpu.memory_space<semaphore_mem>>) src(%dma_wait3A_263 : memref<10x64xf32, #tpu.memory_space<vmem_shared>>) dst(%dma_wait3A_261 : memref<10x64xf32, #tpu.memory_space<vmem>>)
      tpu.yield
    }) : () -> ()
    %mul3A_64 = arith.constant 10 : i32
    %mul3A_65 = arith.muli %arg1, %mul3A_64 : i32
    %add3A_66 = arith.constant 1120 : i32
    %add3A_67 = arith.addi %add3A_66, %mul3A_65 : i32
    %run_scoped3A_68 = arith.constant 7 : i32
    "tpu.region"() ({
      %run_scoped3A_240 = tpu.sem_alloc : memref<!tpu.dma_semaphore, #tpu.memory_space<semaphore_mem>>
      %dma_start3A_241 = arith.constant 0 : i32
      %dma_start3A_242 = arith.constant 0 : i32
      %dma_start3A_243 = tpu.memref_slice %arg16[%run_scoped3A_68, %dma_start3A_241, %dma_start3A_242] : memref<16x10x64xf32, #tpu.memory_space<vmem>> -> memref<1x10x64xf32, #tpu.memory_space<vmem>>
      %dma_start3A_244 = tpu.memref_squeeze %dma_start3A_243 : memref<1x10x64xf32, #tpu.memory_space<vmem>> -> memref<10x64xf32, #tpu.memory_space<vmem>>
      %dma_start3A_245 = arith.constant 0 : i32
      %dma_start3A_246 = tpu.memref_slice %arg20[%add3A_67, %dma_start3A_245] : memref<10240x64xf32, #tpu.memory_space<vmem_shared>> -> memref<10x64xf32, #tpu.memory_space<vmem_shared>>
      %dma_start3A_247 = arith.constant 0 : i32
      %dma_start3A_248 = arith.constant 0 : i32
      %dma_start3A_249 = tpu.memref_slice %arg16[%run_scoped3A_68, %dma_start3A_247, %dma_start3A_248] : memref<16x10x64xf32, #tpu.memory_space<vmem>> -> memref<1x10x64xf32, #tpu.memory_space<vmem>>
      %dma_start3A_250 = tpu.memref_squeeze %dma_start3A_249 : memref<1x10x64xf32, #tpu.memory_space<vmem>> -> memref<10x64xf32, #tpu.memory_space<vmem>>
      %dma_start3A_251 = arith.constant 0 : i32
      %dma_start3A_252 = tpu.memref_slice %arg20[%add3A_67, %dma_start3A_251] : memref<10240x64xf32, #tpu.memory_space<vmem_shared>> -> memref<10x64xf32, #tpu.memory_space<vmem_shared>>
      tpu.enqueue_dma source(%dma_start3A_252 : memref<10x64xf32, #tpu.memory_space<vmem_shared>>) target(%dma_start3A_250 : memref<10x64xf32, #tpu.memory_space<vmem>>) target_semaphore(%run_scoped3A_240 : memref<!tpu.dma_semaphore, #tpu.memory_space<semaphore_mem>>)
      %dma_wait3A = arith.constant 0 : i32
      %dma_wait3A_253 = arith.constant 0 : i32
      %dma_wait3A_254 = tpu.memref_slice %arg16[%run_scoped3A_68, %dma_wait3A, %dma_wait3A_253] : memref<16x10x64xf32, #tpu.memory_space<vmem>> -> memref<1x10x64xf32, #tpu.memory_space<vmem>>
      %dma_wait3A_255 = tpu.memref_squeeze %dma_wait3A_254 : memref<1x10x64xf32, #tpu.memory_space<vmem>> -> memref<10x64xf32, #tpu.memory_space<vmem>>
      %dma_wait3A_256 = arith.constant 0 : i32
      %dma_wait3A_257 = tpu.memref_slice %arg20[%add3A_67, %dma_wait3A_256] : memref<10240x64xf32, #tpu.memory_space<vmem_shared>> -> memref<10x64xf32, #tpu.memory_space<vmem_shared>>
      %dma_wait3A_258 = arith.constant 0 : i32
      %dma_wait3A_259 = arith.constant 0 : i32
      %dma_wait3A_260 = tpu.memref_slice %arg16[%run_scoped3A_68, %dma_wait3A_258, %dma_wait3A_259] : memref<16x10x64xf32, #tpu.memory_space<vmem>> -> memref<1x10x64xf32, #tpu.memory_space<vmem>>
      %dma_wait3A_261 = tpu.memref_squeeze %dma_wait3A_260 : memref<1x10x64xf32, #tpu.memory_space<vmem>> -> memref<10x64xf32, #tpu.memory_space<vmem>>
      %dma_wait3A_262 = arith.constant 0 : i32
      %dma_wait3A_263 = tpu.memref_slice %arg20[%add3A_67, %dma_wait3A_262] : memref<10240x64xf32, #tpu.memory_space<vmem_shared>> -> memref<10x64xf32, #tpu.memory_space<vmem_shared>>
      tpu.wait_dma2 semaphore(%run_scoped3A_240 : memref<!tpu.dma_semaphore, #tpu.memory_space<semaphore_mem>>) src(%dma_wait3A_263 : memref<10x64xf32, #tpu.memory_space<vmem_shared>>) dst(%dma_wait3A_261 : memref<10x64xf32, #tpu.memory_space<vmem>>)
      tpu.yield
    }) : () -> ()
    %mul3A_69 = arith.constant 10 : i32
    %mul3A_70 = arith.muli %arg1, %mul3A_69 : i32
    %add3A_71 = arith.constant 1280 : i32
    %add3A_72 = arith.addi %add3A_71, %mul3A_70 : i32
    %run_scoped3A_73 = arith.constant 8 : i32
    "tpu.region"() ({
      %run_scoped3A_240 = tpu.sem_alloc : memref<!tpu.dma_semaphore, #tpu.memory_space<semaphore_mem>>
      %dma_start3A_241 = arith.constant 0 : i32
      %dma_start3A_242 = arith.constant 0 : i32
      %dma_start3A_243 = tpu.memref_slice %arg16[%run_scoped3A_73, %dma_start3A_241, %dma_start3A_242] : memref<16x10x64xf32, #tpu.memory_space<vmem>> -> memref<1x10x64xf32, #tpu.memory_space<vmem>>
      %dma_start3A_244 = tpu.memref_squeeze %dma_start3A_243 : memref<1x10x64xf32, #tpu.memory_space<vmem>> -> memref<10x64xf32, #tpu.memory_space<vmem>>
      %dma_start3A_245 = arith.constant 0 : i32
      %dma_start3A_246 = tpu.memref_slice %arg20[%add3A_72, %dma_start3A_245] : memref<10240x64xf32, #tpu.memory_space<vmem_shared>> -> memref<10x64xf32, #tpu.memory_space<vmem_shared>>
      %dma_start3A_247 = arith.constant 0 : i32
      %dma_start3A_248 = arith.constant 0 : i32
      %dma_start3A_249 = tpu.memref_slice %arg16[%run_scoped3A_73, %dma_start3A_247, %dma_start3A_248] : memref<16x10x64xf32, #tpu.memory_space<vmem>> -> memref<1x10x64xf32, #tpu.memory_space<vmem>>
      %dma_start3A_250 = tpu.memref_squeeze %dma_start3A_249 : memref<1x10x64xf32, #tpu.memory_space<vmem>> -> memref<10x64xf32, #tpu.memory_space<vmem>>
      %dma_start3A_251 = arith.constant 0 : i32
      %dma_start3A_252 = tpu.memref_slice %arg20[%add3A_72, %dma_start3A_251] : memref<10240x64xf32, #tpu.memory_space<vmem_shared>> -> memref<10x64xf32, #tpu.memory_space<vmem_shared>>
      tpu.enqueue_dma source(%dma_start3A_252 : memref<10x64xf32, #tpu.memory_space<vmem_shared>>) target(%dma_start3A_250 : memref<10x64xf32, #tpu.memory_space<vmem>>) target_semaphore(%run_scoped3A_240 : memref<!tpu.dma_semaphore, #tpu.memory_space<semaphore_mem>>)
      %dma_wait3A = arith.constant 0 : i32
      %dma_wait3A_253 = arith.constant 0 : i32
      %dma_wait3A_254 = tpu.memref_slice %arg16[%run_scoped3A_73, %dma_wait3A, %dma_wait3A_253] : memref<16x10x64xf32, #tpu.memory_space<vmem>> -> memref<1x10x64xf32, #tpu.memory_space<vmem>>
      %dma_wait3A_255 = tpu.memref_squeeze %dma_wait3A_254 : memref<1x10x64xf32, #tpu.memory_space<vmem>> -> memref<10x64xf32, #tpu.memory_space<vmem>>
      %dma_wait3A_256 = arith.constant 0 : i32
      %dma_wait3A_257 = tpu.memref_slice %arg20[%add3A_72, %dma_wait3A_256] : memref<10240x64xf32, #tpu.memory_space<vmem_shared>> -> memref<10x64xf32, #tpu.memory_space<vmem_shared>>
      %dma_wait3A_258 = arith.constant 0 : i32
      %dma_wait3A_259 = arith.constant 0 : i32
      %dma_wait3A_260 = tpu.memref_slice %arg16[%run_scoped3A_73, %dma_wait3A_258, %dma_wait3A_259] : memref<16x10x64xf32, #tpu.memory_space<vmem>> -> memref<1x10x64xf32, #tpu.memory_space<vmem>>
      %dma_wait3A_261 = tpu.memref_squeeze %dma_wait3A_260 : memref<1x10x64xf32, #tpu.memory_space<vmem>> -> memref<10x64xf32, #tpu.memory_space<vmem>>
      %dma_wait3A_262 = arith.constant 0 : i32
      %dma_wait3A_263 = tpu.memref_slice %arg20[%add3A_72, %dma_wait3A_262] : memref<10240x64xf32, #tpu.memory_space<vmem_shared>> -> memref<10x64xf32, #tpu.memory_space<vmem_shared>>
      tpu.wait_dma2 semaphore(%run_scoped3A_240 : memref<!tpu.dma_semaphore, #tpu.memory_space<semaphore_mem>>) src(%dma_wait3A_263 : memref<10x64xf32, #tpu.memory_space<vmem_shared>>) dst(%dma_wait3A_261 : memref<10x64xf32, #tpu.memory_space<vmem>>)
      tpu.yield
    }) : () -> ()
    %mul3A_74 = arith.constant 10 : i32
    %mul3A_75 = arith.muli %arg1, %mul3A_74 : i32
    %add3A_76 = arith.constant 1440 : i32
    %add3A_77 = arith.addi %add3A_76, %mul3A_75 : i32
    %run_scoped3A_78 = arith.constant 9 : i32
    "tpu.region"() ({
      %run_scoped3A_240 = tpu.sem_alloc : memref<!tpu.dma_semaphore, #tpu.memory_space<semaphore_mem>>
      %dma_start3A_241 = arith.constant 0 : i32
      %dma_start3A_242 = arith.constant 0 : i32
      %dma_start3A_243 = tpu.memref_slice %arg16[%run_scoped3A_78, %dma_start3A_241, %dma_start3A_242] : memref<16x10x64xf32, #tpu.memory_space<vmem>> -> memref<1x10x64xf32, #tpu.memory_space<vmem>>
      %dma_start3A_244 = tpu.memref_squeeze %dma_start3A_243 : memref<1x10x64xf32, #tpu.memory_space<vmem>> -> memref<10x64xf32, #tpu.memory_space<vmem>>
      %dma_start3A_245 = arith.constant 0 : i32
      %dma_start3A_246 = tpu.memref_slice %arg20[%add3A_77, %dma_start3A_245] : memref<10240x64xf32, #tpu.memory_space<vmem_shared>> -> memref<10x64xf32, #tpu.memory_space<vmem_shared>>
      %dma_start3A_247 = arith.constant 0 : i32
      %dma_start3A_248 = arith.constant 0 : i32
      %dma_start3A_249 = tpu.memref_slice %arg16[%run_scoped3A_78, %dma_start3A_247, %dma_start3A_248] : memref<16x10x64xf32, #tpu.memory_space<vmem>> -> memref<1x10x64xf32, #tpu.memory_space<vmem>>
      %dma_start3A_250 = tpu.memref_squeeze %dma_start3A_249 : memref<1x10x64xf32, #tpu.memory_space<vmem>> -> memref<10x64xf32, #tpu.memory_space<vmem>>
      %dma_start3A_251 = arith.constant 0 : i32
      %dma_start3A_252 = tpu.memref_slice %arg20[%add3A_77, %dma_start3A_251] : memref<10240x64xf32, #tpu.memory_space<vmem_shared>> -> memref<10x64xf32, #tpu.memory_space<vmem_shared>>
      tpu.enqueue_dma source(%dma_start3A_252 : memref<10x64xf32, #tpu.memory_space<vmem_shared>>) target(%dma_start3A_250 : memref<10x64xf32, #tpu.memory_space<vmem>>) target_semaphore(%run_scoped3A_240 : memref<!tpu.dma_semaphore, #tpu.memory_space<semaphore_mem>>)
      %dma_wait3A = arith.constant 0 : i32
      %dma_wait3A_253 = arith.constant 0 : i32
      %dma_wait3A_254 = tpu.memref_slice %arg16[%run_scoped3A_78, %dma_wait3A, %dma_wait3A_253] : memref<16x10x64xf32, #tpu.memory_space<vmem>> -> memref<1x10x64xf32, #tpu.memory_space<vmem>>
      %dma_wait3A_255 = tpu.memref_squeeze %dma_wait3A_254 : memref<1x10x64xf32, #tpu.memory_space<vmem>> -> memref<10x64xf32, #tpu.memory_space<vmem>>
      %dma_wait3A_256 = arith.constant 0 : i32
      %dma_wait3A_257 = tpu.memref_slice %arg20[%add3A_77, %dma_wait3A_256] : memref<10240x64xf32, #tpu.memory_space<vmem_shared>> -> memref<10x64xf32, #tpu.memory_space<vmem_shared>>
      %dma_wait3A_258 = arith.constant 0 : i32
      %dma_wait3A_259 = arith.constant 0 : i32
      %dma_wait3A_260 = tpu.memref_slice %arg16[%run_scoped3A_78, %dma_wait3A_258, %dma_wait3A_259] : memref<16x10x64xf32, #tpu.memory_space<vmem>> -> memref<1x10x64xf32, #tpu.memory_space<vmem>>
      %dma_wait3A_261 = tpu.memref_squeeze %dma_wait3A_260 : memref<1x10x64xf32, #tpu.memory_space<vmem>> -> memref<10x64xf32, #tpu.memory_space<vmem>>
      %dma_wait3A_262 = arith.constant 0 : i32
      %dma_wait3A_263 = tpu.memref_slice %arg20[%add3A_77, %dma_wait3A_262] : memref<10240x64xf32, #tpu.memory_space<vmem_shared>> -> memref<10x64xf32, #tpu.memory_space<vmem_shared>>
      tpu.wait_dma2 semaphore(%run_scoped3A_240 : memref<!tpu.dma_semaphore, #tpu.memory_space<semaphore_mem>>) src(%dma_wait3A_263 : memref<10x64xf32, #tpu.memory_space<vmem_shared>>) dst(%dma_wait3A_261 : memref<10x64xf32, #tpu.memory_space<vmem>>)
      tpu.yield
    }) : () -> ()
    %mul3A_79 = arith.constant 10 : i32
    %mul3A_80 = arith.muli %arg1, %mul3A_79 : i32
    %add3A_81 = arith.constant 1600 : i32
    %add3A_82 = arith.addi %add3A_81, %mul3A_80 : i32
    %run_scoped3A_83 = arith.constant 10 : i32
    "tpu.region"() ({
      %run_scoped3A_240 = tpu.sem_alloc : memref<!tpu.dma_semaphore, #tpu.memory_space<semaphore_mem>>
      %dma_start3A_241 = arith.constant 0 : i32
      %dma_start3A_242 = arith.constant 0 : i32
      %dma_start3A_243 = tpu.memref_slice %arg16[%run_scoped3A_83, %dma_start3A_241, %dma_start3A_242] : memref<16x10x64xf32, #tpu.memory_space<vmem>> -> memref<1x10x64xf32, #tpu.memory_space<vmem>>
      %dma_start3A_244 = tpu.memref_squeeze %dma_start3A_243 : memref<1x10x64xf32, #tpu.memory_space<vmem>> -> memref<10x64xf32, #tpu.memory_space<vmem>>
      %dma_start3A_245 = arith.constant 0 : i32
      %dma_start3A_246 = tpu.memref_slice %arg20[%add3A_82, %dma_start3A_245] : memref<10240x64xf32, #tpu.memory_space<vmem_shared>> -> memref<10x64xf32, #tpu.memory_space<vmem_shared>>
      %dma_start3A_247 = arith.constant 0 : i32
      %dma_start3A_248 = arith.constant 0 : i32
      %dma_start3A_249 = tpu.memref_slice %arg16[%run_scoped3A_83, %dma_start3A_247, %dma_start3A_248] : memref<16x10x64xf32, #tpu.memory_space<vmem>> -> memref<1x10x64xf32, #tpu.memory_space<vmem>>
      %dma_start3A_250 = tpu.memref_squeeze %dma_start3A_249 : memref<1x10x64xf32, #tpu.memory_space<vmem>> -> memref<10x64xf32, #tpu.memory_space<vmem>>
      %dma_start3A_251 = arith.constant 0 : i32
      %dma_start3A_252 = tpu.memref_slice %arg20[%add3A_82, %dma_start3A_251] : memref<10240x64xf32, #tpu.memory_space<vmem_shared>> -> memref<10x64xf32, #tpu.memory_space<vmem_shared>>
      tpu.enqueue_dma source(%dma_start3A_252 : memref<10x64xf32, #tpu.memory_space<vmem_shared>>) target(%dma_start3A_250 : memref<10x64xf32, #tpu.memory_space<vmem>>) target_semaphore(%run_scoped3A_240 : memref<!tpu.dma_semaphore, #tpu.memory_space<semaphore_mem>>)
      %dma_wait3A = arith.constant 0 : i32
      %dma_wait3A_253 = arith.constant 0 : i32
      %dma_wait3A_254 = tpu.memref_slice %arg16[%run_scoped3A_83, %dma_wait3A, %dma_wait3A_253] : memref<16x10x64xf32, #tpu.memory_space<vmem>> -> memref<1x10x64xf32, #tpu.memory_space<vmem>>
      %dma_wait3A_255 = tpu.memref_squeeze %dma_wait3A_254 : memref<1x10x64xf32, #tpu.memory_space<vmem>> -> memref<10x64xf32, #tpu.memory_space<vmem>>
      %dma_wait3A_256 = arith.constant 0 : i32
      %dma_wait3A_257 = tpu.memref_slice %arg20[%add3A_82, %dma_wait3A_256] : memref<10240x64xf32, #tpu.memory_space<vmem_shared>> -> memref<10x64xf32, #tpu.memory_space<vmem_shared>>
      %dma_wait3A_258 = arith.constant 0 : i32
      %dma_wait3A_259 = arith.constant 0 : i32
      %dma_wait3A_260 = tpu.memref_slice %arg16[%run_scoped3A_83, %dma_wait3A_258, %dma_wait3A_259] : memref<16x10x64xf32, #tpu.memory_space<vmem>> -> memref<1x10x64xf32, #tpu.memory_space<vmem>>
      %dma_wait3A_261 = tpu.memref_squeeze %dma_wait3A_260 : memref<1x10x64xf32, #tpu.memory_space<vmem>> -> memref<10x64xf32, #tpu.memory_space<vmem>>
      %dma_wait3A_262 = arith.constant 0 : i32
      %dma_wait3A_263 = tpu.memref_slice %arg20[%add3A_82, %dma_wait3A_262] : memref<10240x64xf32, #tpu.memory_space<vmem_shared>> -> memref<10x64xf32, #tpu.memory_space<vmem_shared>>
      tpu.wait_dma2 semaphore(%run_scoped3A_240 : memref<!tpu.dma_semaphore, #tpu.memory_space<semaphore_mem>>) src(%dma_wait3A_263 : memref<10x64xf32, #tpu.memory_space<vmem_shared>>) dst(%dma_wait3A_261 : memref<10x64xf32, #tpu.memory_space<vmem>>)
      tpu.yield
    }) : () -> ()
    %mul3A_84 = arith.constant 10 : i32
    %mul3A_85 = arith.muli %arg1, %mul3A_84 : i32
    %add3A_86 = arith.constant 1760 : i32
    %add3A_87 = arith.addi %add3A_86, %mul3A_85 : i32
    %run_scoped3A_88 = arith.constant 11 : i32
    "tpu.region"() ({
      %run_scoped3A_240 = tpu.sem_alloc : memref<!tpu.dma_semaphore, #tpu.memory_space<semaphore_mem>>
      %dma_start3A_241 = arith.constant 0 : i32
      %dma_start3A_242 = arith.constant 0 : i32
      %dma_start3A_243 = tpu.memref_slice %arg16[%run_scoped3A_88, %dma_start3A_241, %dma_start3A_242] : memref<16x10x64xf32, #tpu.memory_space<vmem>> -> memref<1x10x64xf32, #tpu.memory_space<vmem>>
      %dma_start3A_244 = tpu.memref_squeeze %dma_start3A_243 : memref<1x10x64xf32, #tpu.memory_space<vmem>> -> memref<10x64xf32, #tpu.memory_space<vmem>>
      %dma_start3A_245 = arith.constant 0 : i32
      %dma_start3A_246 = tpu.memref_slice %arg20[%add3A_87, %dma_start3A_245] : memref<10240x64xf32, #tpu.memory_space<vmem_shared>> -> memref<10x64xf32, #tpu.memory_space<vmem_shared>>
      %dma_start3A_247 = arith.constant 0 : i32
      %dma_start3A_248 = arith.constant 0 : i32
      %dma_start3A_249 = tpu.memref_slice %arg16[%run_scoped3A_88, %dma_start3A_247, %dma_start3A_248] : memref<16x10x64xf32, #tpu.memory_space<vmem>> -> memref<1x10x64xf32, #tpu.memory_space<vmem>>
      %dma_start3A_250 = tpu.memref_squeeze %dma_start3A_249 : memref<1x10x64xf32, #tpu.memory_space<vmem>> -> memref<10x64xf32, #tpu.memory_space<vmem>>
      %dma_start3A_251 = arith.constant 0 : i32
      %dma_start3A_252 = tpu.memref_slice %arg20[%add3A_87, %dma_start3A_251] : memref<10240x64xf32, #tpu.memory_space<vmem_shared>> -> memref<10x64xf32, #tpu.memory_space<vmem_shared>>
      tpu.enqueue_dma source(%dma_start3A_252 : memref<10x64xf32, #tpu.memory_space<vmem_shared>>) target(%dma_start3A_250 : memref<10x64xf32, #tpu.memory_space<vmem>>) target_semaphore(%run_scoped3A_240 : memref<!tpu.dma_semaphore, #tpu.memory_space<semaphore_mem>>)
      %dma_wait3A = arith.constant 0 : i32
      %dma_wait3A_253 = arith.constant 0 : i32
      %dma_wait3A_254 = tpu.memref_slice %arg16[%run_scoped3A_88, %dma_wait3A, %dma_wait3A_253] : memref<16x10x64xf32, #tpu.memory_space<vmem>> -> memref<1x10x64xf32, #tpu.memory_space<vmem>>
      %dma_wait3A_255 = tpu.memref_squeeze %dma_wait3A_254 : memref<1x10x64xf32, #tpu.memory_space<vmem>> -> memref<10x64xf32, #tpu.memory_space<vmem>>
      %dma_wait3A_256 = arith.constant 0 : i32
      %dma_wait3A_257 = tpu.memref_slice %arg20[%add3A_87, %dma_wait3A_256] : memref<10240x64xf32, #tpu.memory_space<vmem_shared>> -> memref<10x64xf32, #tpu.memory_space<vmem_shared>>
      %dma_wait3A_258 = arith.constant 0 : i32
      %dma_wait3A_259 = arith.constant 0 : i32
      %dma_wait3A_260 = tpu.memref_slice %arg16[%run_scoped3A_88, %dma_wait3A_258, %dma_wait3A_259] : memref<16x10x64xf32, #tpu.memory_space<vmem>> -> memref<1x10x64xf32, #tpu.memory_space<vmem>>
      %dma_wait3A_261 = tpu.memref_squeeze %dma_wait3A_260 : memref<1x10x64xf32, #tpu.memory_space<vmem>> -> memref<10x64xf32, #tpu.memory_space<vmem>>
      %dma_wait3A_262 = arith.constant 0 : i32
      %dma_wait3A_263 = tpu.memref_slice %arg20[%add3A_87, %dma_wait3A_262] : memref<10240x64xf32, #tpu.memory_space<vmem_shared>> -> memref<10x64xf32, #tpu.memory_space<vmem_shared>>
      tpu.wait_dma2 semaphore(%run_scoped3A_240 : memref<!tpu.dma_semaphore, #tpu.memory_space<semaphore_mem>>) src(%dma_wait3A_263 : memref<10x64xf32, #tpu.memory_space<vmem_shared>>) dst(%dma_wait3A_261 : memref<10x64xf32, #tpu.memory_space<vmem>>)
      tpu.yield
    }) : () -> ()
    %mul3A_89 = arith.constant 10 : i32
    %mul3A_90 = arith.muli %arg1, %mul3A_89 : i32
    %add3A_91 = arith.constant 1920 : i32
    %add3A_92 = arith.addi %add3A_91, %mul3A_90 : i32
    %run_scoped3A_93 = arith.constant 12 : i32
    "tpu.region"() ({
      %run_scoped3A_240 = tpu.sem_alloc : memref<!tpu.dma_semaphore, #tpu.memory_space<semaphore_mem>>
      %dma_start3A_241 = arith.constant 0 : i32
      %dma_start3A_242 = arith.constant 0 : i32
      %dma_start3A_243 = tpu.memref_slice %arg16[%run_scoped3A_93, %dma_start3A_241, %dma_start3A_242] : memref<16x10x64xf32, #tpu.memory_space<vmem>> -> memref<1x10x64xf32, #tpu.memory_space<vmem>>
      %dma_start3A_244 = tpu.memref_squeeze %dma_start3A_243 : memref<1x10x64xf32, #tpu.memory_space<vmem>> -> memref<10x64xf32, #tpu.memory_space<vmem>>
      %dma_start3A_245 = arith.constant 0 : i32
      %dma_start3A_246 = tpu.memref_slice %arg20[%add3A_92, %dma_start3A_245] : memref<10240x64xf32, #tpu.memory_space<vmem_shared>> -> memref<10x64xf32, #tpu.memory_space<vmem_shared>>
      %dma_start3A_247 = arith.constant 0 : i32
      %dma_start3A_248 = arith.constant 0 : i32
      %dma_start3A_249 = tpu.memref_slice %arg16[%run_scoped3A_93, %dma_start3A_247, %dma_start3A_248] : memref<16x10x64xf32, #tpu.memory_space<vmem>> -> memref<1x10x64xf32, #tpu.memory_space<vmem>>
      %dma_start3A_250 = tpu.memref_squeeze %dma_start3A_249 : memref<1x10x64xf32, #tpu.memory_space<vmem>> -> memref<10x64xf32, #tpu.memory_space<vmem>>
      %dma_start3A_251 = arith.constant 0 : i32
      %dma_start3A_252 = tpu.memref_slice %arg20[%add3A_92, %dma_start3A_251] : memref<10240x64xf32, #tpu.memory_space<vmem_shared>> -> memref<10x64xf32, #tpu.memory_space<vmem_shared>>
      tpu.enqueue_dma source(%dma_start3A_252 : memref<10x64xf32, #tpu.memory_space<vmem_shared>>) target(%dma_start3A_250 : memref<10x64xf32, #tpu.memory_space<vmem>>) target_semaphore(%run_scoped3A_240 : memref<!tpu.dma_semaphore, #tpu.memory_space<semaphore_mem>>)
      %dma_wait3A = arith.constant 0 : i32
      %dma_wait3A_253 = arith.constant 0 : i32
      %dma_wait3A_254 = tpu.memref_slice %arg16[%run_scoped3A_93, %dma_wait3A, %dma_wait3A_253] : memref<16x10x64xf32, #tpu.memory_space<vmem>> -> memref<1x10x64xf32, #tpu.memory_space<vmem>>
      %dma_wait3A_255 = tpu.memref_squeeze %dma_wait3A_254 : memref<1x10x64xf32, #tpu.memory_space<vmem>> -> memref<10x64xf32, #tpu.memory_space<vmem>>
      %dma_wait3A_256 = arith.constant 0 : i32
      %dma_wait3A_257 = tpu.memref_slice %arg20[%add3A_92, %dma_wait3A_256] : memref<10240x64xf32, #tpu.memory_space<vmem_shared>> -> memref<10x64xf32, #tpu.memory_space<vmem_shared>>
      %dma_wait3A_258 = arith.constant 0 : i32
      %dma_wait3A_259 = arith.constant 0 : i32
      %dma_wait3A_260 = tpu.memref_slice %arg16[%run_scoped3A_93, %dma_wait3A_258, %dma_wait3A_259] : memref<16x10x64xf32, #tpu.memory_space<vmem>> -> memref<1x10x64xf32, #tpu.memory_space<vmem>>
      %dma_wait3A_261 = tpu.memref_squeeze %dma_wait3A_260 : memref<1x10x64xf32, #tpu.memory_space<vmem>> -> memref<10x64xf32, #tpu.memory_space<vmem>>
      %dma_wait3A_262 = arith.constant 0 : i32
      %dma_wait3A_263 = tpu.memref_slice %arg20[%add3A_92, %dma_wait3A_262] : memref<10240x64xf32, #tpu.memory_space<vmem_shared>> -> memref<10x64xf32, #tpu.memory_space<vmem_shared>>
      tpu.wait_dma2 semaphore(%run_scoped3A_240 : memref<!tpu.dma_semaphore, #tpu.memory_space<semaphore_mem>>) src(%dma_wait3A_263 : memref<10x64xf32, #tpu.memory_space<vmem_shared>>) dst(%dma_wait3A_261 : memref<10x64xf32, #tpu.memory_space<vmem>>)
      tpu.yield
    }) : () -> ()
    %mul3A_94 = arith.constant 10 : i32
    %mul3A_95 = arith.muli %arg1, %mul3A_94 : i32
    %add3A_96 = arith.constant 2080 : i32
    %add3A_97 = arith.addi %add3A_96, %mul3A_95 : i32
    %run_scoped3A_98 = arith.constant 13 : i32
    "tpu.region"() ({
      %run_scoped3A_240 = tpu.sem_alloc : memref<!tpu.dma_semaphore, #tpu.memory_space<semaphore_mem>>
      %dma_start3A_241 = arith.constant 0 : i32
      %dma_start3A_242 = arith.constant 0 : i32
      %dma_start3A_243 = tpu.memref_slice %arg16[%run_scoped3A_98, %dma_start3A_241, %dma_start3A_242] : memref<16x10x64xf32, #tpu.memory_space<vmem>> -> memref<1x10x64xf32, #tpu.memory_space<vmem>>
      %dma_start3A_244 = tpu.memref_squeeze %dma_start3A_243 : memref<1x10x64xf32, #tpu.memory_space<vmem>> -> memref<10x64xf32, #tpu.memory_space<vmem>>
      %dma_start3A_245 = arith.constant 0 : i32
      %dma_start3A_246 = tpu.memref_slice %arg20[%add3A_97, %dma_start3A_245] : memref<10240x64xf32, #tpu.memory_space<vmem_shared>> -> memref<10x64xf32, #tpu.memory_space<vmem_shared>>
      %dma_start3A_247 = arith.constant 0 : i32
      %dma_start3A_248 = arith.constant 0 : i32
      %dma_start3A_249 = tpu.memref_slice %arg16[%run_scoped3A_98, %dma_start3A_247, %dma_start3A_248] : memref<16x10x64xf32, #tpu.memory_space<vmem>> -> memref<1x10x64xf32, #tpu.memory_space<vmem>>
      %dma_start3A_250 = tpu.memref_squeeze %dma_start3A_249 : memref<1x10x64xf32, #tpu.memory_space<vmem>> -> memref<10x64xf32, #tpu.memory_space<vmem>>
      %dma_start3A_251 = arith.constant 0 : i32
      %dma_start3A_252 = tpu.memref_slice %arg20[%add3A_97, %dma_start3A_251] : memref<10240x64xf32, #tpu.memory_space<vmem_shared>> -> memref<10x64xf32, #tpu.memory_space<vmem_shared>>
      tpu.enqueue_dma source(%dma_start3A_252 : memref<10x64xf32, #tpu.memory_space<vmem_shared>>) target(%dma_start3A_250 : memref<10x64xf32, #tpu.memory_space<vmem>>) target_semaphore(%run_scoped3A_240 : memref<!tpu.dma_semaphore, #tpu.memory_space<semaphore_mem>>)
      %dma_wait3A = arith.constant 0 : i32
      %dma_wait3A_253 = arith.constant 0 : i32
      %dma_wait3A_254 = tpu.memref_slice %arg16[%run_scoped3A_98, %dma_wait3A, %dma_wait3A_253] : memref<16x10x64xf32, #tpu.memory_space<vmem>> -> memref<1x10x64xf32, #tpu.memory_space<vmem>>
      %dma_wait3A_255 = tpu.memref_squeeze %dma_wait3A_254 : memref<1x10x64xf32, #tpu.memory_space<vmem>> -> memref<10x64xf32, #tpu.memory_space<vmem>>
      %dma_wait3A_256 = arith.constant 0 : i32
      %dma_wait3A_257 = tpu.memref_slice %arg20[%add3A_97, %dma_wait3A_256] : memref<10240x64xf32, #tpu.memory_space<vmem_shared>> -> memref<10x64xf32, #tpu.memory_space<vmem_shared>>
      %dma_wait3A_258 = arith.constant 0 : i32
      %dma_wait3A_259 = arith.constant 0 : i32
      %dma_wait3A_260 = tpu.memref_slice %arg16[%run_scoped3A_98, %dma_wait3A_258, %dma_wait3A_259] : memref<16x10x64xf32, #tpu.memory_space<vmem>> -> memref<1x10x64xf32, #tpu.memory_space<vmem>>
      %dma_wait3A_261 = tpu.memref_squeeze %dma_wait3A_260 : memref<1x10x64xf32, #tpu.memory_space<vmem>> -> memref<10x64xf32, #tpu.memory_space<vmem>>
      %dma_wait3A_262 = arith.constant 0 : i32
      %dma_wait3A_263 = tpu.memref_slice %arg20[%add3A_97, %dma_wait3A_262] : memref<10240x64xf32, #tpu.memory_space<vmem_shared>> -> memref<10x64xf32, #tpu.memory_space<vmem_shared>>
      tpu.wait_dma2 semaphore(%run_scoped3A_240 : memref<!tpu.dma_semaphore, #tpu.memory_space<semaphore_mem>>) src(%dma_wait3A_263 : memref<10x64xf32, #tpu.memory_space<vmem_shared>>) dst(%dma_wait3A_261 : memref<10x64xf32, #tpu.memory_space<vmem>>)
      tpu.yield
    }) : () -> ()
    %mul3A_99 = arith.constant 10 : i32
    %mul3A_100 = arith.muli %arg1, %mul3A_99 : i32
    %add3A_101 = arith.constant 2240 : i32
    %add3A_102 = arith.addi %add3A_101, %mul3A_100 : i32
    %run_scoped3A_103 = arith.constant 14 : i32
    "tpu.region"() ({
      %run_scoped3A_240 = tpu.sem_alloc : memref<!tpu.dma_semaphore, #tpu.memory_space<semaphore_mem>>
      %dma_start3A_241 = arith.constant 0 : i32
      %dma_start3A_242 = arith.constant 0 : i32
      %dma_start3A_243 = tpu.memref_slice %arg16[%run_scoped3A_103, %dma_start3A_241, %dma_start3A_242] : memref<16x10x64xf32, #tpu.memory_space<vmem>> -> memref<1x10x64xf32, #tpu.memory_space<vmem>>
      %dma_start3A_244 = tpu.memref_squeeze %dma_start3A_243 : memref<1x10x64xf32, #tpu.memory_space<vmem>> -> memref<10x64xf32, #tpu.memory_space<vmem>>
      %dma_start3A_245 = arith.constant 0 : i32
      %dma_start3A_246 = tpu.memref_slice %arg20[%add3A_102, %dma_start3A_245] : memref<10240x64xf32, #tpu.memory_space<vmem_shared>> -> memref<10x64xf32, #tpu.memory_space<vmem_shared>>
      %dma_start3A_247 = arith.constant 0 : i32
      %dma_start3A_248 = arith.constant 0 : i32
      %dma_start3A_249 = tpu.memref_slice %arg16[%run_scoped3A_103, %dma_start3A_247, %dma_start3A_248] : memref<16x10x64xf32, #tpu.memory_space<vmem>> -> memref<1x10x64xf32, #tpu.memory_space<vmem>>
      %dma_start3A_250 = tpu.memref_squeeze %dma_start3A_249 : memref<1x10x64xf32, #tpu.memory_space<vmem>> -> memref<10x64xf32, #tpu.memory_space<vmem>>
      %dma_start3A_251 = arith.constant 0 : i32
      %dma_start3A_252 = tpu.memref_slice %arg20[%add3A_102, %dma_start3A_251] : memref<10240x64xf32, #tpu.memory_space<vmem_shared>> -> memref<10x64xf32, #tpu.memory_space<vmem_shared>>
      tpu.enqueue_dma source(%dma_start3A_252 : memref<10x64xf32, #tpu.memory_space<vmem_shared>>) target(%dma_start3A_250 : memref<10x64xf32, #tpu.memory_space<vmem>>) target_semaphore(%run_scoped3A_240 : memref<!tpu.dma_semaphore, #tpu.memory_space<semaphore_mem>>)
      %dma_wait3A = arith.constant 0 : i32
      %dma_wait3A_253 = arith.constant 0 : i32
      %dma_wait3A_254 = tpu.memref_slice %arg16[%run_scoped3A_103, %dma_wait3A, %dma_wait3A_253] : memref<16x10x64xf32, #tpu.memory_space<vmem>> -> memref<1x10x64xf32, #tpu.memory_space<vmem>>
      %dma_wait3A_255 = tpu.memref_squeeze %dma_wait3A_254 : memref<1x10x64xf32, #tpu.memory_space<vmem>> -> memref<10x64xf32, #tpu.memory_space<vmem>>
      %dma_wait3A_256 = arith.constant 0 : i32
      %dma_wait3A_257 = tpu.memref_slice %arg20[%add3A_102, %dma_wait3A_256] : memref<10240x64xf32, #tpu.memory_space<vmem_shared>> -> memref<10x64xf32, #tpu.memory_space<vmem_shared>>
      %dma_wait3A_258 = arith.constant 0 : i32
      %dma_wait3A_259 = arith.constant 0 : i32
      %dma_wait3A_260 = tpu.memref_slice %arg16[%run_scoped3A_103, %dma_wait3A_258, %dma_wait3A_259] : memref<16x10x64xf32, #tpu.memory_space<vmem>> -> memref<1x10x64xf32, #tpu.memory_space<vmem>>
      %dma_wait3A_261 = tpu.memref_squeeze %dma_wait3A_260 : memref<1x10x64xf32, #tpu.memory_space<vmem>> -> memref<10x64xf32, #tpu.memory_space<vmem>>
      %dma_wait3A_262 = arith.constant 0 : i32
      %dma_wait3A_263 = tpu.memref_slice %arg20[%add3A_102, %dma_wait3A_262] : memref<10240x64xf32, #tpu.memory_space<vmem_shared>> -> memref<10x64xf32, #tpu.memory_space<vmem_shared>>
      tpu.wait_dma2 semaphore(%run_scoped3A_240 : memref<!tpu.dma_semaphore, #tpu.memory_space<semaphore_mem>>) src(%dma_wait3A_263 : memref<10x64xf32, #tpu.memory_space<vmem_shared>>) dst(%dma_wait3A_261 : memref<10x64xf32, #tpu.memory_space<vmem>>)
      tpu.yield
    }) : () -> ()
    %mul3A_104 = arith.constant 10 : i32
    %mul3A_105 = arith.muli %arg1, %mul3A_104 : i32
    %add3A_106 = arith.constant 2400 : i32
    %add3A_107 = arith.addi %add3A_106, %mul3A_105 : i32
    %run_scoped3A_108 = arith.constant 15 : i32
    "tpu.region"() ({
      %run_scoped3A_240 = tpu.sem_alloc : memref<!tpu.dma_semaphore, #tpu.memory_space<semaphore_mem>>
      %dma_start3A_241 = arith.constant 0 : i32
      %dma_start3A_242 = arith.constant 0 : i32
      %dma_start3A_243 = tpu.memref_slice %arg16[%run_scoped3A_108, %dma_start3A_241, %dma_start3A_242] : memref<16x10x64xf32, #tpu.memory_space<vmem>> -> memref<1x10x64xf32, #tpu.memory_space<vmem>>
      %dma_start3A_244 = tpu.memref_squeeze %dma_start3A_243 : memref<1x10x64xf32, #tpu.memory_space<vmem>> -> memref<10x64xf32, #tpu.memory_space<vmem>>
      %dma_start3A_245 = arith.constant 0 : i32
      %dma_start3A_246 = tpu.memref_slice %arg20[%add3A_107, %dma_start3A_245] : memref<10240x64xf32, #tpu.memory_space<vmem_shared>> -> memref<10x64xf32, #tpu.memory_space<vmem_shared>>
      %dma_start3A_247 = arith.constant 0 : i32
      %dma_start3A_248 = arith.constant 0 : i32
      %dma_start3A_249 = tpu.memref_slice %arg16[%run_scoped3A_108, %dma_start3A_247, %dma_start3A_248] : memref<16x10x64xf32, #tpu.memory_space<vmem>> -> memref<1x10x64xf32, #tpu.memory_space<vmem>>
      %dma_start3A_250 = tpu.memref_squeeze %dma_start3A_249 : memref<1x10x64xf32, #tpu.memory_space<vmem>> -> memref<10x64xf32, #tpu.memory_space<vmem>>
      %dma_start3A_251 = arith.constant 0 : i32
      %dma_start3A_252 = tpu.memref_slice %arg20[%add3A_107, %dma_start3A_251] : memref<10240x64xf32, #tpu.memory_space<vmem_shared>> -> memref<10x64xf32, #tpu.memory_space<vmem_shared>>
      tpu.enqueue_dma source(%dma_start3A_252 : memref<10x64xf32, #tpu.memory_space<vmem_shared>>) target(%dma_start3A_250 : memref<10x64xf32, #tpu.memory_space<vmem>>) target_semaphore(%run_scoped3A_240 : memref<!tpu.dma_semaphore, #tpu.memory_space<semaphore_mem>>)
      %dma_wait3A = arith.constant 0 : i32
      %dma_wait3A_253 = arith.constant 0 : i32
      %dma_wait3A_254 = tpu.memref_slice %arg16[%run_scoped3A_108, %dma_wait3A, %dma_wait3A_253] : memref<16x10x64xf32, #tpu.memory_space<vmem>> -> memref<1x10x64xf32, #tpu.memory_space<vmem>>
      %dma_wait3A_255 = tpu.memref_squeeze %dma_wait3A_254 : memref<1x10x64xf32, #tpu.memory_space<vmem>> -> memref<10x64xf32, #tpu.memory_space<vmem>>
      %dma_wait3A_256 = arith.constant 0 : i32
      %dma_wait3A_257 = tpu.memref_slice %arg20[%add3A_107, %dma_wait3A_256] : memref<10240x64xf32, #tpu.memory_space<vmem_shared>> -> memref<10x64xf32, #tpu.memory_space<vmem_shared>>
      %dma_wait3A_258 = arith.constant 0 : i32
      %dma_wait3A_259 = arith.constant 0 : i32
      %dma_wait3A_260 = tpu.memref_slice %arg16[%run_scoped3A_108, %dma_wait3A_258, %dma_wait3A_259] : memref<16x10x64xf32, #tpu.memory_space<vmem>> -> memref<1x10x64xf32, #tpu.memory_space<vmem>>
      %dma_wait3A_261 = tpu.memref_squeeze %dma_wait3A_260 : memref<1x10x64xf32, #tpu.memory_space<vmem>> -> memref<10x64xf32, #tpu.memory_space<vmem>>
      %dma_wait3A_262 = arith.constant 0 : i32
      %dma_wait3A_263 = tpu.memref_slice %arg20[%add3A_107, %dma_wait3A_262] : memref<10240x64xf32, #tpu.memory_space<vmem_shared>> -> memref<10x64xf32, #tpu.memory_space<vmem_shared>>
      tpu.wait_dma2 semaphore(%run_scoped3A_240 : memref<!tpu.dma_semaphore, #tpu.memory_space<semaphore_mem>>) src(%dma_wait3A_263 : memref<10x64xf32, #tpu.memory_space<vmem_shared>>) dst(%dma_wait3A_261 : memref<10x64xf32, #tpu.memory_space<vmem>>)
      tpu.yield
    }) : () -> ()
    %barrier3A_109 = arith.constant 0 : index
    tpu.barrier barrier_id(%barrier3A_109)
    %scan3A_110 = arith.constant 0 : i32
    %scan3A_111 = arith.constant 0 : i32
    %scan3A_112 = arith.constant 40 : i32
    %scan3A_113 = arith.addi %scan3A_111, %scan3A_112 : i32
    %scan3A_114 = arith.constant 1 : i32
    %scan3A_115 = scf.for %scan3A_240 = %scan3A_111 to %scan3A_113 step %scan3A_114 iter_args(%scan3A_241 = %scan3A_110) -> (i32)  : i32 {
      %mul3A_242 = arith.constant 16 : i32
      %mul3A_243 = arith.muli %scan3A_240, %mul3A_242 : i32
      %shift_right_arithmetic3A = arith.constant 2 : i32
      %shift_right_arithmetic3A_244 = arith.shrsi %scan3A_240, %shift_right_arithmetic3A : i32
      %and3A = arith.constant 3 : i32
      %and3A_245 = arith.andi %scan3A_240, %and3A : i32
      %mul3A_246 = arith.constant 16 : i32
      %mul3A_247 = arith.muli %and3A_245, %mul3A_246 : i32
      %get3A = arith.constant 0 : i32
      %get3A_248 = arith.index_cast %get3A : i32 to index
      %get3A_249 = arith.index_cast %shift_right_arithmetic3A_244 : i32 to index
      %get3A_250 = arith.index_cast %mul3A_247 : i32 to index
      %get3A_251 = tpu.vector_load %arg16[%get3A_248, %get3A_249, %get3A_250] {strides = array<i32>} : memref<16x10x64xf32, #tpu.memory_space<vmem>>, vector<16xf32>,
      %get3A_252 = arith.constant 1 : i32
      %get3A_253 = arith.index_cast %get3A_252 : i32 to index
      %get3A_254 = arith.index_cast %shift_right_arithmetic3A_244 : i32 to index
      %get3A_255 = arith.index_cast %mul3A_247 : i32 to index
      %get3A_256 = tpu.vector_load %arg16[%get3A_253, %get3A_254, %get3A_255] {strides = array<i32>} : memref<16x10x64xf32, #tpu.memory_space<vmem>>, vector<16xf32>,
      %add3A_257 = arith.addf %get3A_251, %get3A_256 : vector<16xf32>
      %get3A_258 = arith.constant 2 : i32
      %get3A_259 = arith.index_cast %get3A_258 : i32 to index
      %get3A_260 = arith.index_cast %shift_right_arithmetic3A_244 : i32 to index
      %get3A_261 = arith.index_cast %mul3A_247 : i32 to index
      %get3A_262 = tpu.vector_load %arg16[%get3A_259, %get3A_260, %get3A_261] {strides = array<i32>} : memref<16x10x64xf32, #tpu.memory_space<vmem>>, vector<16xf32>,
      %add3A_263 = arith.addf %add3A_257, %get3A_262 : vector<16xf32>
      %get3A_264 = arith.constant 3 : i32
      %get3A_265 = arith.index_cast %get3A_264 : i32 to index
      %get3A_266 = arith.index_cast %shift_right_arithmetic3A_244 : i32 to index
      %get3A_267 = arith.index_cast %mul3A_247 : i32 to index
      %get3A_268 = tpu.vector_load %arg16[%get3A_265, %get3A_266, %get3A_267] {strides = array<i32>} : memref<16x10x64xf32, #tpu.memory_space<vmem>>, vector<16xf32>,
      %add3A_269 = arith.addf %add3A_263, %get3A_268 : vector<16xf32>
      %get3A_270 = arith.constant 4 : i32
      %get3A_271 = arith.index_cast %get3A_270 : i32 to index
      %get3A_272 = arith.index_cast %shift_right_arithmetic3A_244 : i32 to index
      %get3A_273 = arith.index_cast %mul3A_247 : i32 to index
      %get3A_274 = tpu.vector_load %arg16[%get3A_271, %get3A_272, %get3A_273] {strides = array<i32>} : memref<16x10x64xf32, #tpu.memory_space<vmem>>, vector<16xf32>,
      %add3A_275 = arith.addf %add3A_269, %get3A_274 : vector<16xf32>
      %get3A_276 = arith.constant 5 : i32
      %get3A_277 = arith.index_cast %get3A_276 : i32 to index
      %get3A_278 = arith.index_cast %shift_right_arithmetic3A_244 : i32 to index
      %get3A_279 = arith.index_cast %mul3A_247 : i32 to index
      %get3A_280 = tpu.vector_load %arg16[%get3A_277, %get3A_278, %get3A_279] {strides = array<i32>} : memref<16x10x64xf32, #tpu.memory_space<vmem>>, vector<16xf32>,
      %add3A_281 = arith.addf %add3A_275, %get3A_280 : vector<16xf32>
      %get3A_282 = arith.constant 6 : i32
      %get3A_283 = arith.index_cast %get3A_282 : i32 to index
      %get3A_284 = arith.index_cast %shift_right_arithmetic3A_244 : i32 to index
      %get3A_285 = arith.index_cast %mul3A_247 : i32 to index
      %get3A_286 = tpu.vector_load %arg16[%get3A_283, %get3A_284, %get3A_285] {strides = array<i32>} : memref<16x10x64xf32, #tpu.memory_space<vmem>>, vector<16xf32>,
      %add3A_287 = arith.addf %add3A_281, %get3A_286 : vector<16xf32>
      %get3A_288 = arith.constant 7 : i32
      %get3A_289 = arith.index_cast %get3A_288 : i32 to index
      %get3A_290 = arith.index_cast %shift_right_arithmetic3A_244 : i32 to index
      %get3A_291 = arith.index_cast %mul3A_247 : i32 to index
      %get3A_292 = tpu.vector_load %arg16[%get3A_289, %get3A_290, %get3A_291] {strides = array<i32>} : memref<16x10x64xf32, #tpu.memory_space<vmem>>, vector<16xf32>,
      %add3A_293 = arith.addf %add3A_287, %get3A_292 : vector<16xf32>
      %get3A_294 = arith.constant 8 : i32
      %get3A_295 = arith.index_cast %get3A_294 : i32 to index
      %get3A_296 = arith.index_cast %shift_right_arithmetic3A_244 : i32 to index
      %get3A_297 = arith.index_cast %mul3A_247 : i32 to index
      %get3A_298 = tpu.vector_load %arg16[%get3A_295, %get3A_296, %get3A_297] {strides = array<i32>} : memref<16x10x64xf32, #tpu.memory_space<vmem>>, vector<16xf32>,
      %add3A_299 = arith.addf %add3A_293, %get3A_298 : vector<16xf32>
      %get3A_300 = arith.constant 9 : i32
      %get3A_301 = arith.index_cast %get3A_300 : i32 to index
      %get3A_302 = arith.index_cast %shift_right_arithmetic3A_244 : i32 to index
      %get3A_303 = arith.index_cast %mul3A_247 : i32 to index
      %get3A_304 = tpu.vector_load %arg16[%get3A_301, %get3A_302, %get3A_303] {strides = array<i32>} : memref<16x10x64xf32, #tpu.memory_space<vmem>>, vector<16xf32>,
      %add3A_305 = arith.addf %add3A_299, %get3A_304 : vector<16xf32>
      %get3A_306 = arith.constant 10 : i32
      %get3A_307 = arith.index_cast %get3A_306 : i32 to index
      %get3A_308 = arith.index_cast %shift_right_arithmetic3A_244 : i32 to index
      %get3A_309 = arith.index_cast %mul3A_247 : i32 to index
      %get3A_310 = tpu.vector_load %arg16[%get3A_307, %get3A_308, %get3A_309] {strides = array<i32>} : memref<16x10x64xf32, #tpu.memory_space<vmem>>, vector<16xf32>,
      %add3A_311 = arith.addf %add3A_305, %get3A_310 : vector<16xf32>
      %get3A_312 = arith.constant 11 : i32
      %get3A_313 = arith.index_cast %get3A_312 : i32 to index
      %get3A_314 = arith.index_cast %shift_right_arithmetic3A_244 : i32 to index
      %get3A_315 = arith.index_cast %mul3A_247 : i32 to index
      %get3A_316 = tpu.vector_load %arg16[%get3A_313, %get3A_314, %get3A_315] {strides = array<i32>} : memref<16x10x64xf32, #tpu.memory_space<vmem>>, vector<16xf32>,
      %add3A_317 = arith.addf %add3A_311, %get3A_316 : vector<16xf32>
      %get3A_318 = arith.constant 12 : i32
      %get3A_319 = arith.index_cast %get3A_318 : i32 to index
      %get3A_320 = arith.index_cast %shift_right_arithmetic3A_244 : i32 to index
      %get3A_321 = arith.index_cast %mul3A_247 : i32 to index
      %get3A_322 = tpu.vector_load %arg16[%get3A_319, %get3A_320, %get3A_321] {strides = array<i32>} : memref<16x10x64xf32, #tpu.memory_space<vmem>>, vector<16xf32>,
      %add3A_323 = arith.addf %add3A_317, %get3A_322 : vector<16xf32>
      %get3A_324 = arith.constant 13 : i32
      %get3A_325 = arith.index_cast %get3A_324 : i32 to index
      %get3A_326 = arith.index_cast %shift_right_arithmetic3A_244 : i32 to index
      %get3A_327 = arith.index_cast %mul3A_247 : i32 to index
      %get3A_328 = tpu.vector_load %arg16[%get3A_325, %get3A_326, %get3A_327] {strides = array<i32>} : memref<16x10x64xf32, #tpu.memory_space<vmem>>, vector<16xf32>,
      %add3A_329 = arith.addf %add3A_323, %get3A_328 : vector<16xf32>
      %get3A_330 = arith.constant 14 : i32
      %get3A_331 = arith.index_cast %get3A_330 : i32 to index
      %get3A_332 = arith.index_cast %shift_right_arithmetic3A_244 : i32 to index
      %get3A_333 = arith.index_cast %mul3A_247 : i32 to index
      %get3A_334 = tpu.vector_load %arg16[%get3A_331, %get3A_332, %get3A_333] {strides = array<i32>} : memref<16x10x64xf32, #tpu.memory_space<vmem>>, vector<16xf32>,
      %add3A_335 = arith.addf %add3A_329, %get3A_334 : vector<16xf32>
      %get3A_336 = arith.constant 15 : i32
      %get3A_337 = arith.index_cast %get3A_336 : i32 to index
      %get3A_338 = arith.index_cast %shift_right_arithmetic3A_244 : i32 to index
      %get3A_339 = arith.index_cast %mul3A_247 : i32 to index
      %get3A_340 = tpu.vector_load %arg16[%get3A_337, %get3A_338, %get3A_339] {strides = array<i32>} : memref<16x10x64xf32, #tpu.memory_space<vmem>>, vector<16xf32>,
      %add3A_341 = arith.addf %add3A_335, %get3A_340 : vector<16xf32>
      %bitcast_convert_type3A = tpu.bitcast %add3A_341 : vector<16xf32> -> vector<16xi32>
      %shift_right_arithmetic3A_342 = arith.constant 1 : i32
      %shift_right_arithmetic3A_343 = vector.broadcast %shift_right_arithmetic3A_342 : i32 to vector<16xi32>
      %shift_right_arithmetic3A_344 = arith.shrsi %bitcast_convert_type3A, %shift_right_arithmetic3A_343 : vector<16xi32>
      %sub3A = arith.constant 1597463007 : i32
      %sub3A_345 = vector.broadcast %sub3A : i32 to vector<16xi32>
      %sub3A_346 = arith.subi %sub3A_345, %shift_right_arithmetic3A_344 : vector<16xi32>
      %bitcast_convert_type3A_347 = tpu.bitcast %sub3A_346 : vector<16xi32> -> vector<16xf32>
      %mul3A_348 = arith.constant 5.000000e-01 : f32
      %mul3A_349 = vector.broadcast %mul3A_348 : f32 to vector<16xf32>
      %mul3A_350 = arith.mulf %mul3A_349, %add3A_341 : vector<16xf32>
      %mul3A_351 = arith.mulf %mul3A_350, %bitcast_convert_type3A_347 : vector<16xf32>
      %mul3A_352 = arith.mulf %mul3A_351, %bitcast_convert_type3A_347 : vector<16xf32>
      %sub3A_353 = arith.constant 1.500000e+00 : f32
      %sub3A_354 = vector.broadcast %sub3A_353 : f32 to vector<16xf32>
      %sub3A_355 = arith.subf %sub3A_354, %mul3A_352 : vector<16xf32>
      %mul3A_356 = arith.mulf %bitcast_convert_type3A_347, %sub3A_355 : vector<16xf32>
      %mul3A_357 = arith.constant 5.000000e-01 : f32
      %mul3A_358 = vector.broadcast %mul3A_357 : f32 to vector<16xf32>
      %mul3A_359 = arith.mulf %mul3A_358, %add3A_341 : vector<16xf32>
      %mul3A_360 = arith.mulf %mul3A_359, %mul3A_356 : vector<16xf32>
      %mul3A_361 = arith.mulf %mul3A_360, %mul3A_356 : vector<16xf32>
      %sub3A_362 = arith.constant 1.500000e+00 : f32
      %sub3A_363 = vector.broadcast %sub3A_362 : f32 to vector<16xf32>
      %sub3A_364 = arith.subf %sub3A_363, %mul3A_361 : vector<16xf32>
      %mul3A_365 = arith.mulf %mul3A_356, %sub3A_364 : vector<16xf32>
      %mul3A_366 = arith.constant 5.000000e-01 : f32
      %mul3A_367 = vector.broadcast %mul3A_366 : f32 to vector<16xf32>
      %mul3A_368 = arith.mulf %mul3A_367, %add3A_341 : vector<16xf32>
      %mul3A_369 = arith.mulf %mul3A_368, %mul3A_365 : vector<16xf32>
      %mul3A_370 = arith.mulf %mul3A_369, %mul3A_365 : vector<16xf32>
      %sub3A_371 = arith.constant 1.500000e+00 : f32
      %sub3A_372 = vector.broadcast %sub3A_371 : f32 to vector<16xf32>
      %sub3A_373 = arith.subf %sub3A_372, %mul3A_370 : vector<16xf32>
      %mul3A_374 = arith.mulf %mul3A_365, %sub3A_373 : vector<16xf32>
      %gt3A = arith.constant 0.000000e+00 : f32
      %gt3A_375 = vector.broadcast %gt3A : f32 to vector<16xf32>
      %gt3A_376 = arith.cmpf ogt, %add3A_341, %gt3A_375 : vector<16xf32>
      %jit3A = arith.constant 0.000000e+00 : f32
      %broadcast_in_dim3A_377 = vector.broadcast %jit3A : f32 to vector<16xf32>
      %select_n3A = arith.select %gt3A_376, %mul3A_374, %broadcast_in_dim3A_377 : vector<16xi1>, vector<16xf32>
      %swap3A = arith.index_cast %mul3A_243 : i32 to index
      %swap3A_378 = tpu.vector_load %arg17[%swap3A] {strides = array<i32>} : memref<640xf32, #tpu.memory_space<vmem>>, vector<16xf32>,
      tpu.vector_store %arg17[%swap3A], %select_n3A {strides = array<i32>} : memref<640xf32, #tpu.memory_space<vmem>>, vector<16xf32>,
      %mul3A_379 = arith.mulf %select_n3A, %select_n3A : vector<16xf32>
      %swap3A_380 = arith.index_cast %mul3A_243 : i32 to index
      %swap3A_381 = tpu.vector_load %arg18[%swap3A_380] {strides = array<i32>} : memref<640xf32, #tpu.memory_space<vmem>>, vector<16xf32>,
      tpu.vector_store %arg18[%swap3A_380], %mul3A_379 {strides = array<i32>} : memref<640xf32, #tpu.memory_space<vmem>>, vector<16xf32>,
      %mul3A_382 = arith.mulf %add3A_341, %select_n3A : vector<16xf32>
      %swap3A_383 = arith.index_cast %mul3A_243 : i32 to index
      %swap3A_384 = tpu.vector_load %arg19[%swap3A_383] {strides = array<i32>} : memref<640xf32, #tpu.memory_space<vmem>>, vector<16xf32>,
      tpu.vector_store %arg19[%swap3A_383], %mul3A_382 {strides = array<i32>} : memref<640xf32, #tpu.memory_space<vmem>>, vector<16xf32>,
      %scan3A_385 = arith.constant 0 : i32
      scf.yield %scan3A_385 : i32
    }
    %scan3A_116 = arith.constant 40 : i32
    %eq3A = arith.constant 0 : i32
    %eq3A_117 = arith.cmpi eq, %arg0, %eq3A : i32
    %convert_element_type3A = arith.extui %eq3A_117 : i1 to i32
    %cond3A = arith.constant 0 : i32
    %cond3A_118 = arith.cmpi ne, %convert_element_type3A, %cond3A : i32
    scf.if %cond3A_118 {
      "tpu.region"() ({
        %run_scoped3A_240 = tpu.sem_alloc : memref<!tpu.dma_semaphore, #tpu.memory_space<semaphore_mem>>
        %dma_start3A_241 = tpu.memref_slice %arg9[%mul3A_0] : memref<10240xf32, #tpu.memory_space<hbm>> -> memref<640xf32, #tpu.memory_space<hbm>>
        %dma_start3A_242 = tpu.memref_slice %arg9[%mul3A_0] : memref<10240xf32, #tpu.memory_space<hbm>> -> memref<640xf32, #tpu.memory_space<hbm>>
        tpu.enqueue_dma source(%arg19 : memref<640xf32, #tpu.memory_space<vmem>>) target(%dma_start3A_242 : memref<640xf32, #tpu.memory_space<hbm>>) target_semaphore(%run_scoped3A_240 : memref<!tpu.dma_semaphore, #tpu.memory_space<semaphore_mem>>)
        %dma_wait3A = tpu.memref_slice %arg9[%mul3A_0] : memref<10240xf32, #tpu.memory_space<hbm>> -> memref<640xf32, #tpu.memory_space<hbm>>
        %dma_wait3A_243 = tpu.memref_slice %arg9[%mul3A_0] : memref<10240xf32, #tpu.memory_space<hbm>> -> memref<640xf32, #tpu.memory_space<hbm>>
        tpu.wait_dma2 semaphore(%run_scoped3A_240 : memref<!tpu.dma_semaphore, #tpu.memory_space<semaphore_mem>>) src(%arg19 : memref<640xf32, #tpu.memory_space<vmem>>) dst(%dma_wait3A_243 : memref<640xf32, #tpu.memory_space<hbm>>)
        tpu.yield
      }) : () -> ()
    } else {
    }
    %scan3A_119 = arith.constant 0 : i32
    %scan3A_120 = arith.constant 0 : i32
    %scan3A_121 = arith.constant 4 : i32
    %scan3A_122 = arith.addi %scan3A_120, %scan3A_121 : i32
    %scan3A_123 = arith.constant 1 : i32
    %scan3A_124 = scf.for %scan3A_240 = %scan3A_120 to %scan3A_122 step %scan3A_123 iter_args(%scan3A_241 = %scan3A_119) -> (i32)  : i32 {
      %mul3A_242 = arith.constant 160 : i32
      %mul3A_243 = arith.muli %scan3A_240, %mul3A_242 : i32
      %add3A_244 = arith.addi %mul3A_0, %mul3A_243 : i32
      %mul3A_245 = arith.constant 10240 : i32
      %mul3A_246 = arith.muli %arg0, %mul3A_245 : i32
      %add3A_247 = arith.addi %mul3A_246, %add3A_244 : i32
      "tpu.region"() ({
        %run_scoped3A_259 = tpu.sem_alloc : memref<!tpu.dma_semaphore, #tpu.memory_space<semaphore_mem>>
        %dma_start3A_260 = arith.constant 0 : i32
        %dma_start3A_261 = tpu.memref_slice %arg2[%add3A_247, %dma_start3A_260] : memref<20480x64xf32, #tpu.memory_space<hbm>> -> memref<160x64xf32, #tpu.memory_space<hbm>>
        %dma_start3A_262 = arith.constant 0 : i32
        %dma_start3A_263 = tpu.memref_slice %arg2[%add3A_247, %dma_start3A_262] : memref<20480x64xf32, #tpu.memory_space<hbm>> -> memref<160x64xf32, #tpu.memory_space<hbm>>
        tpu.enqueue_dma source(%dma_start3A_263 : memref<160x64xf32, #tpu.memory_space<hbm>>) target(%arg14 : memref<160x64xf32, #tpu.memory_space<vmem>>) target_semaphore(%run_scoped3A_259 : memref<!tpu.dma_semaphore, #tpu.memory_space<semaphore_mem>>)
        %dma_wait3A = arith.constant 0 : i32
        %dma_wait3A_264 = tpu.memref_slice %arg2[%add3A_247, %dma_wait3A] : memref<20480x64xf32, #tpu.memory_space<hbm>> -> memref<160x64xf32, #tpu.memory_space<hbm>>
        %dma_wait3A_265 = arith.constant 0 : i32
        %dma_wait3A_266 = tpu.memref_slice %arg2[%add3A_247, %dma_wait3A_265] : memref<20480x64xf32, #tpu.memory_space<hbm>> -> memref<160x64xf32, #tpu.memory_space<hbm>>
        tpu.wait_dma2 semaphore(%run_scoped3A_259 : memref<!tpu.dma_semaphore, #tpu.memory_space<semaphore_mem>>) src(%dma_wait3A_266 : memref<160x64xf32, #tpu.memory_space<hbm>>) dst(%arg14 : memref<160x64xf32, #tpu.memory_space<vmem>>)
        tpu.yield
      }) : () -> ()
      %scan3A_248 = arith.constant 0 : i32
      %scan3A_249 = arith.constant 0 : i32
      %scan3A_250 = arith.constant 160 : i32
      %scan3A_251 = arith.addi %scan3A_249, %scan3A_250 : i32
      %scan3A_252 = arith.constant 1 : i32
      %scan3A_253 = scf.for %scan3A_259 = %scan3A_249 to %scan3A_251 step %scan3A_252 iter_args(%scan3A_260 = %scan3A_248) -> (i32)  : i32 {
        %mul3A_261 = arith.constant 160 : i32
        %mul3A_262 = arith.muli %scan3A_240, %mul3A_261 : i32
        %add3A_263 = arith.addi %mul3A_262, %scan3A_259 : i32
        %broadcast_in_dim3A_264 = arith.constant 0 : i32
        %broadcast_in_dim3A_265 = vector.broadcast %broadcast_in_dim3A_264 : i32 to vector<16xi32>
        %add3A_266 = vector.broadcast %add3A_263 : i32 to vector<16xi32>
        %add3A_267 = arith.addi %broadcast_in_dim3A_265, %add3A_266 : vector<16xi32>
        %gather3A = tpu.vector_load_idx %arg17[%add3A_267] : memref<640xf32, #tpu.memory_space<vmem>>[vector<16xi32>], vector<16xf32>,
        %get3A = arith.index_cast %scan3A_259 : i32 to index
        %get3A_268 = arith.constant 0 : index
        %get3A_269 = tpu.vector_load %arg14[%get3A, %get3A_268] {strides = array<i32>} : memref<160x64xf32, #tpu.memory_space<vmem>>, vector<16xf32>,
        %mul3A_270 = arith.mulf %get3A_269, %gather3A : vector<16xf32>
        %swap3A = arith.index_cast %scan3A_259 : i32 to index
        %swap3A_271 = arith.constant 0 : index
        %swap3A_272 = tpu.vector_load %arg14[%swap3A, %swap3A_271] {strides = array<i32>} : memref<160x64xf32, #tpu.memory_space<vmem>>, vector<16xf32>,
        tpu.vector_store %arg14[%swap3A, %swap3A_271], %mul3A_270 {strides = array<i32>} : memref<160x64xf32, #tpu.memory_space<vmem>>, vector<16xf32>,
        %get3A_273 = arith.index_cast %scan3A_259 : i32 to index
        %get3A_274 = arith.constant 16 : index
        %get3A_275 = tpu.vector_load %arg14[%get3A_273, %get3A_274] {strides = array<i32>} : memref<160x64xf32, #tpu.memory_space<vmem>>, vector<16xf32>,
        %mul3A_276 = arith.mulf %get3A_275, %gather3A : vector<16xf32>
        %swap3A_277 = arith.index_cast %scan3A_259 : i32 to index
        %swap3A_278 = arith.constant 16 : index
        %swap3A_279 = tpu.vector_load %arg14[%swap3A_277, %swap3A_278] {strides = array<i32>} : memref<160x64xf32, #tpu.memory_space<vmem>>, vector<16xf32>,
        tpu.vector_store %arg14[%swap3A_277, %swap3A_278], %mul3A_276 {strides = array<i32>} : memref<160x64xf32, #tpu.memory_space<vmem>>, vector<16xf32>,
        %get3A_280 = arith.index_cast %scan3A_259 : i32 to index
        %get3A_281 = arith.constant 32 : index
        %get3A_282 = tpu.vector_load %arg14[%get3A_280, %get3A_281] {strides = array<i32>} : memref<160x64xf32, #tpu.memory_space<vmem>>, vector<16xf32>,
        %mul3A_283 = arith.mulf %get3A_282, %gather3A : vector<16xf32>
        %swap3A_284 = arith.index_cast %scan3A_259 : i32 to index
        %swap3A_285 = arith.constant 32 : index
        %swap3A_286 = tpu.vector_load %arg14[%swap3A_284, %swap3A_285] {strides = array<i32>} : memref<160x64xf32, #tpu.memory_space<vmem>>, vector<16xf32>,
        tpu.vector_store %arg14[%swap3A_284, %swap3A_285], %mul3A_283 {strides = array<i32>} : memref<160x64xf32, #tpu.memory_space<vmem>>, vector<16xf32>,
        %get3A_287 = arith.index_cast %scan3A_259 : i32 to index
        %get3A_288 = arith.constant 48 : index
        %get3A_289 = tpu.vector_load %arg14[%get3A_287, %get3A_288] {strides = array<i32>} : memref<160x64xf32, #tpu.memory_space<vmem>>, vector<16xf32>,
        %mul3A_290 = arith.mulf %get3A_289, %gather3A : vector<16xf32>
        %swap3A_291 = arith.index_cast %scan3A_259 : i32 to index
        %swap3A_292 = arith.constant 48 : index
        %swap3A_293 = tpu.vector_load %arg14[%swap3A_291, %swap3A_292] {strides = array<i32>} : memref<160x64xf32, #tpu.memory_space<vmem>>, vector<16xf32>,
        tpu.vector_store %arg14[%swap3A_291, %swap3A_292], %mul3A_290 {strides = array<i32>} : memref<160x64xf32, #tpu.memory_space<vmem>>, vector<16xf32>,
        %scan3A_294 = arith.constant 0 : i32
        scf.yield %scan3A_294 : i32
      }
      %scan3A_254 = arith.constant 160 : i32
      %mul3A_255 = arith.constant 10240 : i32
      %mul3A_256 = arith.muli %arg0, %mul3A_255 : i32
      %add3A_257 = arith.addi %mul3A_256, %add3A_244 : i32
      "tpu.region"() ({
        %run_scoped3A_259 = tpu.sem_alloc : memref<!tpu.dma_semaphore, #tpu.memory_space<semaphore_mem>>
        %dma_start3A_260 = arith.constant 0 : i32
        %dma_start3A_261 = tpu.memref_slice %arg5[%add3A_257, %dma_start3A_260] : memref<20480x64xf32, #tpu.memory_space<hbm>> -> memref<160x64xf32, #tpu.memory_space<hbm>>
        %dma_start3A_262 = arith.constant 0 : i32
        %dma_start3A_263 = tpu.memref_slice %arg5[%add3A_257, %dma_start3A_262] : memref<20480x64xf32, #tpu.memory_space<hbm>> -> memref<160x64xf32, #tpu.memory_space<hbm>>
        tpu.enqueue_dma source(%arg14 : memref<160x64xf32, #tpu.memory_space<vmem>>) target(%dma_start3A_263 : memref<160x64xf32, #tpu.memory_space<hbm>>) target_semaphore(%run_scoped3A_259 : memref<!tpu.dma_semaphore, #tpu.memory_space<semaphore_mem>>)
        %dma_wait3A = arith.constant 0 : i32
        %dma_wait3A_264 = tpu.memref_slice %arg5[%add3A_257, %dma_wait3A] : memref<20480x64xf32, #tpu.memory_space<hbm>> -> memref<160x64xf32, #tpu.memory_space<hbm>>
        %dma_wait3A_265 = arith.constant 0 : i32
        %dma_wait3A_266 = tpu.memref_slice %arg5[%add3A_257, %dma_wait3A_265] : memref<20480x64xf32, #tpu.memory_space<hbm>> -> memref<160x64xf32, #tpu.memory_space<hbm>>
        tpu.wait_dma2 semaphore(%run_scoped3A_259 : memref<!tpu.dma_semaphore, #tpu.memory_space<semaphore_mem>>) src(%arg14 : memref<160x64xf32, #tpu.memory_space<vmem>>) dst(%dma_wait3A_266 : memref<160x64xf32, #tpu.memory_space<hbm>>)
        tpu.yield
      }) : () -> ()
      %scan3A_258 = arith.constant 0 : i32
      scf.yield %scan3A_258 : i32
    }
    %scan3A_125 = arith.constant 4 : i32
    %barrier3A_126 = arith.constant 0 : index
    tpu.barrier barrier_id(%barrier3A_126)
    %scan3A_127 = arith.constant 0 : i32
    %scan3A_128 = arith.constant 0 : i32
    %scan3A_129 = arith.constant 20 : i32
    %scan3A_130 = arith.addi %scan3A_128, %scan3A_129 : i32
    %scan3A_131 = arith.constant 1 : i32
    %scan3A_132 = scf.for %scan3A_240 = %scan3A_128 to %scan3A_130 step %scan3A_131 iter_args(%scan3A_241 = %scan3A_127) -> (i32)  : i32 {
      %mul3A_242 = arith.constant 32 : i32
      %mul3A_243 = arith.muli %scan3A_240, %mul3A_242 : i32
      %add3A_244 = arith.addi %mul3A_0, %mul3A_243 : i32
      "tpu.region"() ({
        %run_scoped3A_246 = tpu.sem_alloc : memref<!tpu.dma_semaphore, #tpu.memory_space<semaphore_mem>>
        %dma_start3A_247 = arith.constant 0 : i32
        %dma_start3A_248 = tpu.memref_slice %arg20[%add3A_244, %dma_start3A_247] : memref<10240x64xf32, #tpu.memory_space<vmem_shared>> -> memref<32x64xf32, #tpu.memory_space<vmem_shared>>
        %dma_start3A_249 = arith.constant 0 : i32
        %dma_start3A_250 = tpu.memref_slice %arg20[%add3A_244, %dma_start3A_249] : memref<10240x64xf32, #tpu.memory_space<vmem_shared>> -> memref<32x64xf32, #tpu.memory_space<vmem_shared>>
        tpu.enqueue_dma source(%arg15 : memref<32x64xf32, #tpu.memory_space<vmem>>) target(%dma_start3A_250 : memref<32x64xf32, #tpu.memory_space<vmem_shared>>) target_semaphore(%run_scoped3A_246 : memref<!tpu.dma_semaphore, #tpu.memory_space<semaphore_mem>>)
        %dma_wait3A = arith.constant 0 : i32
        %dma_wait3A_251 = tpu.memref_slice %arg20[%add3A_244, %dma_wait3A] : memref<10240x64xf32, #tpu.memory_space<vmem_shared>> -> memref<32x64xf32, #tpu.memory_space<vmem_shared>>
        %dma_wait3A_252 = arith.constant 0 : i32
        %dma_wait3A_253 = tpu.memref_slice %arg20[%add3A_244, %dma_wait3A_252] : memref<10240x64xf32, #tpu.memory_space<vmem_shared>> -> memref<32x64xf32, #tpu.memory_space<vmem_shared>>
        tpu.wait_dma2 semaphore(%run_scoped3A_246 : memref<!tpu.dma_semaphore, #tpu.memory_space<semaphore_mem>>) src(%arg15 : memref<32x64xf32, #tpu.memory_space<vmem>>) dst(%dma_wait3A_253 : memref<32x64xf32, #tpu.memory_space<vmem_shared>>)
        tpu.yield
      }) : () -> ()
      %scan3A_245 = arith.constant 0 : i32
      scf.yield %scan3A_245 : i32
    }
    %scan3A_133 = arith.constant 20 : i32
    %barrier3A_134 = arith.constant 0 : index
    tpu.barrier barrier_id(%barrier3A_134)
    %dma_start3A = arith.constant 0 : i32
    %dma_start3A_135 = arith.constant 0 : i32
    %dma_start3A_136 = tpu.memref_slice %arg10[%dma_start3A, %dma_start3A_135] : memref<160x128xi32, #tpu.memory_space<vmem>> -> memref<1x128xi32, #tpu.memory_space<vmem>>
    %dma_start3A_137 = tpu.memref_squeeze %dma_start3A_136 : memref<1x128xi32, #tpu.memory_space<vmem>> -> memref<128xi32, #tpu.memory_space<vmem>>
    %dma_start3A_138 = arith.constant 0 : i32
    %dma_start3A_139 = arith.constant 0 : i32
    %dma_start3A_140 = tpu.memref_slice %arg5[%dma_start3A_138, %dma_start3A_139] : memref<20480x64xf32, #tpu.memory_space<hbm>> -> memref<20480x64xf32, #tpu.memory_space<hbm>>
    tpu.enqueue_indirect_dma source(%dma_start3A_140 : memref<20480x64xf32, #tpu.memory_space<hbm>>) target(%arg12 : memref<128x64xf32, #tpu.memory_space<vmem>>) offsets(%dma_start3A_137 : memref<128xi32, #tpu.memory_space<vmem>>) semaphore(%arg21 : memref<!tpu.dma_semaphore, #tpu.memory_space<semaphore_mem>>)
    %dma_start3A_141 = arith.constant 1 : i32
    %dma_start3A_142 = arith.constant 0 : i32
    %dma_start3A_143 = tpu.memref_slice %arg10[%dma_start3A_141, %dma_start3A_142] : memref<160x128xi32, #tpu.memory_space<vmem>> -> memref<1x128xi32, #tpu.memory_space<vmem>>
    %dma_start3A_144 = tpu.memref_squeeze %dma_start3A_143 : memref<1x128xi32, #tpu.memory_space<vmem>> -> memref<128xi32, #tpu.memory_space<vmem>>
    %dma_start3A_145 = arith.constant 0 : i32
    %dma_start3A_146 = arith.constant 0 : i32
    %dma_start3A_147 = tpu.memref_slice %arg5[%dma_start3A_145, %dma_start3A_146] : memref<20480x64xf32, #tpu.memory_space<hbm>> -> memref<20480x64xf32, #tpu.memory_space<hbm>>
    tpu.enqueue_indirect_dma source(%dma_start3A_147 : memref<20480x64xf32, #tpu.memory_space<hbm>>) target(%arg13 : memref<128x64xf32, #tpu.memory_space<vmem>>) offsets(%dma_start3A_144 : memref<128xi32, #tpu.memory_space<vmem>>) semaphore(%arg22 : memref<!tpu.dma_semaphore, #tpu.memory_space<semaphore_mem>>)
    %scan3A_148 = arith.constant 0 : i32
    %scan3A_149 = arith.constant 0 : i32
    %scan3A_150 = arith.constant 80 : i32
    %scan3A_151 = arith.addi %scan3A_149, %scan3A_150 : i32
    %scan3A_152 = arith.constant 1 : i32
    %scan3A_153 = scf.for %scan3A_240 = %scan3A_149 to %scan3A_151 step %scan3A_152 iter_args(%scan3A_241 = %scan3A_148) -> (i32)  : i32 {
      %mul3A_242 = arith.constant 2 : i32
      %mul3A_243 = arith.muli %scan3A_240, %mul3A_242 : i32
      %add3A_244 = arith.constant 1 : i32
      %add3A_245 = arith.addi %mul3A_243, %add3A_244 : i32
      %dma_wait3A = arith.constant 0 : i32
      %dma_wait3A_246 = arith.constant 0 : i32
      %dma_wait3A_247 = tpu.memref_slice %arg10[%dma_wait3A, %dma_wait3A_246] : memref<160x128xi32, #tpu.memory_space<vmem>> -> memref<1x128xi32, #tpu.memory_space<vmem>>
      %dma_wait3A_248 = tpu.memref_squeeze %dma_wait3A_247 : memref<1x128xi32, #tpu.memory_space<vmem>> -> memref<128xi32, #tpu.memory_space<vmem>>
      %dma_wait3A_249 = arith.constant 0 : i32
      %dma_wait3A_250 = arith.constant 0 : i32
      %dma_wait3A_251 = tpu.memref_slice %arg5[%dma_wait3A_249, %dma_wait3A_250] : memref<20480x64xf32, #tpu.memory_space<hbm>> -> memref<20480x64xf32, #tpu.memory_space<hbm>>
      tpu.wait_indirect_dma semaphore(%arg21 : memref<!tpu.dma_semaphore, #tpu.memory_space<semaphore_mem>>) src(%dma_wait3A_251 : memref<20480x64xf32, #tpu.memory_space<hbm>>) dst(%arg12 : memref<128x64xf32, #tpu.memory_space<vmem>>)
      "tpu.region"() ({
        %run_scoped3A_269 = tpu.sem_alloc : memref<!tpu.dma_semaphore, #tpu.memory_space<semaphore_mem>>
        %dma_start3A_270 = arith.constant 0 : i32
        %dma_start3A_271 = tpu.memref_slice %arg11[%mul3A_243, %dma_start3A_270] : memref<160x128xi32, #tpu.memory_space<vmem>> -> memref<1x128xi32, #tpu.memory_space<vmem>>
        %dma_start3A_272 = tpu.memref_squeeze %dma_start3A_271 : memref<1x128xi32, #tpu.memory_space<vmem>> -> memref<128xi32, #tpu.memory_space<vmem>>
        %dma_start3A_273 = arith.constant 0 : i32
        %dma_start3A_274 = arith.constant 0 : i32
        %dma_start3A_275 = tpu.memref_slice %arg20[%dma_start3A_273, %dma_start3A_274] : memref<10240x64xf32, #tpu.memory_space<vmem_shared>> -> memref<10240x64xf32, #tpu.memory_space<vmem_shared>>
        tpu.enqueue_indirect_dma source(%arg12 : memref<128x64xf32, #tpu.memory_space<vmem>>) target(%dma_start3A_275 : memref<10240x64xf32, #tpu.memory_space<vmem_shared>>) offsets(%dma_start3A_272 : memref<128xi32, #tpu.memory_space<vmem>>) semaphore(%run_scoped3A_269 : memref<!tpu.dma_semaphore, #tpu.memory_space<semaphore_mem>>) {add = true}
        %dma_wait3A_276 = arith.constant 0 : i32
        %dma_wait3A_277 = tpu.memref_slice %arg11[%mul3A_243, %dma_wait3A_276] : memref<160x128xi32, #tpu.memory_space<vmem>> -> memref<1x128xi32, #tpu.memory_space<vmem>>
        %dma_wait3A_278 = tpu.memref_squeeze %dma_wait3A_277 : memref<1x128xi32, #tpu.memory_space<vmem>> -> memref<128xi32, #tpu.memory_space<vmem>>
        %dma_wait3A_279 = arith.constant 0 : i32
        %dma_wait3A_280 = arith.constant 0 : i32
        %dma_wait3A_281 = tpu.memref_slice %arg20[%dma_wait3A_279, %dma_wait3A_280] : memref<10240x64xf32, #tpu.memory_space<vmem_shared>> -> memref<10240x64xf32, #tpu.memory_space<vmem_shared>>
        tpu.wait_indirect_dma semaphore(%run_scoped3A_269 : memref<!tpu.dma_semaphore, #tpu.memory_space<semaphore_mem>>) src(%arg12 : memref<128x64xf32, #tpu.memory_space<vmem>>) dst(%dma_wait3A_281 : memref<10240x64xf32, #tpu.memory_space<vmem_shared>>)
        tpu.yield
      }) : () -> ()
      %lt3A = arith.constant 79 : i32
      %lt3A_252 = arith.cmpi slt, %scan3A_240, %lt3A : i32
      %convert_element_type3A_253 = arith.extui %lt3A_252 : i1 to i32
      %cond3A_254 = arith.constant 0 : i32
      %cond3A_255 = arith.cmpi ne, %convert_element_type3A_253, %cond3A_254 : i32
      scf.if %cond3A_255 {
        %add3A_269 = arith.constant 2 : i32
        %add3A_270 = arith.addi %mul3A_243, %add3A_269 : i32
        %dma_start3A_271 = arith.constant 0 : i32
        %dma_start3A_272 = tpu.memref_slice %arg10[%add3A_270, %dma_start3A_271] : memref<160x128xi32, #tpu.memory_space<vmem>> -> memref<1x128xi32, #tpu.memory_space<vmem>>
        %dma_start3A_273 = tpu.memref_squeeze %dma_start3A_272 : memref<1x128xi32, #tpu.memory_space<vmem>> -> memref<128xi32, #tpu.memory_space<vmem>>
        %dma_start3A_274 = arith.constant 0 : i32
        %dma_start3A_275 = arith.constant 0 : i32
        %dma_start3A_276 = tpu.memref_slice %arg5[%dma_start3A_274, %dma_start3A_275] : memref<20480x64xf32, #tpu.memory_space<hbm>> -> memref<20480x64xf32, #tpu.memory_space<hbm>>
        tpu.enqueue_indirect_dma source(%dma_start3A_276 : memref<20480x64xf32, #tpu.memory_space<hbm>>) target(%arg12 : memref<128x64xf32, #tpu.memory_space<vmem>>) offsets(%dma_start3A_273 : memref<128xi32, #tpu.memory_space<vmem>>) semaphore(%arg21 : memref<!tpu.dma_semaphore, #tpu.memory_space<semaphore_mem>>)
      } else {
      }
      %dma_wait3A_256 = arith.constant 1 : i32
      %dma_wait3A_257 = arith.constant 0 : i32
      %dma_wait3A_258 = tpu.memref_slice %arg10[%dma_wait3A_256, %dma_wait3A_257] : memref<160x128xi32, #tpu.memory_space<vmem>> -> memref<1x128xi32, #tpu.memory_space<vmem>>
      %dma_wait3A_259 = tpu.memref_squeeze %dma_wait3A_258 : memref<1x128xi32, #tpu.memory_space<vmem>> -> memref<128xi32, #tpu.memory_space<vmem>>
      %dma_wait3A_260 = arith.constant 0 : i32
      %dma_wait3A_261 = arith.constant 0 : i32
      %dma_wait3A_262 = tpu.memref_slice %arg5[%dma_wait3A_260, %dma_wait3A_261] : memref<20480x64xf32, #tpu.memory_space<hbm>> -> memref<20480x64xf32, #tpu.memory_space<hbm>>
      tpu.wait_indirect_dma semaphore(%arg22 : memref<!tpu.dma_semaphore, #tpu.memory_space<semaphore_mem>>) src(%dma_wait3A_262 : memref<20480x64xf32, #tpu.memory_space<hbm>>) dst(%arg13 : memref<128x64xf32, #tpu.memory_space<vmem>>)
      "tpu.region"() ({
        %run_scoped3A_269 = tpu.sem_alloc : memref<!tpu.dma_semaphore, #tpu.memory_space<semaphore_mem>>
        %dma_start3A_270 = arith.constant 0 : i32
        %dma_start3A_271 = tpu.memref_slice %arg11[%add3A_245, %dma_start3A_270] : memref<160x128xi32, #tpu.memory_space<vmem>> -> memref<1x128xi32, #tpu.memory_space<vmem>>
        %dma_start3A_272 = tpu.memref_squeeze %dma_start3A_271 : memref<1x128xi32, #tpu.memory_space<vmem>> -> memref<128xi32, #tpu.memory_space<vmem>>
        %dma_start3A_273 = arith.constant 0 : i32
        %dma_start3A_274 = arith.constant 0 : i32
        %dma_start3A_275 = tpu.memref_slice %arg20[%dma_start3A_273, %dma_start3A_274] : memref<10240x64xf32, #tpu.memory_space<vmem_shared>> -> memref<10240x64xf32, #tpu.memory_space<vmem_shared>>
        tpu.enqueue_indirect_dma source(%arg13 : memref<128x64xf32, #tpu.memory_space<vmem>>) target(%dma_start3A_275 : memref<10240x64xf32, #tpu.memory_space<vmem_shared>>) offsets(%dma_start3A_272 : memref<128xi32, #tpu.memory_space<vmem>>) semaphore(%run_scoped3A_269 : memref<!tpu.dma_semaphore, #tpu.memory_space<semaphore_mem>>) {add = true}
        %dma_wait3A_276 = arith.constant 0 : i32
        %dma_wait3A_277 = tpu.memref_slice %arg11[%add3A_245, %dma_wait3A_276] : memref<160x128xi32, #tpu.memory_space<vmem>> -> memref<1x128xi32, #tpu.memory_space<vmem>>
        %dma_wait3A_278 = tpu.memref_squeeze %dma_wait3A_277 : memref<1x128xi32, #tpu.memory_space<vmem>> -> memref<128xi32, #tpu.memory_space<vmem>>
        %dma_wait3A_279 = arith.constant 0 : i32
        %dma_wait3A_280 = arith.constant 0 : i32
        %dma_wait3A_281 = tpu.memref_slice %arg20[%dma_wait3A_279, %dma_wait3A_280] : memref<10240x64xf32, #tpu.memory_space<vmem_shared>> -> memref<10240x64xf32, #tpu.memory_space<vmem_shared>>
        tpu.wait_indirect_dma semaphore(%run_scoped3A_269 : memref<!tpu.dma_semaphore, #tpu.memory_space<semaphore_mem>>) src(%arg13 : memref<128x64xf32, #tpu.memory_space<vmem>>) dst(%dma_wait3A_281 : memref<10240x64xf32, #tpu.memory_space<vmem_shared>>)
        tpu.yield
      }) : () -> ()
      %lt3A_263 = arith.constant 79 : i32
      %lt3A_264 = arith.cmpi slt, %scan3A_240, %lt3A_263 : i32
      %convert_element_type3A_265 = arith.extui %lt3A_264 : i1 to i32
      %cond3A_266 = arith.constant 0 : i32
      %cond3A_267 = arith.cmpi ne, %convert_element_type3A_265, %cond3A_266 : i32
      scf.if %cond3A_267 {
        %add3A_269 = arith.constant 2 : i32
        %add3A_270 = arith.addi %add3A_245, %add3A_269 : i32
        %dma_start3A_271 = arith.constant 0 : i32
        %dma_start3A_272 = tpu.memref_slice %arg10[%add3A_270, %dma_start3A_271] : memref<160x128xi32, #tpu.memory_space<vmem>> -> memref<1x128xi32, #tpu.memory_space<vmem>>
        %dma_start3A_273 = tpu.memref_squeeze %dma_start3A_272 : memref<1x128xi32, #tpu.memory_space<vmem>> -> memref<128xi32, #tpu.memory_space<vmem>>
        %dma_start3A_274 = arith.constant 0 : i32
        %dma_start3A_275 = arith.constant 0 : i32
        %dma_start3A_276 = tpu.memref_slice %arg5[%dma_start3A_274, %dma_start3A_275] : memref<20480x64xf32, #tpu.memory_space<hbm>> -> memref<20480x64xf32, #tpu.memory_space<hbm>>
        tpu.enqueue_indirect_dma source(%dma_start3A_276 : memref<20480x64xf32, #tpu.memory_space<hbm>>) target(%arg13 : memref<128x64xf32, #tpu.memory_space<vmem>>) offsets(%dma_start3A_273 : memref<128xi32, #tpu.memory_space<vmem>>) semaphore(%arg22 : memref<!tpu.dma_semaphore, #tpu.memory_space<semaphore_mem>>)
      } else {
      }
      %scan3A_268 = arith.constant 0 : i32
      scf.yield %scan3A_268 : i32
    }
    %scan3A_154 = arith.constant 80 : i32
    %barrier3A_155 = arith.constant 0 : index
    tpu.barrier barrier_id(%barrier3A_155)
    %scan3A_156 = arith.constant 0 : i32
    %scan3A_157 = arith.constant 0 : i32
    %scan3A_158 = arith.constant 4 : i32
    %scan3A_159 = arith.addi %scan3A_157, %scan3A_158 : i32
    %scan3A_160 = arith.constant 1 : i32
    %scan3A_161 = scf.for %scan3A_240 = %scan3A_157 to %scan3A_159 step %scan3A_160 iter_args(%scan3A_241 = %scan3A_156) -> (i32)  : i32 {
      %mul3A_242 = arith.constant 160 : i32
      %mul3A_243 = arith.muli %scan3A_240, %mul3A_242 : i32
      %add3A_244 = arith.addi %mul3A_0, %mul3A_243 : i32
      "tpu.region"() ({
        %run_scoped3A_256 = tpu.sem_alloc : memref<!tpu.dma_semaphore, #tpu.memory_space<semaphore_mem>>
        %dma_start3A_257 = arith.constant 0 : i32
        %dma_start3A_258 = tpu.memref_slice %arg20[%add3A_244, %dma_start3A_257] : memref<10240x64xf32, #tpu.memory_space<vmem_shared>> -> memref<160x64xf32, #tpu.memory_space<vmem_shared>>
        %dma_start3A_259 = arith.constant 0 : i32
        %dma_start3A_260 = tpu.memref_slice %arg20[%add3A_244, %dma_start3A_259] : memref<10240x64xf32, #tpu.memory_space<vmem_shared>> -> memref<160x64xf32, #tpu.memory_space<vmem_shared>>
        tpu.enqueue_dma source(%dma_start3A_260 : memref<160x64xf32, #tpu.memory_space<vmem_shared>>) target(%arg14 : memref<160x64xf32, #tpu.memory_space<vmem>>) target_semaphore(%run_scoped3A_256 : memref<!tpu.dma_semaphore, #tpu.memory_space<semaphore_mem>>)
        %dma_wait3A = arith.constant 0 : i32
        %dma_wait3A_261 = tpu.memref_slice %arg20[%add3A_244, %dma_wait3A] : memref<10240x64xf32, #tpu.memory_space<vmem_shared>> -> memref<160x64xf32, #tpu.memory_space<vmem_shared>>
        %dma_wait3A_262 = arith.constant 0 : i32
        %dma_wait3A_263 = tpu.memref_slice %arg20[%add3A_244, %dma_wait3A_262] : memref<10240x64xf32, #tpu.memory_space<vmem_shared>> -> memref<160x64xf32, #tpu.memory_space<vmem_shared>>
        tpu.wait_dma2 semaphore(%run_scoped3A_256 : memref<!tpu.dma_semaphore, #tpu.memory_space<semaphore_mem>>) src(%dma_wait3A_263 : memref<160x64xf32, #tpu.memory_space<vmem_shared>>) dst(%arg14 : memref<160x64xf32, #tpu.memory_space<vmem>>)
        tpu.yield
      }) : () -> ()
      %scan3A_245 = arith.constant 0 : i32
      %scan3A_246 = arith.constant 0 : i32
      %scan3A_247 = arith.constant 160 : i32
      %scan3A_248 = arith.addi %scan3A_246, %scan3A_247 : i32
      %scan3A_249 = arith.constant 1 : i32
      %scan3A_250 = scf.for %scan3A_256 = %scan3A_246 to %scan3A_248 step %scan3A_249 iter_args(%scan3A_257 = %scan3A_245) -> (i32)  : i32 {
        %mul3A_258 = arith.constant 160 : i32
        %mul3A_259 = arith.muli %scan3A_240, %mul3A_258 : i32
        %add3A_260 = arith.addi %mul3A_259, %scan3A_256 : i32
        %broadcast_in_dim3A_261 = arith.constant 0 : i32
        %broadcast_in_dim3A_262 = vector.broadcast %broadcast_in_dim3A_261 : i32 to vector<16xi32>
        %add3A_263 = vector.broadcast %add3A_260 : i32 to vector<16xi32>
        %add3A_264 = arith.addi %broadcast_in_dim3A_262, %add3A_263 : vector<16xi32>
        %gather3A = tpu.vector_load_idx %arg18[%add3A_264] : memref<640xf32, #tpu.memory_space<vmem>>[vector<16xi32>], vector<16xf32>,
        %get3A = arith.index_cast %scan3A_256 : i32 to index
        %get3A_265 = arith.constant 0 : index
        %get3A_266 = tpu.vector_load %arg14[%get3A, %get3A_265] {strides = array<i32>} : memref<160x64xf32, #tpu.memory_space<vmem>>, vector<16xf32>,
        %mul3A_267 = arith.mulf %get3A_266, %gather3A : vector<16xf32>
        %swap3A = arith.index_cast %scan3A_256 : i32 to index
        %swap3A_268 = arith.constant 0 : index
        %swap3A_269 = tpu.vector_load %arg14[%swap3A, %swap3A_268] {strides = array<i32>} : memref<160x64xf32, #tpu.memory_space<vmem>>, vector<16xf32>,
        tpu.vector_store %arg14[%swap3A, %swap3A_268], %mul3A_267 {strides = array<i32>} : memref<160x64xf32, #tpu.memory_space<vmem>>, vector<16xf32>,
        %get3A_270 = arith.index_cast %scan3A_256 : i32 to index
        %get3A_271 = arith.constant 16 : index
        %get3A_272 = tpu.vector_load %arg14[%get3A_270, %get3A_271] {strides = array<i32>} : memref<160x64xf32, #tpu.memory_space<vmem>>, vector<16xf32>,
        %mul3A_273 = arith.mulf %get3A_272, %gather3A : vector<16xf32>
        %swap3A_274 = arith.index_cast %scan3A_256 : i32 to index
        %swap3A_275 = arith.constant 16 : index
        %swap3A_276 = tpu.vector_load %arg14[%swap3A_274, %swap3A_275] {strides = array<i32>} : memref<160x64xf32, #tpu.memory_space<vmem>>, vector<16xf32>,
        tpu.vector_store %arg14[%swap3A_274, %swap3A_275], %mul3A_273 {strides = array<i32>} : memref<160x64xf32, #tpu.memory_space<vmem>>, vector<16xf32>,
        %get3A_277 = arith.index_cast %scan3A_256 : i32 to index
        %get3A_278 = arith.constant 32 : index
        %get3A_279 = tpu.vector_load %arg14[%get3A_277, %get3A_278] {strides = array<i32>} : memref<160x64xf32, #tpu.memory_space<vmem>>, vector<16xf32>,
        %mul3A_280 = arith.mulf %get3A_279, %gather3A : vector<16xf32>
        %swap3A_281 = arith.index_cast %scan3A_256 : i32 to index
        %swap3A_282 = arith.constant 32 : index
        %swap3A_283 = tpu.vector_load %arg14[%swap3A_281, %swap3A_282] {strides = array<i32>} : memref<160x64xf32, #tpu.memory_space<vmem>>, vector<16xf32>,
        tpu.vector_store %arg14[%swap3A_281, %swap3A_282], %mul3A_280 {strides = array<i32>} : memref<160x64xf32, #tpu.memory_space<vmem>>, vector<16xf32>,
        %get3A_284 = arith.index_cast %scan3A_256 : i32 to index
        %get3A_285 = arith.constant 48 : index
        %get3A_286 = tpu.vector_load %arg14[%get3A_284, %get3A_285] {strides = array<i32>} : memref<160x64xf32, #tpu.memory_space<vmem>>, vector<16xf32>,
        %mul3A_287 = arith.mulf %get3A_286, %gather3A : vector<16xf32>
        %swap3A_288 = arith.index_cast %scan3A_256 : i32 to index
        %swap3A_289 = arith.constant 48 : index
        %swap3A_290 = tpu.vector_load %arg14[%swap3A_288, %swap3A_289] {strides = array<i32>} : memref<160x64xf32, #tpu.memory_space<vmem>>, vector<16xf32>,
        tpu.vector_store %arg14[%swap3A_288, %swap3A_289], %mul3A_287 {strides = array<i32>} : memref<160x64xf32, #tpu.memory_space<vmem>>, vector<16xf32>,
        %scan3A_291 = arith.constant 0 : i32
        scf.yield %scan3A_291 : i32
      }
      %scan3A_251 = arith.constant 160 : i32
      %mul3A_252 = arith.constant 10240 : i32
      %mul3A_253 = arith.muli %arg0, %mul3A_252 : i32
      %add3A_254 = arith.addi %mul3A_253, %add3A_244 : i32
      "tpu.region"() ({
        %run_scoped3A_256 = tpu.sem_alloc : memref<!tpu.dma_semaphore, #tpu.memory_space<semaphore_mem>>
        %dma_start3A_257 = arith.constant 0 : i32
        %dma_start3A_258 = tpu.memref_slice %arg6[%add3A_254, %dma_start3A_257] : memref<20480x64xf32, #tpu.memory_space<hbm>> -> memref<160x64xf32, #tpu.memory_space<hbm>>
        %dma_start3A_259 = arith.constant 0 : i32
        %dma_start3A_260 = tpu.memref_slice %arg6[%add3A_254, %dma_start3A_259] : memref<20480x64xf32, #tpu.memory_space<hbm>> -> memref<160x64xf32, #tpu.memory_space<hbm>>
        tpu.enqueue_dma source(%arg14 : memref<160x64xf32, #tpu.memory_space<vmem>>) target(%dma_start3A_260 : memref<160x64xf32, #tpu.memory_space<hbm>>) target_semaphore(%run_scoped3A_256 : memref<!tpu.dma_semaphore, #tpu.memory_space<semaphore_mem>>)
        %dma_wait3A = arith.constant 0 : i32
        %dma_wait3A_261 = tpu.memref_slice %arg6[%add3A_254, %dma_wait3A] : memref<20480x64xf32, #tpu.memory_space<hbm>> -> memref<160x64xf32, #tpu.memory_space<hbm>>
        %dma_wait3A_262 = arith.constant 0 : i32
        %dma_wait3A_263 = tpu.memref_slice %arg6[%add3A_254, %dma_wait3A_262] : memref<20480x64xf32, #tpu.memory_space<hbm>> -> memref<160x64xf32, #tpu.memory_space<hbm>>
        tpu.wait_dma2 semaphore(%run_scoped3A_256 : memref<!tpu.dma_semaphore, #tpu.memory_space<semaphore_mem>>) src(%arg14 : memref<160x64xf32, #tpu.memory_space<vmem>>) dst(%dma_wait3A_263 : memref<160x64xf32, #tpu.memory_space<hbm>>)
        tpu.yield
      }) : () -> ()
      %scan3A_255 = arith.constant 0 : i32
      scf.yield %scan3A_255 : i32
    }
    %scan3A_162 = arith.constant 4 : i32
    %barrier3A_163 = arith.constant 0 : index
    tpu.barrier barrier_id(%barrier3A_163)
    %scan3A_164 = arith.constant 0 : i32
    %scan3A_165 = arith.constant 0 : i32
    %scan3A_166 = arith.constant 20 : i32
    %scan3A_167 = arith.addi %scan3A_165, %scan3A_166 : i32
    %scan3A_168 = arith.constant 1 : i32
    %scan3A_169 = scf.for %scan3A_240 = %scan3A_165 to %scan3A_167 step %scan3A_168 iter_args(%scan3A_241 = %scan3A_164) -> (i32)  : i32 {
      %mul3A_242 = arith.constant 32 : i32
      %mul3A_243 = arith.muli %scan3A_240, %mul3A_242 : i32
      %add3A_244 = arith.addi %mul3A_0, %mul3A_243 : i32
      "tpu.region"() ({
        %run_scoped3A_246 = tpu.sem_alloc : memref<!tpu.dma_semaphore, #tpu.memory_space<semaphore_mem>>
        %dma_start3A_247 = arith.constant 0 : i32
        %dma_start3A_248 = tpu.memref_slice %arg20[%add3A_244, %dma_start3A_247] : memref<10240x64xf32, #tpu.memory_space<vmem_shared>> -> memref<32x64xf32, #tpu.memory_space<vmem_shared>>
        %dma_start3A_249 = arith.constant 0 : i32
        %dma_start3A_250 = tpu.memref_slice %arg20[%add3A_244, %dma_start3A_249] : memref<10240x64xf32, #tpu.memory_space<vmem_shared>> -> memref<32x64xf32, #tpu.memory_space<vmem_shared>>
        tpu.enqueue_dma source(%arg15 : memref<32x64xf32, #tpu.memory_space<vmem>>) target(%dma_start3A_250 : memref<32x64xf32, #tpu.memory_space<vmem_shared>>) target_semaphore(%run_scoped3A_246 : memref<!tpu.dma_semaphore, #tpu.memory_space<semaphore_mem>>)
        %dma_wait3A = arith.constant 0 : i32
        %dma_wait3A_251 = tpu.memref_slice %arg20[%add3A_244, %dma_wait3A] : memref<10240x64xf32, #tpu.memory_space<vmem_shared>> -> memref<32x64xf32, #tpu.memory_space<vmem_shared>>
        %dma_wait3A_252 = arith.constant 0 : i32
        %dma_wait3A_253 = tpu.memref_slice %arg20[%add3A_244, %dma_wait3A_252] : memref<10240x64xf32, #tpu.memory_space<vmem_shared>> -> memref<32x64xf32, #tpu.memory_space<vmem_shared>>
        tpu.wait_dma2 semaphore(%run_scoped3A_246 : memref<!tpu.dma_semaphore, #tpu.memory_space<semaphore_mem>>) src(%arg15 : memref<32x64xf32, #tpu.memory_space<vmem>>) dst(%dma_wait3A_253 : memref<32x64xf32, #tpu.memory_space<vmem_shared>>)
        tpu.yield
      }) : () -> ()
      %scan3A_245 = arith.constant 0 : i32
      scf.yield %scan3A_245 : i32
    }
    %scan3A_170 = arith.constant 20 : i32
    %barrier3A_171 = arith.constant 0 : index
    tpu.barrier barrier_id(%barrier3A_171)
    %dma_start3A_172 = arith.constant 0 : i32
    %dma_start3A_173 = arith.constant 0 : i32
    %dma_start3A_174 = tpu.memref_slice %arg10[%dma_start3A_172, %dma_start3A_173] : memref<160x128xi32, #tpu.memory_space<vmem>> -> memref<1x128xi32, #tpu.memory_space<vmem>>
    %dma_start3A_175 = tpu.memref_squeeze %dma_start3A_174 : memref<1x128xi32, #tpu.memory_space<vmem>> -> memref<128xi32, #tpu.memory_space<vmem>>
    %dma_start3A_176 = arith.constant 0 : i32
    %dma_start3A_177 = arith.constant 0 : i32
    %dma_start3A_178 = tpu.memref_slice %arg6[%dma_start3A_176, %dma_start3A_177] : memref<20480x64xf32, #tpu.memory_space<hbm>> -> memref<20480x64xf32, #tpu.memory_space<hbm>>
    tpu.enqueue_indirect_dma source(%dma_start3A_178 : memref<20480x64xf32, #tpu.memory_space<hbm>>) target(%arg12 : memref<128x64xf32, #tpu.memory_space<vmem>>) offsets(%dma_start3A_175 : memref<128xi32, #tpu.memory_space<vmem>>) semaphore(%arg21 : memref<!tpu.dma_semaphore, #tpu.memory_space<semaphore_mem>>)
    %dma_start3A_179 = arith.constant 1 : i32
    %dma_start3A_180 = arith.constant 0 : i32
    %dma_start3A_181 = tpu.memref_slice %arg10[%dma_start3A_179, %dma_start3A_180] : memref<160x128xi32, #tpu.memory_space<vmem>> -> memref<1x128xi32, #tpu.memory_space<vmem>>
    %dma_start3A_182 = tpu.memref_squeeze %dma_start3A_181 : memref<1x128xi32, #tpu.memory_space<vmem>> -> memref<128xi32, #tpu.memory_space<vmem>>
    %dma_start3A_183 = arith.constant 0 : i32
    %dma_start3A_184 = arith.constant 0 : i32
    %dma_start3A_185 = tpu.memref_slice %arg6[%dma_start3A_183, %dma_start3A_184] : memref<20480x64xf32, #tpu.memory_space<hbm>> -> memref<20480x64xf32, #tpu.memory_space<hbm>>
    tpu.enqueue_indirect_dma source(%dma_start3A_185 : memref<20480x64xf32, #tpu.memory_space<hbm>>) target(%arg13 : memref<128x64xf32, #tpu.memory_space<vmem>>) offsets(%dma_start3A_182 : memref<128xi32, #tpu.memory_space<vmem>>) semaphore(%arg22 : memref<!tpu.dma_semaphore, #tpu.memory_space<semaphore_mem>>)
    %scan3A_186 = arith.constant 0 : i32
    %scan3A_187 = arith.constant 0 : i32
    %scan3A_188 = arith.constant 80 : i32
    %scan3A_189 = arith.addi %scan3A_187, %scan3A_188 : i32
    %scan3A_190 = arith.constant 1 : i32
    %scan3A_191 = scf.for %scan3A_240 = %scan3A_187 to %scan3A_189 step %scan3A_190 iter_args(%scan3A_241 = %scan3A_186) -> (i32)  : i32 {
      %mul3A_242 = arith.constant 2 : i32
      %mul3A_243 = arith.muli %scan3A_240, %mul3A_242 : i32
      %add3A_244 = arith.constant 1 : i32
      %add3A_245 = arith.addi %mul3A_243, %add3A_244 : i32
      %dma_wait3A = arith.constant 0 : i32
      %dma_wait3A_246 = arith.constant 0 : i32
      %dma_wait3A_247 = tpu.memref_slice %arg10[%dma_wait3A, %dma_wait3A_246] : memref<160x128xi32, #tpu.memory_space<vmem>> -> memref<1x128xi32, #tpu.memory_space<vmem>>
      %dma_wait3A_248 = tpu.memref_squeeze %dma_wait3A_247 : memref<1x128xi32, #tpu.memory_space<vmem>> -> memref<128xi32, #tpu.memory_space<vmem>>
      %dma_wait3A_249 = arith.constant 0 : i32
      %dma_wait3A_250 = arith.constant 0 : i32
      %dma_wait3A_251 = tpu.memref_slice %arg6[%dma_wait3A_249, %dma_wait3A_250] : memref<20480x64xf32, #tpu.memory_space<hbm>> -> memref<20480x64xf32, #tpu.memory_space<hbm>>
      tpu.wait_indirect_dma semaphore(%arg21 : memref<!tpu.dma_semaphore, #tpu.memory_space<semaphore_mem>>) src(%dma_wait3A_251 : memref<20480x64xf32, #tpu.memory_space<hbm>>) dst(%arg12 : memref<128x64xf32, #tpu.memory_space<vmem>>)
      "tpu.region"() ({
        %run_scoped3A_269 = tpu.sem_alloc : memref<!tpu.dma_semaphore, #tpu.memory_space<semaphore_mem>>
        %dma_start3A_270 = arith.constant 0 : i32
        %dma_start3A_271 = tpu.memref_slice %arg11[%mul3A_243, %dma_start3A_270] : memref<160x128xi32, #tpu.memory_space<vmem>> -> memref<1x128xi32, #tpu.memory_space<vmem>>
        %dma_start3A_272 = tpu.memref_squeeze %dma_start3A_271 : memref<1x128xi32, #tpu.memory_space<vmem>> -> memref<128xi32, #tpu.memory_space<vmem>>
        %dma_start3A_273 = arith.constant 0 : i32
        %dma_start3A_274 = arith.constant 0 : i32
        %dma_start3A_275 = tpu.memref_slice %arg20[%dma_start3A_273, %dma_start3A_274] : memref<10240x64xf32, #tpu.memory_space<vmem_shared>> -> memref<10240x64xf32, #tpu.memory_space<vmem_shared>>
        tpu.enqueue_indirect_dma source(%arg12 : memref<128x64xf32, #tpu.memory_space<vmem>>) target(%dma_start3A_275 : memref<10240x64xf32, #tpu.memory_space<vmem_shared>>) offsets(%dma_start3A_272 : memref<128xi32, #tpu.memory_space<vmem>>) semaphore(%run_scoped3A_269 : memref<!tpu.dma_semaphore, #tpu.memory_space<semaphore_mem>>) {add = true}
        %dma_wait3A_276 = arith.constant 0 : i32
        %dma_wait3A_277 = tpu.memref_slice %arg11[%mul3A_243, %dma_wait3A_276] : memref<160x128xi32, #tpu.memory_space<vmem>> -> memref<1x128xi32, #tpu.memory_space<vmem>>
        %dma_wait3A_278 = tpu.memref_squeeze %dma_wait3A_277 : memref<1x128xi32, #tpu.memory_space<vmem>> -> memref<128xi32, #tpu.memory_space<vmem>>
        %dma_wait3A_279 = arith.constant 0 : i32
        %dma_wait3A_280 = arith.constant 0 : i32
        %dma_wait3A_281 = tpu.memref_slice %arg20[%dma_wait3A_279, %dma_wait3A_280] : memref<10240x64xf32, #tpu.memory_space<vmem_shared>> -> memref<10240x64xf32, #tpu.memory_space<vmem_shared>>
        tpu.wait_indirect_dma semaphore(%run_scoped3A_269 : memref<!tpu.dma_semaphore, #tpu.memory_space<semaphore_mem>>) src(%arg12 : memref<128x64xf32, #tpu.memory_space<vmem>>) dst(%dma_wait3A_281 : memref<10240x64xf32, #tpu.memory_space<vmem_shared>>)
        tpu.yield
      }) : () -> ()
      %lt3A = arith.constant 79 : i32
      %lt3A_252 = arith.cmpi slt, %scan3A_240, %lt3A : i32
      %convert_element_type3A_253 = arith.extui %lt3A_252 : i1 to i32
      %cond3A_254 = arith.constant 0 : i32
      %cond3A_255 = arith.cmpi ne, %convert_element_type3A_253, %cond3A_254 : i32
      scf.if %cond3A_255 {
        %add3A_269 = arith.constant 2 : i32
        %add3A_270 = arith.addi %mul3A_243, %add3A_269 : i32
        %dma_start3A_271 = arith.constant 0 : i32
        %dma_start3A_272 = tpu.memref_slice %arg10[%add3A_270, %dma_start3A_271] : memref<160x128xi32, #tpu.memory_space<vmem>> -> memref<1x128xi32, #tpu.memory_space<vmem>>
        %dma_start3A_273 = tpu.memref_squeeze %dma_start3A_272 : memref<1x128xi32, #tpu.memory_space<vmem>> -> memref<128xi32, #tpu.memory_space<vmem>>
        %dma_start3A_274 = arith.constant 0 : i32
        %dma_start3A_275 = arith.constant 0 : i32
        %dma_start3A_276 = tpu.memref_slice %arg6[%dma_start3A_274, %dma_start3A_275] : memref<20480x64xf32, #tpu.memory_space<hbm>> -> memref<20480x64xf32, #tpu.memory_space<hbm>>
        tpu.enqueue_indirect_dma source(%dma_start3A_276 : memref<20480x64xf32, #tpu.memory_space<hbm>>) target(%arg12 : memref<128x64xf32, #tpu.memory_space<vmem>>) offsets(%dma_start3A_273 : memref<128xi32, #tpu.memory_space<vmem>>) semaphore(%arg21 : memref<!tpu.dma_semaphore, #tpu.memory_space<semaphore_mem>>)
      } else {
      }
      %dma_wait3A_256 = arith.constant 1 : i32
      %dma_wait3A_257 = arith.constant 0 : i32
      %dma_wait3A_258 = tpu.memref_slice %arg10[%dma_wait3A_256, %dma_wait3A_257] : memref<160x128xi32, #tpu.memory_space<vmem>> -> memref<1x128xi32, #tpu.memory_space<vmem>>
      %dma_wait3A_259 = tpu.memref_squeeze %dma_wait3A_258 : memref<1x128xi32, #tpu.memory_space<vmem>> -> memref<128xi32, #tpu.memory_space<vmem>>
      %dma_wait3A_260 = arith.constant 0 : i32
      %dma_wait3A_261 = arith.constant 0 : i32
      %dma_wait3A_262 = tpu.memref_slice %arg6[%dma_wait3A_260, %dma_wait3A_261] : memref<20480x64xf32, #tpu.memory_space<hbm>> -> memref<20480x64xf32, #tpu.memory_space<hbm>>
      tpu.wait_indirect_dma semaphore(%arg22 : memref<!tpu.dma_semaphore, #tpu.memory_space<semaphore_mem>>) src(%dma_wait3A_262 : memref<20480x64xf32, #tpu.memory_space<hbm>>) dst(%arg13 : memref<128x64xf32, #tpu.memory_space<vmem>>)
      "tpu.region"() ({
        %run_scoped3A_269 = tpu.sem_alloc : memref<!tpu.dma_semaphore, #tpu.memory_space<semaphore_mem>>
        %dma_start3A_270 = arith.constant 0 : i32
        %dma_start3A_271 = tpu.memref_slice %arg11[%add3A_245, %dma_start3A_270] : memref<160x128xi32, #tpu.memory_space<vmem>> -> memref<1x128xi32, #tpu.memory_space<vmem>>
        %dma_start3A_272 = tpu.memref_squeeze %dma_start3A_271 : memref<1x128xi32, #tpu.memory_space<vmem>> -> memref<128xi32, #tpu.memory_space<vmem>>
        %dma_start3A_273 = arith.constant 0 : i32
        %dma_start3A_274 = arith.constant 0 : i32
        %dma_start3A_275 = tpu.memref_slice %arg20[%dma_start3A_273, %dma_start3A_274] : memref<10240x64xf32, #tpu.memory_space<vmem_shared>> -> memref<10240x64xf32, #tpu.memory_space<vmem_shared>>
        tpu.enqueue_indirect_dma source(%arg13 : memref<128x64xf32, #tpu.memory_space<vmem>>) target(%dma_start3A_275 : memref<10240x64xf32, #tpu.memory_space<vmem_shared>>) offsets(%dma_start3A_272 : memref<128xi32, #tpu.memory_space<vmem>>) semaphore(%run_scoped3A_269 : memref<!tpu.dma_semaphore, #tpu.memory_space<semaphore_mem>>) {add = true}
        %dma_wait3A_276 = arith.constant 0 : i32
        %dma_wait3A_277 = tpu.memref_slice %arg11[%add3A_245, %dma_wait3A_276] : memref<160x128xi32, #tpu.memory_space<vmem>> -> memref<1x128xi32, #tpu.memory_space<vmem>>
        %dma_wait3A_278 = tpu.memref_squeeze %dma_wait3A_277 : memref<1x128xi32, #tpu.memory_space<vmem>> -> memref<128xi32, #tpu.memory_space<vmem>>
        %dma_wait3A_279 = arith.constant 0 : i32
        %dma_wait3A_280 = arith.constant 0 : i32
        %dma_wait3A_281 = tpu.memref_slice %arg20[%dma_wait3A_279, %dma_wait3A_280] : memref<10240x64xf32, #tpu.memory_space<vmem_shared>> -> memref<10240x64xf32, #tpu.memory_space<vmem_shared>>
        tpu.wait_indirect_dma semaphore(%run_scoped3A_269 : memref<!tpu.dma_semaphore, #tpu.memory_space<semaphore_mem>>) src(%arg13 : memref<128x64xf32, #tpu.memory_space<vmem>>) dst(%dma_wait3A_281 : memref<10240x64xf32, #tpu.memory_space<vmem_shared>>)
        tpu.yield
      }) : () -> ()
      %lt3A_263 = arith.constant 79 : i32
      %lt3A_264 = arith.cmpi slt, %scan3A_240, %lt3A_263 : i32
      %convert_element_type3A_265 = arith.extui %lt3A_264 : i1 to i32
      %cond3A_266 = arith.constant 0 : i32
      %cond3A_267 = arith.cmpi ne, %convert_element_type3A_265, %cond3A_266 : i32
      scf.if %cond3A_267 {
        %add3A_269 = arith.constant 2 : i32
        %add3A_270 = arith.addi %add3A_245, %add3A_269 : i32
        %dma_start3A_271 = arith.constant 0 : i32
        %dma_start3A_272 = tpu.memref_slice %arg10[%add3A_270, %dma_start3A_271] : memref<160x128xi32, #tpu.memory_space<vmem>> -> memref<1x128xi32, #tpu.memory_space<vmem>>
        %dma_start3A_273 = tpu.memref_squeeze %dma_start3A_272 : memref<1x128xi32, #tpu.memory_space<vmem>> -> memref<128xi32, #tpu.memory_space<vmem>>
        %dma_start3A_274 = arith.constant 0 : i32
        %dma_start3A_275 = arith.constant 0 : i32
        %dma_start3A_276 = tpu.memref_slice %arg6[%dma_start3A_274, %dma_start3A_275] : memref<20480x64xf32, #tpu.memory_space<hbm>> -> memref<20480x64xf32, #tpu.memory_space<hbm>>
        tpu.enqueue_indirect_dma source(%dma_start3A_276 : memref<20480x64xf32, #tpu.memory_space<hbm>>) target(%arg13 : memref<128x64xf32, #tpu.memory_space<vmem>>) offsets(%dma_start3A_273 : memref<128xi32, #tpu.memory_space<vmem>>) semaphore(%arg22 : memref<!tpu.dma_semaphore, #tpu.memory_space<semaphore_mem>>)
      } else {
      }
      %scan3A_268 = arith.constant 0 : i32
      scf.yield %scan3A_268 : i32
    }
    %scan3A_192 = arith.constant 80 : i32
    %barrier3A_193 = arith.constant 0 : index
    tpu.barrier barrier_id(%barrier3A_193)
    %scan3A_194 = arith.constant 0 : i32
    %scan3A_195 = arith.constant 0 : i32
    %scan3A_196 = arith.constant 4 : i32
    %scan3A_197 = arith.addi %scan3A_195, %scan3A_196 : i32
    %scan3A_198 = arith.constant 1 : i32
    %scan3A_199 = scf.for %scan3A_240 = %scan3A_195 to %scan3A_197 step %scan3A_198 iter_args(%scan3A_241 = %scan3A_194) -> (i32)  : i32 {
      %mul3A_242 = arith.constant 160 : i32
      %mul3A_243 = arith.muli %scan3A_240, %mul3A_242 : i32
      %add3A_244 = arith.addi %mul3A_0, %mul3A_243 : i32
      "tpu.region"() ({
        %run_scoped3A_256 = tpu.sem_alloc : memref<!tpu.dma_semaphore, #tpu.memory_space<semaphore_mem>>
        %dma_start3A_257 = arith.constant 0 : i32
        %dma_start3A_258 = tpu.memref_slice %arg20[%add3A_244, %dma_start3A_257] : memref<10240x64xf32, #tpu.memory_space<vmem_shared>> -> memref<160x64xf32, #tpu.memory_space<vmem_shared>>
        %dma_start3A_259 = arith.constant 0 : i32
        %dma_start3A_260 = tpu.memref_slice %arg20[%add3A_244, %dma_start3A_259] : memref<10240x64xf32, #tpu.memory_space<vmem_shared>> -> memref<160x64xf32, #tpu.memory_space<vmem_shared>>
        tpu.enqueue_dma source(%dma_start3A_260 : memref<160x64xf32, #tpu.memory_space<vmem_shared>>) target(%arg14 : memref<160x64xf32, #tpu.memory_space<vmem>>) target_semaphore(%run_scoped3A_256 : memref<!tpu.dma_semaphore, #tpu.memory_space<semaphore_mem>>)
        %dma_wait3A = arith.constant 0 : i32
        %dma_wait3A_261 = tpu.memref_slice %arg20[%add3A_244, %dma_wait3A] : memref<10240x64xf32, #tpu.memory_space<vmem_shared>> -> memref<160x64xf32, #tpu.memory_space<vmem_shared>>
        %dma_wait3A_262 = arith.constant 0 : i32
        %dma_wait3A_263 = tpu.memref_slice %arg20[%add3A_244, %dma_wait3A_262] : memref<10240x64xf32, #tpu.memory_space<vmem_shared>> -> memref<160x64xf32, #tpu.memory_space<vmem_shared>>
        tpu.wait_dma2 semaphore(%run_scoped3A_256 : memref<!tpu.dma_semaphore, #tpu.memory_space<semaphore_mem>>) src(%dma_wait3A_263 : memref<160x64xf32, #tpu.memory_space<vmem_shared>>) dst(%arg14 : memref<160x64xf32, #tpu.memory_space<vmem>>)
        tpu.yield
      }) : () -> ()
      %scan3A_245 = arith.constant 0 : i32
      %scan3A_246 = arith.constant 0 : i32
      %scan3A_247 = arith.constant 160 : i32
      %scan3A_248 = arith.addi %scan3A_246, %scan3A_247 : i32
      %scan3A_249 = arith.constant 1 : i32
      %scan3A_250 = scf.for %scan3A_256 = %scan3A_246 to %scan3A_248 step %scan3A_249 iter_args(%scan3A_257 = %scan3A_245) -> (i32)  : i32 {
        %mul3A_258 = arith.constant 160 : i32
        %mul3A_259 = arith.muli %scan3A_240, %mul3A_258 : i32
        %add3A_260 = arith.addi %mul3A_259, %scan3A_256 : i32
        %broadcast_in_dim3A_261 = arith.constant 0 : i32
        %broadcast_in_dim3A_262 = vector.broadcast %broadcast_in_dim3A_261 : i32 to vector<16xi32>
        %add3A_263 = vector.broadcast %add3A_260 : i32 to vector<16xi32>
        %add3A_264 = arith.addi %broadcast_in_dim3A_262, %add3A_263 : vector<16xi32>
        %gather3A = tpu.vector_load_idx %arg18[%add3A_264] : memref<640xf32, #tpu.memory_space<vmem>>[vector<16xi32>], vector<16xf32>,
        %get3A = arith.index_cast %scan3A_256 : i32 to index
        %get3A_265 = arith.constant 0 : index
        %get3A_266 = tpu.vector_load %arg14[%get3A, %get3A_265] {strides = array<i32>} : memref<160x64xf32, #tpu.memory_space<vmem>>, vector<16xf32>,
        %mul3A_267 = arith.mulf %get3A_266, %gather3A : vector<16xf32>
        %swap3A = arith.index_cast %scan3A_256 : i32 to index
        %swap3A_268 = arith.constant 0 : index
        %swap3A_269 = tpu.vector_load %arg14[%swap3A, %swap3A_268] {strides = array<i32>} : memref<160x64xf32, #tpu.memory_space<vmem>>, vector<16xf32>,
        tpu.vector_store %arg14[%swap3A, %swap3A_268], %mul3A_267 {strides = array<i32>} : memref<160x64xf32, #tpu.memory_space<vmem>>, vector<16xf32>,
        %get3A_270 = arith.index_cast %scan3A_256 : i32 to index
        %get3A_271 = arith.constant 16 : index
        %get3A_272 = tpu.vector_load %arg14[%get3A_270, %get3A_271] {strides = array<i32>} : memref<160x64xf32, #tpu.memory_space<vmem>>, vector<16xf32>,
        %mul3A_273 = arith.mulf %get3A_272, %gather3A : vector<16xf32>
        %swap3A_274 = arith.index_cast %scan3A_256 : i32 to index
        %swap3A_275 = arith.constant 16 : index
        %swap3A_276 = tpu.vector_load %arg14[%swap3A_274, %swap3A_275] {strides = array<i32>} : memref<160x64xf32, #tpu.memory_space<vmem>>, vector<16xf32>,
        tpu.vector_store %arg14[%swap3A_274, %swap3A_275], %mul3A_273 {strides = array<i32>} : memref<160x64xf32, #tpu.memory_space<vmem>>, vector<16xf32>,
        %get3A_277 = arith.index_cast %scan3A_256 : i32 to index
        %get3A_278 = arith.constant 32 : index
        %get3A_279 = tpu.vector_load %arg14[%get3A_277, %get3A_278] {strides = array<i32>} : memref<160x64xf32, #tpu.memory_space<vmem>>, vector<16xf32>,
        %mul3A_280 = arith.mulf %get3A_279, %gather3A : vector<16xf32>
        %swap3A_281 = arith.index_cast %scan3A_256 : i32 to index
        %swap3A_282 = arith.constant 32 : index
        %swap3A_283 = tpu.vector_load %arg14[%swap3A_281, %swap3A_282] {strides = array<i32>} : memref<160x64xf32, #tpu.memory_space<vmem>>, vector<16xf32>,
        tpu.vector_store %arg14[%swap3A_281, %swap3A_282], %mul3A_280 {strides = array<i32>} : memref<160x64xf32, #tpu.memory_space<vmem>>, vector<16xf32>,
        %get3A_284 = arith.index_cast %scan3A_256 : i32 to index
        %get3A_285 = arith.constant 48 : index
        %get3A_286 = tpu.vector_load %arg14[%get3A_284, %get3A_285] {strides = array<i32>} : memref<160x64xf32, #tpu.memory_space<vmem>>, vector<16xf32>,
        %mul3A_287 = arith.mulf %get3A_286, %gather3A : vector<16xf32>
        %swap3A_288 = arith.index_cast %scan3A_256 : i32 to index
        %swap3A_289 = arith.constant 48 : index
        %swap3A_290 = tpu.vector_load %arg14[%swap3A_288, %swap3A_289] {strides = array<i32>} : memref<160x64xf32, #tpu.memory_space<vmem>>, vector<16xf32>,
        tpu.vector_store %arg14[%swap3A_288, %swap3A_289], %mul3A_287 {strides = array<i32>} : memref<160x64xf32, #tpu.memory_space<vmem>>, vector<16xf32>,
        %scan3A_291 = arith.constant 0 : i32
        scf.yield %scan3A_291 : i32
      }
      %scan3A_251 = arith.constant 160 : i32
      %mul3A_252 = arith.constant 10240 : i32
      %mul3A_253 = arith.muli %arg0, %mul3A_252 : i32
      %add3A_254 = arith.addi %mul3A_253, %add3A_244 : i32
      "tpu.region"() ({
        %run_scoped3A_256 = tpu.sem_alloc : memref<!tpu.dma_semaphore, #tpu.memory_space<semaphore_mem>>
        %dma_start3A_257 = arith.constant 0 : i32
        %dma_start3A_258 = tpu.memref_slice %arg7[%add3A_254, %dma_start3A_257] : memref<20480x64xf32, #tpu.memory_space<hbm>> -> memref<160x64xf32, #tpu.memory_space<hbm>>
        %dma_start3A_259 = arith.constant 0 : i32
        %dma_start3A_260 = tpu.memref_slice %arg7[%add3A_254, %dma_start3A_259] : memref<20480x64xf32, #tpu.memory_space<hbm>> -> memref<160x64xf32, #tpu.memory_space<hbm>>
        tpu.enqueue_dma source(%arg14 : memref<160x64xf32, #tpu.memory_space<vmem>>) target(%dma_start3A_260 : memref<160x64xf32, #tpu.memory_space<hbm>>) target_semaphore(%run_scoped3A_256 : memref<!tpu.dma_semaphore, #tpu.memory_space<semaphore_mem>>)
        %dma_wait3A = arith.constant 0 : i32
        %dma_wait3A_261 = tpu.memref_slice %arg7[%add3A_254, %dma_wait3A] : memref<20480x64xf32, #tpu.memory_space<hbm>> -> memref<160x64xf32, #tpu.memory_space<hbm>>
        %dma_wait3A_262 = arith.constant 0 : i32
        %dma_wait3A_263 = tpu.memref_slice %arg7[%add3A_254, %dma_wait3A_262] : memref<20480x64xf32, #tpu.memory_space<hbm>> -> memref<160x64xf32, #tpu.memory_space<hbm>>
        tpu.wait_dma2 semaphore(%run_scoped3A_256 : memref<!tpu.dma_semaphore, #tpu.memory_space<semaphore_mem>>) src(%arg14 : memref<160x64xf32, #tpu.memory_space<vmem>>) dst(%dma_wait3A_263 : memref<160x64xf32, #tpu.memory_space<hbm>>)
        tpu.yield
      }) : () -> ()
      %scan3A_255 = arith.constant 0 : i32
      scf.yield %scan3A_255 : i32
    }
    %scan3A_200 = arith.constant 4 : i32
    %barrier3A_201 = arith.constant 0 : index
    tpu.barrier barrier_id(%barrier3A_201)
    %scan3A_202 = arith.constant 0 : i32
    %scan3A_203 = arith.constant 0 : i32
    %scan3A_204 = arith.constant 20 : i32
    %scan3A_205 = arith.addi %scan3A_203, %scan3A_204 : i32
    %scan3A_206 = arith.constant 1 : i32
    %scan3A_207 = scf.for %scan3A_240 = %scan3A_203 to %scan3A_205 step %scan3A_206 iter_args(%scan3A_241 = %scan3A_202) -> (i32)  : i32 {
      %mul3A_242 = arith.constant 32 : i32
      %mul3A_243 = arith.muli %scan3A_240, %mul3A_242 : i32
      %add3A_244 = arith.addi %mul3A_0, %mul3A_243 : i32
      "tpu.region"() ({
        %run_scoped3A_246 = tpu.sem_alloc : memref<!tpu.dma_semaphore, #tpu.memory_space<semaphore_mem>>
        %dma_start3A_247 = arith.constant 0 : i32
        %dma_start3A_248 = tpu.memref_slice %arg20[%add3A_244, %dma_start3A_247] : memref<10240x64xf32, #tpu.memory_space<vmem_shared>> -> memref<32x64xf32, #tpu.memory_space<vmem_shared>>
        %dma_start3A_249 = arith.constant 0 : i32
        %dma_start3A_250 = tpu.memref_slice %arg20[%add3A_244, %dma_start3A_249] : memref<10240x64xf32, #tpu.memory_space<vmem_shared>> -> memref<32x64xf32, #tpu.memory_space<vmem_shared>>
        tpu.enqueue_dma source(%arg15 : memref<32x64xf32, #tpu.memory_space<vmem>>) target(%dma_start3A_250 : memref<32x64xf32, #tpu.memory_space<vmem_shared>>) target_semaphore(%run_scoped3A_246 : memref<!tpu.dma_semaphore, #tpu.memory_space<semaphore_mem>>)
        %dma_wait3A = arith.constant 0 : i32
        %dma_wait3A_251 = tpu.memref_slice %arg20[%add3A_244, %dma_wait3A] : memref<10240x64xf32, #tpu.memory_space<vmem_shared>> -> memref<32x64xf32, #tpu.memory_space<vmem_shared>>
        %dma_wait3A_252 = arith.constant 0 : i32
        %dma_wait3A_253 = tpu.memref_slice %arg20[%add3A_244, %dma_wait3A_252] : memref<10240x64xf32, #tpu.memory_space<vmem_shared>> -> memref<32x64xf32, #tpu.memory_space<vmem_shared>>
        tpu.wait_dma2 semaphore(%run_scoped3A_246 : memref<!tpu.dma_semaphore, #tpu.memory_space<semaphore_mem>>) src(%arg15 : memref<32x64xf32, #tpu.memory_space<vmem>>) dst(%dma_wait3A_253 : memref<32x64xf32, #tpu.memory_space<vmem_shared>>)
        tpu.yield
      }) : () -> ()
      %scan3A_245 = arith.constant 0 : i32
      scf.yield %scan3A_245 : i32
    }
    %scan3A_208 = arith.constant 20 : i32
    %barrier3A_209 = arith.constant 0 : index
    tpu.barrier barrier_id(%barrier3A_209)
    %dma_start3A_210 = arith.constant 0 : i32
    %dma_start3A_211 = arith.constant 0 : i32
    %dma_start3A_212 = tpu.memref_slice %arg10[%dma_start3A_210, %dma_start3A_211] : memref<160x128xi32, #tpu.memory_space<vmem>> -> memref<1x128xi32, #tpu.memory_space<vmem>>
    %dma_start3A_213 = tpu.memref_squeeze %dma_start3A_212 : memref<1x128xi32, #tpu.memory_space<vmem>> -> memref<128xi32, #tpu.memory_space<vmem>>
    %dma_start3A_214 = arith.constant 0 : i32
    %dma_start3A_215 = arith.constant 0 : i32
    %dma_start3A_216 = tpu.memref_slice %arg7[%dma_start3A_214, %dma_start3A_215] : memref<20480x64xf32, #tpu.memory_space<hbm>> -> memref<20480x64xf32, #tpu.memory_space<hbm>>
    tpu.enqueue_indirect_dma source(%dma_start3A_216 : memref<20480x64xf32, #tpu.memory_space<hbm>>) target(%arg12 : memref<128x64xf32, #tpu.memory_space<vmem>>) offsets(%dma_start3A_213 : memref<128xi32, #tpu.memory_space<vmem>>) semaphore(%arg21 : memref<!tpu.dma_semaphore, #tpu.memory_space<semaphore_mem>>)
    %dma_start3A_217 = arith.constant 1 : i32
    %dma_start3A_218 = arith.constant 0 : i32
    %dma_start3A_219 = tpu.memref_slice %arg10[%dma_start3A_217, %dma_start3A_218] : memref<160x128xi32, #tpu.memory_space<vmem>> -> memref<1x128xi32, #tpu.memory_space<vmem>>
    %dma_start3A_220 = tpu.memref_squeeze %dma_start3A_219 : memref<1x128xi32, #tpu.memory_space<vmem>> -> memref<128xi32, #tpu.memory_space<vmem>>
    %dma_start3A_221 = arith.constant 0 : i32
    %dma_start3A_222 = arith.constant 0 : i32
    %dma_start3A_223 = tpu.memref_slice %arg7[%dma_start3A_221, %dma_start3A_222] : memref<20480x64xf32, #tpu.memory_space<hbm>> -> memref<20480x64xf32, #tpu.memory_space<hbm>>
    tpu.enqueue_indirect_dma source(%dma_start3A_223 : memref<20480x64xf32, #tpu.memory_space<hbm>>) target(%arg13 : memref<128x64xf32, #tpu.memory_space<vmem>>) offsets(%dma_start3A_220 : memref<128xi32, #tpu.memory_space<vmem>>) semaphore(%arg22 : memref<!tpu.dma_semaphore, #tpu.memory_space<semaphore_mem>>)
    %scan3A_224 = arith.constant 0 : i32
    %scan3A_225 = arith.constant 0 : i32
    %scan3A_226 = arith.constant 80 : i32
    %scan3A_227 = arith.addi %scan3A_225, %scan3A_226 : i32
    %scan3A_228 = arith.constant 1 : i32
    %scan3A_229 = scf.for %scan3A_240 = %scan3A_225 to %scan3A_227 step %scan3A_228 iter_args(%scan3A_241 = %scan3A_224) -> (i32)  : i32 {
      %mul3A_242 = arith.constant 2 : i32
      %mul3A_243 = arith.muli %scan3A_240, %mul3A_242 : i32
      %add3A_244 = arith.constant 1 : i32
      %add3A_245 = arith.addi %mul3A_243, %add3A_244 : i32
      %dma_wait3A = arith.constant 0 : i32
      %dma_wait3A_246 = arith.constant 0 : i32
      %dma_wait3A_247 = tpu.memref_slice %arg10[%dma_wait3A, %dma_wait3A_246] : memref<160x128xi32, #tpu.memory_space<vmem>> -> memref<1x128xi32, #tpu.memory_space<vmem>>
      %dma_wait3A_248 = tpu.memref_squeeze %dma_wait3A_247 : memref<1x128xi32, #tpu.memory_space<vmem>> -> memref<128xi32, #tpu.memory_space<vmem>>
      %dma_wait3A_249 = arith.constant 0 : i32
      %dma_wait3A_250 = arith.constant 0 : i32
      %dma_wait3A_251 = tpu.memref_slice %arg7[%dma_wait3A_249, %dma_wait3A_250] : memref<20480x64xf32, #tpu.memory_space<hbm>> -> memref<20480x64xf32, #tpu.memory_space<hbm>>
      tpu.wait_indirect_dma semaphore(%arg21 : memref<!tpu.dma_semaphore, #tpu.memory_space<semaphore_mem>>) src(%dma_wait3A_251 : memref<20480x64xf32, #tpu.memory_space<hbm>>) dst(%arg12 : memref<128x64xf32, #tpu.memory_space<vmem>>)
      "tpu.region"() ({
        %run_scoped3A_269 = tpu.sem_alloc : memref<!tpu.dma_semaphore, #tpu.memory_space<semaphore_mem>>
        %dma_start3A_270 = arith.constant 0 : i32
        %dma_start3A_271 = tpu.memref_slice %arg11[%mul3A_243, %dma_start3A_270] : memref<160x128xi32, #tpu.memory_space<vmem>> -> memref<1x128xi32, #tpu.memory_space<vmem>>
        %dma_start3A_272 = tpu.memref_squeeze %dma_start3A_271 : memref<1x128xi32, #tpu.memory_space<vmem>> -> memref<128xi32, #tpu.memory_space<vmem>>
        %dma_start3A_273 = arith.constant 0 : i32
        %dma_start3A_274 = arith.constant 0 : i32
        %dma_start3A_275 = tpu.memref_slice %arg20[%dma_start3A_273, %dma_start3A_274] : memref<10240x64xf32, #tpu.memory_space<vmem_shared>> -> memref<10240x64xf32, #tpu.memory_space<vmem_shared>>
        tpu.enqueue_indirect_dma source(%arg12 : memref<128x64xf32, #tpu.memory_space<vmem>>) target(%dma_start3A_275 : memref<10240x64xf32, #tpu.memory_space<vmem_shared>>) offsets(%dma_start3A_272 : memref<128xi32, #tpu.memory_space<vmem>>) semaphore(%run_scoped3A_269 : memref<!tpu.dma_semaphore, #tpu.memory_space<semaphore_mem>>) {add = true}
        %dma_wait3A_276 = arith.constant 0 : i32
        %dma_wait3A_277 = tpu.memref_slice %arg11[%mul3A_243, %dma_wait3A_276] : memref<160x128xi32, #tpu.memory_space<vmem>> -> memref<1x128xi32, #tpu.memory_space<vmem>>
        %dma_wait3A_278 = tpu.memref_squeeze %dma_wait3A_277 : memref<1x128xi32, #tpu.memory_space<vmem>> -> memref<128xi32, #tpu.memory_space<vmem>>
        %dma_wait3A_279 = arith.constant 0 : i32
        %dma_wait3A_280 = arith.constant 0 : i32
        %dma_wait3A_281 = tpu.memref_slice %arg20[%dma_wait3A_279, %dma_wait3A_280] : memref<10240x64xf32, #tpu.memory_space<vmem_shared>> -> memref<10240x64xf32, #tpu.memory_space<vmem_shared>>
        tpu.wait_indirect_dma semaphore(%run_scoped3A_269 : memref<!tpu.dma_semaphore, #tpu.memory_space<semaphore_mem>>) src(%arg12 : memref<128x64xf32, #tpu.memory_space<vmem>>) dst(%dma_wait3A_281 : memref<10240x64xf32, #tpu.memory_space<vmem_shared>>)
        tpu.yield
      }) : () -> ()
      %lt3A = arith.constant 79 : i32
      %lt3A_252 = arith.cmpi slt, %scan3A_240, %lt3A : i32
      %convert_element_type3A_253 = arith.extui %lt3A_252 : i1 to i32
      %cond3A_254 = arith.constant 0 : i32
      %cond3A_255 = arith.cmpi ne, %convert_element_type3A_253, %cond3A_254 : i32
      scf.if %cond3A_255 {
        %add3A_269 = arith.constant 2 : i32
        %add3A_270 = arith.addi %mul3A_243, %add3A_269 : i32
        %dma_start3A_271 = arith.constant 0 : i32
        %dma_start3A_272 = tpu.memref_slice %arg10[%add3A_270, %dma_start3A_271] : memref<160x128xi32, #tpu.memory_space<vmem>> -> memref<1x128xi32, #tpu.memory_space<vmem>>
        %dma_start3A_273 = tpu.memref_squeeze %dma_start3A_272 : memref<1x128xi32, #tpu.memory_space<vmem>> -> memref<128xi32, #tpu.memory_space<vmem>>
        %dma_start3A_274 = arith.constant 0 : i32
        %dma_start3A_275 = arith.constant 0 : i32
        %dma_start3A_276 = tpu.memref_slice %arg7[%dma_start3A_274, %dma_start3A_275] : memref<20480x64xf32, #tpu.memory_space<hbm>> -> memref<20480x64xf32, #tpu.memory_space<hbm>>
        tpu.enqueue_indirect_dma source(%dma_start3A_276 : memref<20480x64xf32, #tpu.memory_space<hbm>>) target(%arg12 : memref<128x64xf32, #tpu.memory_space<vmem>>) offsets(%dma_start3A_273 : memref<128xi32, #tpu.memory_space<vmem>>) semaphore(%arg21 : memref<!tpu.dma_semaphore, #tpu.memory_space<semaphore_mem>>)
      } else {
      }
      %dma_wait3A_256 = arith.constant 1 : i32
      %dma_wait3A_257 = arith.constant 0 : i32
      %dma_wait3A_258 = tpu.memref_slice %arg10[%dma_wait3A_256, %dma_wait3A_257] : memref<160x128xi32, #tpu.memory_space<vmem>> -> memref<1x128xi32, #tpu.memory_space<vmem>>
      %dma_wait3A_259 = tpu.memref_squeeze %dma_wait3A_258 : memref<1x128xi32, #tpu.memory_space<vmem>> -> memref<128xi32, #tpu.memory_space<vmem>>
      %dma_wait3A_260 = arith.constant 0 : i32
      %dma_wait3A_261 = arith.constant 0 : i32
      %dma_wait3A_262 = tpu.memref_slice %arg7[%dma_wait3A_260, %dma_wait3A_261] : memref<20480x64xf32, #tpu.memory_space<hbm>> -> memref<20480x64xf32, #tpu.memory_space<hbm>>
      tpu.wait_indirect_dma semaphore(%arg22 : memref<!tpu.dma_semaphore, #tpu.memory_space<semaphore_mem>>) src(%dma_wait3A_262 : memref<20480x64xf32, #tpu.memory_space<hbm>>) dst(%arg13 : memref<128x64xf32, #tpu.memory_space<vmem>>)
      "tpu.region"() ({
        %run_scoped3A_269 = tpu.sem_alloc : memref<!tpu.dma_semaphore, #tpu.memory_space<semaphore_mem>>
        %dma_start3A_270 = arith.constant 0 : i32
        %dma_start3A_271 = tpu.memref_slice %arg11[%add3A_245, %dma_start3A_270] : memref<160x128xi32, #tpu.memory_space<vmem>> -> memref<1x128xi32, #tpu.memory_space<vmem>>
        %dma_start3A_272 = tpu.memref_squeeze %dma_start3A_271 : memref<1x128xi32, #tpu.memory_space<vmem>> -> memref<128xi32, #tpu.memory_space<vmem>>
        %dma_start3A_273 = arith.constant 0 : i32
        %dma_start3A_274 = arith.constant 0 : i32
        %dma_start3A_275 = tpu.memref_slice %arg20[%dma_start3A_273, %dma_start3A_274] : memref<10240x64xf32, #tpu.memory_space<vmem_shared>> -> memref<10240x64xf32, #tpu.memory_space<vmem_shared>>
        tpu.enqueue_indirect_dma source(%arg13 : memref<128x64xf32, #tpu.memory_space<vmem>>) target(%dma_start3A_275 : memref<10240x64xf32, #tpu.memory_space<vmem_shared>>) offsets(%dma_start3A_272 : memref<128xi32, #tpu.memory_space<vmem>>) semaphore(%run_scoped3A_269 : memref<!tpu.dma_semaphore, #tpu.memory_space<semaphore_mem>>) {add = true}
        %dma_wait3A_276 = arith.constant 0 : i32
        %dma_wait3A_277 = tpu.memref_slice %arg11[%add3A_245, %dma_wait3A_276] : memref<160x128xi32, #tpu.memory_space<vmem>> -> memref<1x128xi32, #tpu.memory_space<vmem>>
        %dma_wait3A_278 = tpu.memref_squeeze %dma_wait3A_277 : memref<1x128xi32, #tpu.memory_space<vmem>> -> memref<128xi32, #tpu.memory_space<vmem>>
        %dma_wait3A_279 = arith.constant 0 : i32
        %dma_wait3A_280 = arith.constant 0 : i32
        %dma_wait3A_281 = tpu.memref_slice %arg20[%dma_wait3A_279, %dma_wait3A_280] : memref<10240x64xf32, #tpu.memory_space<vmem_shared>> -> memref<10240x64xf32, #tpu.memory_space<vmem_shared>>
        tpu.wait_indirect_dma semaphore(%run_scoped3A_269 : memref<!tpu.dma_semaphore, #tpu.memory_space<semaphore_mem>>) src(%arg13 : memref<128x64xf32, #tpu.memory_space<vmem>>) dst(%dma_wait3A_281 : memref<10240x64xf32, #tpu.memory_space<vmem_shared>>)
        tpu.yield
      }) : () -> ()
      %lt3A_263 = arith.constant 79 : i32
      %lt3A_264 = arith.cmpi slt, %scan3A_240, %lt3A_263 : i32
      %convert_element_type3A_265 = arith.extui %lt3A_264 : i1 to i32
      %cond3A_266 = arith.constant 0 : i32
      %cond3A_267 = arith.cmpi ne, %convert_element_type3A_265, %cond3A_266 : i32
      scf.if %cond3A_267 {
        %add3A_269 = arith.constant 2 : i32
        %add3A_270 = arith.addi %add3A_245, %add3A_269 : i32
        %dma_start3A_271 = arith.constant 0 : i32
        %dma_start3A_272 = tpu.memref_slice %arg10[%add3A_270, %dma_start3A_271] : memref<160x128xi32, #tpu.memory_space<vmem>> -> memref<1x128xi32, #tpu.memory_space<vmem>>
        %dma_start3A_273 = tpu.memref_squeeze %dma_start3A_272 : memref<1x128xi32, #tpu.memory_space<vmem>> -> memref<128xi32, #tpu.memory_space<vmem>>
        %dma_start3A_274 = arith.constant 0 : i32
        %dma_start3A_275 = arith.constant 0 : i32
        %dma_start3A_276 = tpu.memref_slice %arg7[%dma_start3A_274, %dma_start3A_275] : memref<20480x64xf32, #tpu.memory_space<hbm>> -> memref<20480x64xf32, #tpu.memory_space<hbm>>
        tpu.enqueue_indirect_dma source(%dma_start3A_276 : memref<20480x64xf32, #tpu.memory_space<hbm>>) target(%arg13 : memref<128x64xf32, #tpu.memory_space<vmem>>) offsets(%dma_start3A_273 : memref<128xi32, #tpu.memory_space<vmem>>) semaphore(%arg22 : memref<!tpu.dma_semaphore, #tpu.memory_space<semaphore_mem>>)
      } else {
      }
      %scan3A_268 = arith.constant 0 : i32
      scf.yield %scan3A_268 : i32
    }
    %scan3A_230 = arith.constant 80 : i32
    %barrier3A_231 = arith.constant 0 : index
    tpu.barrier barrier_id(%barrier3A_231)
    %scan3A_232 = arith.constant 0 : i32
    %scan3A_233 = arith.constant 0 : i32
    %scan3A_234 = arith.constant 4 : i32
    %scan3A_235 = arith.addi %scan3A_233, %scan3A_234 : i32
    %scan3A_236 = arith.constant 1 : i32
    %scan3A_237 = scf.for %scan3A_240 = %scan3A_233 to %scan3A_235 step %scan3A_236 iter_args(%scan3A_241 = %scan3A_232) -> (i32)  : i32 {
      %mul3A_242 = arith.constant 160 : i32
      %mul3A_243 = arith.muli %scan3A_240, %mul3A_242 : i32
      %add3A_244 = arith.addi %mul3A_0, %mul3A_243 : i32
      "tpu.region"() ({
        %run_scoped3A_256 = tpu.sem_alloc : memref<!tpu.dma_semaphore, #tpu.memory_space<semaphore_mem>>
        %dma_start3A_257 = arith.constant 0 : i32
        %dma_start3A_258 = tpu.memref_slice %arg20[%add3A_244, %dma_start3A_257] : memref<10240x64xf32, #tpu.memory_space<vmem_shared>> -> memref<160x64xf32, #tpu.memory_space<vmem_shared>>
        %dma_start3A_259 = arith.constant 0 : i32
        %dma_start3A_260 = tpu.memref_slice %arg20[%add3A_244, %dma_start3A_259] : memref<10240x64xf32, #tpu.memory_space<vmem_shared>> -> memref<160x64xf32, #tpu.memory_space<vmem_shared>>
        tpu.enqueue_dma source(%dma_start3A_260 : memref<160x64xf32, #tpu.memory_space<vmem_shared>>) target(%arg14 : memref<160x64xf32, #tpu.memory_space<vmem>>) target_semaphore(%run_scoped3A_256 : memref<!tpu.dma_semaphore, #tpu.memory_space<semaphore_mem>>)
        %dma_wait3A = arith.constant 0 : i32
        %dma_wait3A_261 = tpu.memref_slice %arg20[%add3A_244, %dma_wait3A] : memref<10240x64xf32, #tpu.memory_space<vmem_shared>> -> memref<160x64xf32, #tpu.memory_space<vmem_shared>>
        %dma_wait3A_262 = arith.constant 0 : i32
        %dma_wait3A_263 = tpu.memref_slice %arg20[%add3A_244, %dma_wait3A_262] : memref<10240x64xf32, #tpu.memory_space<vmem_shared>> -> memref<160x64xf32, #tpu.memory_space<vmem_shared>>
        tpu.wait_dma2 semaphore(%run_scoped3A_256 : memref<!tpu.dma_semaphore, #tpu.memory_space<semaphore_mem>>) src(%dma_wait3A_263 : memref<160x64xf32, #tpu.memory_space<vmem_shared>>) dst(%arg14 : memref<160x64xf32, #tpu.memory_space<vmem>>)
        tpu.yield
      }) : () -> ()
      %scan3A_245 = arith.constant 0 : i32
      %scan3A_246 = arith.constant 0 : i32
      %scan3A_247 = arith.constant 160 : i32
      %scan3A_248 = arith.addi %scan3A_246, %scan3A_247 : i32
      %scan3A_249 = arith.constant 1 : i32
      %scan3A_250 = scf.for %scan3A_256 = %scan3A_246 to %scan3A_248 step %scan3A_249 iter_args(%scan3A_257 = %scan3A_245) -> (i32)  : i32 {
        %mul3A_258 = arith.constant 160 : i32
        %mul3A_259 = arith.muli %scan3A_240, %mul3A_258 : i32
        %add3A_260 = arith.addi %mul3A_259, %scan3A_256 : i32
        %broadcast_in_dim3A_261 = arith.constant 0 : i32
        %broadcast_in_dim3A_262 = vector.broadcast %broadcast_in_dim3A_261 : i32 to vector<16xi32>
        %add3A_263 = vector.broadcast %add3A_260 : i32 to vector<16xi32>
        %add3A_264 = arith.addi %broadcast_in_dim3A_262, %add3A_263 : vector<16xi32>
        %gather3A = tpu.vector_load_idx %arg18[%add3A_264] : memref<640xf32, #tpu.memory_space<vmem>>[vector<16xi32>], vector<16xf32>,
        %get3A = arith.index_cast %scan3A_256 : i32 to index
        %get3A_265 = arith.constant 0 : index
        %get3A_266 = tpu.vector_load %arg14[%get3A, %get3A_265] {strides = array<i32>} : memref<160x64xf32, #tpu.memory_space<vmem>>, vector<16xf32>,
        %mul3A_267 = arith.mulf %get3A_266, %gather3A : vector<16xf32>
        %swap3A = arith.index_cast %scan3A_256 : i32 to index
        %swap3A_268 = arith.constant 0 : index
        %swap3A_269 = tpu.vector_load %arg14[%swap3A, %swap3A_268] {strides = array<i32>} : memref<160x64xf32, #tpu.memory_space<vmem>>, vector<16xf32>,
        tpu.vector_store %arg14[%swap3A, %swap3A_268], %mul3A_267 {strides = array<i32>} : memref<160x64xf32, #tpu.memory_space<vmem>>, vector<16xf32>,
        %get3A_270 = arith.index_cast %scan3A_256 : i32 to index
        %get3A_271 = arith.constant 16 : index
        %get3A_272 = tpu.vector_load %arg14[%get3A_270, %get3A_271] {strides = array<i32>} : memref<160x64xf32, #tpu.memory_space<vmem>>, vector<16xf32>,
        %mul3A_273 = arith.mulf %get3A_272, %gather3A : vector<16xf32>
        %swap3A_274 = arith.index_cast %scan3A_256 : i32 to index
        %swap3A_275 = arith.constant 16 : index
        %swap3A_276 = tpu.vector_load %arg14[%swap3A_274, %swap3A_275] {strides = array<i32>} : memref<160x64xf32, #tpu.memory_space<vmem>>, vector<16xf32>,
        tpu.vector_store %arg14[%swap3A_274, %swap3A_275], %mul3A_273 {strides = array<i32>} : memref<160x64xf32, #tpu.memory_space<vmem>>, vector<16xf32>,
        %get3A_277 = arith.index_cast %scan3A_256 : i32 to index
        %get3A_278 = arith.constant 32 : index
        %get3A_279 = tpu.vector_load %arg14[%get3A_277, %get3A_278] {strides = array<i32>} : memref<160x64xf32, #tpu.memory_space<vmem>>, vector<16xf32>,
        %mul3A_280 = arith.mulf %get3A_279, %gather3A : vector<16xf32>
        %swap3A_281 = arith.index_cast %scan3A_256 : i32 to index
        %swap3A_282 = arith.constant 32 : index
        %swap3A_283 = tpu.vector_load %arg14[%swap3A_281, %swap3A_282] {strides = array<i32>} : memref<160x64xf32, #tpu.memory_space<vmem>>, vector<16xf32>,
        tpu.vector_store %arg14[%swap3A_281, %swap3A_282], %mul3A_280 {strides = array<i32>} : memref<160x64xf32, #tpu.memory_space<vmem>>, vector<16xf32>,
        %get3A_284 = arith.index_cast %scan3A_256 : i32 to index
        %get3A_285 = arith.constant 48 : index
        %get3A_286 = tpu.vector_load %arg14[%get3A_284, %get3A_285] {strides = array<i32>} : memref<160x64xf32, #tpu.memory_space<vmem>>, vector<16xf32>,
        %mul3A_287 = arith.mulf %get3A_286, %gather3A : vector<16xf32>
        %swap3A_288 = arith.index_cast %scan3A_256 : i32 to index
        %swap3A_289 = arith.constant 48 : index
        %swap3A_290 = tpu.vector_load %arg14[%swap3A_288, %swap3A_289] {strides = array<i32>} : memref<160x64xf32, #tpu.memory_space<vmem>>, vector<16xf32>,
        tpu.vector_store %arg14[%swap3A_288, %swap3A_289], %mul3A_287 {strides = array<i32>} : memref<160x64xf32, #tpu.memory_space<vmem>>, vector<16xf32>,
        %scan3A_291 = arith.constant 0 : i32
        scf.yield %scan3A_291 : i32
      }
      %scan3A_251 = arith.constant 160 : i32
      %mul3A_252 = arith.constant 10240 : i32
      %mul3A_253 = arith.muli %arg0, %mul3A_252 : i32
      %add3A_254 = arith.addi %mul3A_253, %add3A_244 : i32
      "tpu.region"() ({
        %run_scoped3A_256 = tpu.sem_alloc : memref<!tpu.dma_semaphore, #tpu.memory_space<semaphore_mem>>
        %dma_start3A_257 = arith.constant 0 : i32
        %dma_start3A_258 = tpu.memref_slice %arg8[%add3A_254, %dma_start3A_257] : memref<20480x64xf32, #tpu.memory_space<hbm>> -> memref<160x64xf32, #tpu.memory_space<hbm>>
        %dma_start3A_259 = arith.constant 0 : i32
        %dma_start3A_260 = tpu.memref_slice %arg8[%add3A_254, %dma_start3A_259] : memref<20480x64xf32, #tpu.memory_space<hbm>> -> memref<160x64xf32, #tpu.memory_space<hbm>>
        tpu.enqueue_dma source(%arg14 : memref<160x64xf32, #tpu.memory_space<vmem>>) target(%dma_start3A_260 : memref<160x64xf32, #tpu.memory_space<hbm>>) target_semaphore(%run_scoped3A_256 : memref<!tpu.dma_semaphore, #tpu.memory_space<semaphore_mem>>)
        %dma_wait3A = arith.constant 0 : i32
        %dma_wait3A_261 = tpu.memref_slice %arg8[%add3A_254, %dma_wait3A] : memref<20480x64xf32, #tpu.memory_space<hbm>> -> memref<160x64xf32, #tpu.memory_space<hbm>>
        %dma_wait3A_262 = arith.constant 0 : i32
        %dma_wait3A_263 = tpu.memref_slice %arg8[%add3A_254, %dma_wait3A_262] : memref<20480x64xf32, #tpu.memory_space<hbm>> -> memref<160x64xf32, #tpu.memory_space<hbm>>
        tpu.wait_dma2 semaphore(%run_scoped3A_256 : memref<!tpu.dma_semaphore, #tpu.memory_space<semaphore_mem>>) src(%arg14 : memref<160x64xf32, #tpu.memory_space<vmem>>) dst(%dma_wait3A_263 : memref<160x64xf32, #tpu.memory_space<hbm>>)
        tpu.yield
      }) : () -> ()
      %scan3A_255 = arith.constant 0 : i32
      scf.yield %scan3A_255 : i32
    }
    %scan3A_238 = arith.constant 4 : i32
    %barrier3A_239 = arith.constant 0 : index
    tpu.barrier barrier_id(%barrier3A_239)
    return
  }
}

module attributes {stable_mosaic.version = 14 : i64} {
  func.func @_tc_body(%arg0: i32, %arg1: memref<640x128xf32, #tpu.memory_space<vmem>>, %arg2: memref<640x64xf32, #tpu.memory_space<vmem>>, %arg3: memref<640x64xf32, #tpu.memory_space<vmem>>, %arg4: memref<640x64xf32, #tpu.memory_space<vmem>>, %arg5: memref<640x64xf32, #tpu.memory_space<vmem>>, %arg6: memref<640x64xf32, #tpu.memory_space<vmem>>, %arg7: memref<640x64xf32, #tpu.memory_space<vmem>>, %arg8: memref<640x1xf32, #tpu.memory_space<vmem>>, %arg9: memref<4x128x128xf32, #tpu.memory_space<vmem>>, %arg10: memref<1x128xf32, #tpu.memory_space<vmem>>, %arg11: memref<640x128xf32, #tpu.memory_space<vmem>>) attributes {dimension_semantics = [#tpu.dimension_semantics<arbitrary>], iteration_bounds = array<i64: 16>, scalar_prefetch = 0 : i64, scratch_operands = 0 : i64, tpu.core_type = #tpu.core_type<tc>, window_params = [{transform_indices = @transform_0, window_bounds = array<i64: 640, 128>}, {transform_indices = @transform_1, window_bounds = array<i64: 640, 64>}, {transform_indices = @transform_2, window_bounds = array<i64: 640, 64>}, {transform_indices = @transform_3, window_bounds = array<i64: 640, 64>}, {transform_indices = @transform_4, window_bounds = array<i64: 640, 64>}, {transform_indices = @transform_5, window_bounds = array<i64: 640, 64>}, {transform_indices = @transform_6, window_bounds = array<i64: 640, 64>}, {transform_indices = @transform_7, window_bounds = array<i64: 640, 1>}, {pipeline_mode = #tpu.pipeline_mode<synchronous>, transform_indices = @transform_8, window_bounds = array<i64: 4, 128, 128>}, {pipeline_mode = #tpu.pipeline_mode<synchronous>, transform_indices = @transform_9, window_bounds = array<i64: 1, 128>}, {transform_indices = @transform_10, window_bounds = array<i64: 640, 128>}]} {
    %get3A = arith.constant 0 : index
    %get3A_0 = arith.constant 0 : index
    %get3A_1 = vector.load %arg1[%get3A, %get3A_0] : memref<640x128xf32, #tpu.memory_space<vmem>>, vector<640x128xf32>
    %get3A_2 = arith.constant 0 : index
    %get3A_3 = arith.constant 0 : index
    %get3A_4 = arith.constant 0 : index
    %get3A_5 = vector.load %arg9[%get3A_2, %get3A_3, %get3A_4] : memref<4x128x128xf32, #tpu.memory_space<vmem>>, vector<1x128x128xf32>
    %get3A_6 = vector.shape_cast %get3A_5 : vector<1x128x128xf32> to vector<128x128xf32>
    %dot_general3A = arith.constant dense<0.000000e+00> : vector<640x128xf32>
    %dot_general3A_7 = tpu.matmul %get3A_1, %get3A_6, %dot_general3A {dimension_numbers = #tpu.dot_dimension_numbers<[1], [0], [0], [1], [0, 0, 1, 1], [], []>, transpose_lhs_hint = false} : vector<640x128xf32>, vector<128x128xf32>, vector<640x128xf32> -> vector<640x128xf32>
    %get3A_8 = arith.constant 0 : index
    %get3A_9 = arith.constant 0 : index
    %get3A_10 = vector.load %arg8[%get3A_8, %get3A_9] : memref<640x1xf32, #tpu.memory_space<vmem>>, vector<640x1xf32>
    %get3A_11 = arith.constant 0 : index
    %get3A_12 = arith.constant 0 : index
    %get3A_13 = vector.load %arg2[%get3A_11, %get3A_12] : memref<640x64xf32, #tpu.memory_space<vmem>>, vector<640x64xf32>
    %get3A_14 = arith.constant 1 : index
    %get3A_15 = arith.constant 0 : index
    %get3A_16 = arith.constant 0 : index
    %get3A_17 = vector.load %arg9[%get3A_14, %get3A_15, %get3A_16] : memref<4x128x128xf32, #tpu.memory_space<vmem>>, vector<1x64x128xf32>
    %get3A_18 = vector.shape_cast %get3A_17 : vector<1x64x128xf32> to vector<64x128xf32>
    %dot_general3A_19 = arith.constant dense<0.000000e+00> : vector<640x128xf32>
    %dot_general3A_20 = tpu.matmul %get3A_13, %get3A_18, %dot_general3A_19 {dimension_numbers = #tpu.dot_dimension_numbers<[1], [0], [0], [1], [0, 0, 1, 1], [], []>, transpose_lhs_hint = false} : vector<640x64xf32>, vector<64x128xf32>, vector<640x128xf32> -> vector<640x128xf32>
    %get3A_21 = arith.constant 0 : index
    %get3A_22 = arith.constant 0 : index
    %get3A_23 = vector.load %arg3[%get3A_21, %get3A_22] : memref<640x64xf32, #tpu.memory_space<vmem>>, vector<640x64xf32>
    %get3A_24 = arith.constant 1 : index
    %get3A_25 = arith.constant 64 : index
    %get3A_26 = arith.constant 0 : index
    %get3A_27 = vector.load %arg9[%get3A_24, %get3A_25, %get3A_26] : memref<4x128x128xf32, #tpu.memory_space<vmem>>, vector<1x64x128xf32>
    %get3A_28 = vector.shape_cast %get3A_27 : vector<1x64x128xf32> to vector<64x128xf32>
    %dot_general3A_29 = arith.constant dense<0.000000e+00> : vector<640x128xf32>
    %dot_general3A_30 = tpu.matmul %get3A_23, %get3A_28, %dot_general3A_29 {dimension_numbers = #tpu.dot_dimension_numbers<[1], [0], [0], [1], [0, 0, 1, 1], [], []>, transpose_lhs_hint = false} : vector<640x64xf32>, vector<64x128xf32>, vector<640x128xf32> -> vector<640x128xf32>
    %add3A = arith.addf %dot_general3A_20, %dot_general3A_30 : vector<640x128xf32>
    %mul3A = vector.broadcast %get3A_10 : vector<640x1xf32> to vector<640x128xf32>
    %mul3A_31 = arith.mulf %add3A, %mul3A : vector<640x128xf32>
    %add3A_32 = arith.addf %dot_general3A_7, %mul3A_31 : vector<640x128xf32>
    %get3A_33 = arith.constant 0 : index
    %get3A_34 = arith.constant 0 : index
    %get3A_35 = vector.load %arg4[%get3A_33, %get3A_34] : memref<640x64xf32, #tpu.memory_space<vmem>>, vector<640x64xf32>
    %get3A_36 = arith.constant 2 : index
    %get3A_37 = arith.constant 0 : index
    %get3A_38 = arith.constant 0 : index
    %get3A_39 = vector.load %arg9[%get3A_36, %get3A_37, %get3A_38] : memref<4x128x128xf32, #tpu.memory_space<vmem>>, vector<1x64x128xf32>
    %get3A_40 = vector.shape_cast %get3A_39 : vector<1x64x128xf32> to vector<64x128xf32>
    %dot_general3A_41 = arith.constant dense<0.000000e+00> : vector<640x128xf32>
    %dot_general3A_42 = tpu.matmul %get3A_35, %get3A_40, %dot_general3A_41 {dimension_numbers = #tpu.dot_dimension_numbers<[1], [0], [0], [1], [0, 0, 1, 1], [], []>, transpose_lhs_hint = false} : vector<640x64xf32>, vector<64x128xf32>, vector<640x128xf32> -> vector<640x128xf32>
    %get3A_43 = arith.constant 0 : index
    %get3A_44 = arith.constant 0 : index
    %get3A_45 = vector.load %arg5[%get3A_43, %get3A_44] : memref<640x64xf32, #tpu.memory_space<vmem>>, vector<640x64xf32>
    %get3A_46 = arith.constant 2 : index
    %get3A_47 = arith.constant 64 : index
    %get3A_48 = arith.constant 0 : index
    %get3A_49 = vector.load %arg9[%get3A_46, %get3A_47, %get3A_48] : memref<4x128x128xf32, #tpu.memory_space<vmem>>, vector<1x64x128xf32>
    %get3A_50 = vector.shape_cast %get3A_49 : vector<1x64x128xf32> to vector<64x128xf32>
    %dot_general3A_51 = arith.constant dense<0.000000e+00> : vector<640x128xf32>
    %dot_general3A_52 = tpu.matmul %get3A_45, %get3A_50, %dot_general3A_51 {dimension_numbers = #tpu.dot_dimension_numbers<[1], [0], [0], [1], [0, 0, 1, 1], [], []>, transpose_lhs_hint = false} : vector<640x64xf32>, vector<64x128xf32>, vector<640x128xf32> -> vector<640x128xf32>
    %add3A_53 = arith.addf %dot_general3A_42, %dot_general3A_52 : vector<640x128xf32>
    %mul3A_54 = vector.broadcast %get3A_10 : vector<640x1xf32> to vector<640x128xf32>
    %mul3A_55 = arith.mulf %add3A_53, %mul3A_54 : vector<640x128xf32>
    %add3A_56 = arith.addf %add3A_32, %mul3A_55 : vector<640x128xf32>
    %get3A_57 = arith.constant 0 : index
    %get3A_58 = arith.constant 0 : index
    %get3A_59 = vector.load %arg6[%get3A_57, %get3A_58] : memref<640x64xf32, #tpu.memory_space<vmem>>, vector<640x64xf32>
    %get3A_60 = arith.constant 3 : index
    %get3A_61 = arith.constant 0 : index
    %get3A_62 = arith.constant 0 : index
    %get3A_63 = vector.load %arg9[%get3A_60, %get3A_61, %get3A_62] : memref<4x128x128xf32, #tpu.memory_space<vmem>>, vector<1x64x128xf32>
    %get3A_64 = vector.shape_cast %get3A_63 : vector<1x64x128xf32> to vector<64x128xf32>
    %dot_general3A_65 = arith.constant dense<0.000000e+00> : vector<640x128xf32>
    %dot_general3A_66 = tpu.matmul %get3A_59, %get3A_64, %dot_general3A_65 {dimension_numbers = #tpu.dot_dimension_numbers<[1], [0], [0], [1], [0, 0, 1, 1], [], []>, transpose_lhs_hint = false} : vector<640x64xf32>, vector<64x128xf32>, vector<640x128xf32> -> vector<640x128xf32>
    %get3A_67 = arith.constant 0 : index
    %get3A_68 = arith.constant 0 : index
    %get3A_69 = vector.load %arg7[%get3A_67, %get3A_68] : memref<640x64xf32, #tpu.memory_space<vmem>>, vector<640x64xf32>
    %get3A_70 = arith.constant 3 : index
    %get3A_71 = arith.constant 64 : index
    %get3A_72 = arith.constant 0 : index
    %get3A_73 = vector.load %arg9[%get3A_70, %get3A_71, %get3A_72] : memref<4x128x128xf32, #tpu.memory_space<vmem>>, vector<1x64x128xf32>
    %get3A_74 = vector.shape_cast %get3A_73 : vector<1x64x128xf32> to vector<64x128xf32>
    %dot_general3A_75 = arith.constant dense<0.000000e+00> : vector<640x128xf32>
    %dot_general3A_76 = tpu.matmul %get3A_69, %get3A_74, %dot_general3A_75 {dimension_numbers = #tpu.dot_dimension_numbers<[1], [0], [0], [1], [0, 0, 1, 1], [], []>, transpose_lhs_hint = false} : vector<640x64xf32>, vector<64x128xf32>, vector<640x128xf32> -> vector<640x128xf32>
    %add3A_77 = arith.addf %dot_general3A_66, %dot_general3A_76 : vector<640x128xf32>
    %mul3A_78 = vector.broadcast %get3A_10 : vector<640x1xf32> to vector<640x128xf32>
    %mul3A_79 = arith.mulf %add3A_77, %mul3A_78 : vector<640x128xf32>
    %add3A_80 = arith.addf %add3A_56, %mul3A_79 : vector<640x128xf32>
    %get3A_81 = arith.constant 0 : index
    %get3A_82 = arith.constant 0 : index
    %get3A_83 = vector.load %arg10[%get3A_81, %get3A_82] : memref<1x128xf32, #tpu.memory_space<vmem>>, vector<1x128xf32>
    %add3A_84 = vector.broadcast %get3A_83 : vector<1x128xf32> to vector<640x128xf32>
    %add3A_85 = arith.addf %add3A_80, %add3A_84 : vector<640x128xf32>
    %max3A = arith.constant 0.000000e+00 : f32
    %max3A_86 = vector.broadcast %max3A : f32 to vector<640x128xf32>
    %max3A_87 = arith.maximumf %add3A_85, %max3A_86 : vector<640x128xf32>
    %swap3A = arith.constant 0 : index
    %swap3A_88 = arith.constant 0 : index
    %swap3A_89 = vector.load %arg11[%swap3A, %swap3A_88] : memref<640x128xf32, #tpu.memory_space<vmem>>, vector<640x128xf32>
    tpu.vector_store %arg11[%swap3A, %swap3A_88], %max3A_87 {strides = array<i32>} : memref<640x128xf32, #tpu.memory_space<vmem>>, vector<640x128xf32>,
    return
  }
  func.func @transform_0(%arg0: i32) -> (i32, i32) {
    %c0_i32 = arith.constant 0 : i32
    %c0_i32_0 = arith.constant 0 : i32
    return %arg0, %c0_i32 : i32, i32
  }
  func.func @transform_1(%arg0: i32) -> (i32, i32) {
    %add3A = arith.constant 0 : i32
    %add3A_0 = arith.addi %arg0, %add3A : i32
    %c0_i32 = arith.constant 0 : i32
    %c0_i32_1 = arith.constant 0 : i32
    return %add3A_0, %c0_i32 : i32, i32
  }
  func.func @transform_2(%arg0: i32) -> (i32, i32) {
    %add3A = arith.constant 16 : i32
    %add3A_0 = arith.addi %arg0, %add3A : i32
    %c0_i32 = arith.constant 0 : i32
    %c0_i32_1 = arith.constant 0 : i32
    return %add3A_0, %c0_i32 : i32, i32
  }
  func.func @transform_3(%arg0: i32) -> (i32, i32) {
    %add3A = arith.constant 0 : i32
    %add3A_0 = arith.addi %arg0, %add3A : i32
    %c0_i32 = arith.constant 0 : i32
    %c0_i32_1 = arith.constant 0 : i32
    return %add3A_0, %c0_i32 : i32, i32
  }
  func.func @transform_4(%arg0: i32) -> (i32, i32) {
    %add3A = arith.constant 16 : i32
    %add3A_0 = arith.addi %arg0, %add3A : i32
    %c0_i32 = arith.constant 0 : i32
    %c0_i32_1 = arith.constant 0 : i32
    return %add3A_0, %c0_i32 : i32, i32
  }
  func.func @transform_5(%arg0: i32) -> (i32, i32) {
    %add3A = arith.constant 0 : i32
    %add3A_0 = arith.addi %arg0, %add3A : i32
    %c0_i32 = arith.constant 0 : i32
    %c0_i32_1 = arith.constant 0 : i32
    return %add3A_0, %c0_i32 : i32, i32
  }
  func.func @transform_6(%arg0: i32) -> (i32, i32) {
    %add3A = arith.constant 16 : i32
    %add3A_0 = arith.addi %arg0, %add3A : i32
    %c0_i32 = arith.constant 0 : i32
    %c0_i32_1 = arith.constant 0 : i32
    return %add3A_0, %c0_i32 : i32, i32
  }
  func.func @transform_7(%arg0: i32) -> (i32, i32) {
    %c0_i32 = arith.constant 0 : i32
    %c0_i32_0 = arith.constant 0 : i32
    return %arg0, %c0_i32 : i32, i32
  }
  func.func @transform_8(%arg0: i32) -> (i32, i32, i32) {
    %c0_i32 = arith.constant 0 : i32
    %c0_i32_0 = arith.constant 0 : i32
    %c0_i32_1 = arith.constant 0 : i32
    %c0_i32_2 = arith.constant 0 : i32
    return %c0_i32, %c0_i32_0, %c0_i32_1 : i32, i32, i32
  }
  func.func @transform_9(%arg0: i32) -> (i32, i32) {
    %c0_i32 = arith.constant 0 : i32
    %c0_i32_0 = arith.constant 0 : i32
    %c0_i32_1 = arith.constant 0 : i32
    return %c0_i32, %c0_i32_0 : i32, i32
  }
  func.func @transform_10(%arg0: i32) -> (i32, i32) {
    %c0_i32 = arith.constant 0 : i32
    %c0_i32_0 = arith.constant 0 : i32
    return %arg0, %c0_i32 : i32, i32
  }
}

</mosaic_0001>

<sc_bundles>
// kernel: kernel.4.cloned.1.call-start
scs
__scs_entry_jumppad:
0x0: {  	(pc) =	sbr.rel $0x88, $3  }
0x1: {  	(tag) =	ssettag $0x0;
	lr =	simm.s32 $0x1  }
0x2: {  	[smem:$0x3F9D] =	sst lr;
	_ =	strace $0xD0000000  }
0x3: {  	_ = 	snop  }
0x4: {  	_ = 	snop  }
0x5: {  	_ = 	snop  }
0x6: {  	_ = 	snop  }
0x7: {  	_ = 	snop  }
__scs_overlays_trampoline_lowered:
0x8: {  	[smem:$0x3FAC] =	sst s0  }
0x9: {  	[smem:$0x3FAD] =	sst s1  }
0xa: {  	[smem:$0x3FAE] =	sst s2  }
0xb: {  	[smem:$0x3FAF] =	sst s3  }
0xc: {  	[smem:$0x3FB0] =	sst s4  }
0xd: {  	[smem:$0x3FB1] =	sst s5  }
0xe: {  	[smem:$0x3FB2] =	sst s6  }
0xf: {  	[smem:$0x3FB3] =	sst s7  }
0x10: {  	[smem:$0x3FB4] =	sst s8  }
0x11: {  	[smem:$0x3FB5] =	sst s9;
	s0 =	simm.s32 @!p0 $0x0  }
0x12: {  	s1 =	sld [smem:$0x3F9B];
	s0 =	simm.s32 @p0 $0x1  }
0x13: {  	[smem:$0x3FB6] =	sst s0;
	s0 =	simm.s32 @!p1 $0x0  }
0x14: {  	s2 =	sld [smem:$0x3F9A];
	s0 =	simm.s32 @p1 $0x1  }
0x15: {  	[smem:$0x3FB7] =	sst s0;
	s0 =	simm.s32 @!p2 $0x0  }
0x16: {  	s3 =	sld [smem:$0x3FDB];
	s0 =	simm.s32 @p2 $0x1  }
0x17: {  	s4 =	simm.s32 $0x1BF5;
	[smem:$0x3FB9] =	sst s0  }
0x18: {  	s0 =	sld [smem:$0x3F9C];
	_ =	swait.ge [sflag:s4], $0x0  }
0x19: {  	s7 =	sld [smem:$0x3F9D]  }
0x1a: {  	s8 =	sadd.s32 $0xFFFFE003, lr  }
0x1b: {  	s9 =	sadd.s32 $0xFFFFFEF7, lr;
	s5 =	simm.s32 $0xFFFFFFFF;
	p2 =	slt.u32 s8, $0xFFFFF086  }
0x1c: {  	p1 =	slt.u32 s9, $0xF7A;
	s5 =	simm.s32 @!p2 $0x0  }
0x1d: {  	s5 =	simm.s32 @p1 $0x1;
	p0 =	seq.s32 s7, s2  }
0x1e: {  	s7 =	smul.u32 @!p0 $0xF7A, s2;
	p2 =	seq.s32 @!p0 s5, $0x0  }
0x1f: {  	s9 =	smul.u32 $0xF7A, s1;
	s8 =	simm.s32 @!p0 $0x1BF5;
	p2 =	por !p2, p0  }
0x20: {  	[sflag:s8] =	ssyncset.s32 @!p0 $0xFFFFF086;
	s6 =	sadd.s32 @!p0 s3, s7;
	s7 =	simm.s32 @!p0 $0x108  }
0x21: {  	s3 =	sadd.s32 s3, s9;
	s6 =	sadd.s32 @!p0 $0x88, s6;
	s7 =	simm.s32 @p2 $0x1082  }
0x22: {  	[simem:s7], [sflag:s8] =	dma.local @!p0 [hbm:s6], $0xF7A  }
0x23: {  	s9 =	sor.u32 $0xD0000000, s2;
	s6 =	simm.s32 $0x108;
	_ =	swait.ge @!p0 [sflag:s8], $0x0  }
0x24: {  	s3 =	sadd.s32 $0x88, s3;
	s6 =	simm.s32 @!p1 $0x1082;
	[sflag:s4] =	ssyncset.s32 $0xFFFFF086  }
0x25: {  	[simem:s6], [sflag:s4] =	dma.local [hbm:s3], $0xF7A  }
0x26: {  	[smem:$0x3F9D] =	sst s1;
	(tag) =	ssettag s2;
	_ =	strace s9  }
0x27: {  	s1 =	sld [smem:$0x3FAD]  }
0x28: {  	s2 =	sld [smem:$0x3FAE]  }
0x29: {  	s4 =	sld [smem:$0x3FB0]  }
0x2a: {  	p0 =	seq.s32 s5, $0x0;
	s5 =	sld [smem:$0x3FB1]  }
0x2b: {  	s6 =	sld [smem:$0x3FB2]  }
0x2c: {  	s7 =	sld [smem:$0x3FB3]  }
0x2d: {  	s3 =	simm.s32 $0x108;
	s8 =	sld [smem:$0x3FB4]  }
0x2e: {  	s3 =	simm.s32 @!p0 $0x1082;
	s9 =	sld [smem:$0x3FB5]  }
0x2f: {  	lr =	sadd.s32 s0, s3;
	s0 =	sld [smem:$0x3FAC]  }
0x30: {  	s3 =	sld [smem:$0x3FAF]  }
0x31: {  	[smem:$0x3FB8] =	sst s10  }
0x32: {  	s10 =	sld [smem:$0x3FB6];
	_ =	sdelay $0x3  }
0x33: {  	p0 =	seq.s32 s10, $0x1;
	s10 =	sld [smem:$0x3FB8];
	_ =	sdelay $0x3  }
0x34: {  	[smem:$0x3FB8] =	sst s10  }
0x35: {  	s10 =	sld [smem:$0x3FB7];
	_ =	sdelay $0x3  }
0x36: {  	p1 =	seq.s32 s10, $0x1;
	s10 =	sld [smem:$0x3FB8];
	_ =	sdelay $0x3  }
0x37: {  	[smem:$0x3FB8] =	sst s10  }
0x38: {  	s10 =	sld [smem:$0x3FB9]  }
0x39: {  	_ = 	snop;
	(pc) =	sbr.ind lr, $3  }
0x3a: {  	_ = 	snop  }
0x3b: {  	_ = 	snop  }
0x3c: {  	p2 =	seq.s32 s10, $0x1;
	s10 =	sld [smem:$0x3FB8]  }
0x3d: {  	_ =	shalt  }
0x3e: {  	_ =	shalt  }
0x3f: {  	_ =	shalt  }
0x40: {  	_ =	shalt  }
0x41: {  	_ =	shalt  }
0x42: {  	_ =	shalt  }
0x43: {  	_ =	shalt  }
0x44: {  	_ =	shalt  }
0x45: {  	_ =	shalt  }
0x46: {  	_ =	shalt  }
0x47: {  	_ =	shalt  }
0x48: {  	_ =	shalt  }
0x49: {  	_ =	shalt  }
0x4a: {  	_ =	shalt  }
0x4b: {  	_ =	shalt  }
0x4c: {  	_ =	shalt  }
0x4d: {  	_ =	shalt  }
0x4e: {  	_ =	shalt  }
0x4f: {  	_ =	shalt  }
0x50: {  	_ =	shalt  }
0x51: {  	_ =	shalt  }
0x52: {  	_ =	shalt  }
0x53: {  	_ =	shalt  }
0x54: {  	_ =	shalt  }
0x55: {  	_ =	shalt  }
0x56: {  	_ =	shalt  }
0x57: {  	_ =	shalt  }
0x58: {  	_ =	shalt  }
0x59: {  	_ =	shalt  }
0x5a: {  	_ =	shalt  }
0x5b: {  	_ =	shalt  }
0x5c: {  	_ =	shalt  }
0x5d: {  	_ =	shalt  }
0x5e: {  	_ =	shalt  }
0x5f: {  	_ =	shalt  }
0x60: {  	_ =	shalt  }
0x61: {  	_ =	shalt  }
0x62: {  	_ =	shalt  }
0x63: {  	_ =	shalt  }
0x64: {  	_ =	shalt  }
0x65: {  	_ =	shalt  }
0x66: {  	_ =	shalt  }
0x67: {  	_ =	shalt  }
0x68: {  	_ =	shalt  }
0x69: {  	_ =	shalt  }
0x6a: {  	_ =	shalt  }
0x6b: {  	_ =	shalt  }
0x6c: {  	_ =	shalt  }
0x6d: {  	_ =	shalt  }
0x6e: {  	_ =	shalt  }
0x6f: {  	_ =	shalt  }
0x70: {  	_ =	shalt  }
0x71: {  	_ =	shalt  }
0x72: {  	_ =	shalt  }
0x73: {  	_ =	shalt  }
0x74: {  	_ =	shalt  }
0x75: {  	_ =	shalt  }
0x76: {  	_ =	shalt  }
0x77: {  	_ =	shalt  }
0x78: {  	_ =	shalt  }
0x79: {  	_ =	shalt  }
0x7a: {  	_ =	shalt  }
0x7b: {  	_ =	shalt  }
0x7c: {  	_ =	shalt  }
0x7d: {  	_ =	shalt  }
0x7e: {  	_ =	shalt  }
0x7f: {  	_ =	shalt  }
0x80: {  	_ =	shalt  }
0x81: {  	_ =	shalt  }
0x82: {  	_ =	shalt  }
0x83: {  	_ =	shalt  }
0x84: {  	_ =	shalt  }
0x85: {  	_ =	shalt  }
0x86: {  	_ =	shalt  }
0x87: {  	_ =	shalt  }
.Lfunc_end0:
.L_simem_size_0:
called_computation_lowered:
.L_overlay_start_0:
0x88: {  	s2 =	sld [smem:$0x3FD9]  }
0x89: {  	s3 =	sld [smem:$0x3FFE];
	_ =	sdelay $0x1  }
0x8a: {  	s1 =	srdreg.scid  }
0x8b: {  	s0 =	sand.u32 $0x1, s1  }
0x8c: {  	s17 =	sshll.u32 s0, $0xA;
	s2 =	sadd.s32 s3, s2  }
0x8d: {  	s2 =	sadd.s32 s2, s17  }
0x8e: {  	[smem:$0x3FC4] =	sst s2  }
0x8f: {  	_ = 	snop  }
0x90: {  	s2 =	sld [smem:$0x3FD0];
	(tm) =	ssettm $0x1  }
0x91: {  	s18 =	sld [smem:$0x3FFB];
	_ =	sdelay $0x3  }
0x92: {  	_ =	strace s18  }
0x93: {  	s3 =	sld [smem:$0x3FFC];
	_ =	sdelay $0x3  }
0x94: {  	_ =	strace s3  }
0x95: {  	s3 =	sld [smem:$0x3FFD];
	_ =	sdelay $0x3  }
0x96: {  	_ =	strace s3  }
0x97: {  	_ =	strace $0x8FFFFFFF  }
0x98: {  	s19 =	sld [smem:$0x3FDB];
	_ =	sdelay $0x1  }
0x99: {  	s4 =	simm.s32 $_scs_section_size  }
0x9a: {  	s5 =	simm.s32 $_size__tile_overlayer_lowered;
	s6 =	simm.s32 $_tile_overlayer_lowered  }
0x9b: {  	s22 =	simm.s32 $0x1BFF;
	s21 =	sshll.u32 s6, $0x1;
	s3 =	sadd.s32 s4, s19  }
0x9c: {  	s7 =	simm.s32 $0x0;
	s20 =	sshll.u32 s5, $0x1;
	s5 =	sadd.s32 s21, s3  }
0x9d: {  	[timem:s7], [sflag:s22] =	dma.local [hbm:s5], s20  }
0x9e: {  	_ =	swait.ge [sflag:s22], s20  }
0x9f: {  	s4 =	ssub.s32 $0x0, s20;
	[sflag:s22] =	ssyncset.done $0x0  }
0xa0: {  	[sflag:s22] =	ssyncadd.s32 s4;
	_ =	sdelay $0x1  }
0xa1: {  	s23 =	simm.s32 $0x1B8B  }
0xa2: {  	_ =	swait.ge [sflag:s23], $0x1  }
0xa3: {  	[sflag:s23] =	ssyncset.done $0x0  }
0xa4: {  	s25 =	simm.s32 $0x1B8E;
	s24 =	sld [smem:$0x3FFE];
	[sflag:s23] =	ssyncadd.s32 $0xFFFFFFFF  }
0xa5: {  	s26 =	simm.s32 $execute0_lowered;
	[smem:$0x3FD2] =	sst s25  }
0xa6: {  	s5 =	sshll.u32 s26, $0x1;
	_ =	strace $0x80000046;
	[dreg:$0x1] =	wrdreg $0xFFFFFFFF  }
0xa7: {  	s28 =	simm.s32 $_size_execute0_lowered;
	s3 =	sadd.s32 s3, s5;
	[dreg:$0x0] =	wrdreg $0x0  }
0xa8: {  	s5 =	sshll.u32 s28, $0x1;
	[dreg:$0x2] =	wrdreg s3  }
0xa9: {  	[dreg:$0x3] =	wrdreg s5  }
0xaa: {  	[dreg:$0x4] =	wrdreg $0xC0  }
0xab: {  	_ =	task [dreg:s7], $0x5FFFF  }
0xac: {  	[dreg:$0x1] =	wrdreg $0xFFFFFFFF  }
0xad: {  	[dreg:$0x0] =	wrdreg $0x60  }
0xae: {  	[dreg:$0x2] =	wrdreg s24  }
0xaf: {  	[dreg:$0x3] =	wrdreg s2  }
0xb0: {  	[dreg:$0x4] =	wrdreg $0x13F800  }
0xb1: {  	[dreg:$0x5] =	wrdreg $0x9  }
0xb2: {  	_ =	task.clear_ibuf [dreg:s7], $0x6FFFF;
	_ =	strace $0x90000046  }
0xb3: {  	s29 =	simm.s32 $0x9;
	_ =	strace $0x80000048  }
0xb4: {  	_ =	swait.ge [sflag:s29], $0x1  }
0xb5: {  	[sflag:s29] =	ssyncadd.s32 $0xFFFFFFFF  }
0xb6: {  	_ =	strace $0x90000048  }
0xb7: {  	_ =	sfence  }
0xb8: {  	s30 =	sld [smem:$0x0];
	_ =	sdelay $0x2  }
0xb9: {  	s31 =	sshll.u32 s1, $0xD;
	s1 =	sshrl.u32 s1, $0x2  }
0xba: {  	s3 =	sand.u32 $0x4000, s31;
	s1 =	sadd.s32 s1, s30  }
0xbb: {  	s0 =	sor.u32 s3, s0;
	s1 =	sshll.u32 s1, $0x11  }
0xbc: {  	s0 =	sor.u32 s1, s0  }
0xbd: {  	s0 =	sadd.s32 $0x8F2B, s0  }
0xbe: {  	[sflag:s0] =	ssyncadd.remote.s32 $0x1  }
0xbf: {  	_ =	sfence.sel $0xFFFF  }
0xc0: {  	[dreg:$0x0] =	wrdreg $0xFFFFFFFF;
	(pc) =	sbr.abs _section_cstart, $3  }
0xc1: {  	[dreg:$0x1] =	wrdreg $0xFFFFFFFF  }
0xc2: {  	_ =	task.clear_ibuf [dreg:s7], $0x2FFFF;
	_ =	strace $0x9FFFFFFF  }
0xc3: {  	(tm) =	ssettm $0x7FFFFFFF  }
tec
execute0_lowered:
.L_overlay_start_1:
0x0: {  	(tag) =	ssettag $0x1  }
0x1: {  	s0 =	rddreg [dreg:$0x0]  }
0x2: {  	s1 =	rddreg [dreg:$0x1]  }
0x3: {  	s2 =	rddreg [dreg:$0x2]  }
0x4: {  	s18 =	stileid.u32;
	s3 =	simm.s32 $0x0;
	s9 =	srdreg.scid  }
0x5: {  	s10 =	smul.u32 $0xA00, s18;
	[smem:$0x7FF] =	sst s3;
	s4 =	sadd.s32 $0x1400, s0  }
0x6: {  	s5 =	sadd.s32 $0x33400, s0;
	s6 =	sadd.s32 $0x5BA00, s0;
	s8 =	smul.u32 $0x280, s18  }
0x7: {  	s7 =	sadd.s32 $0x83A00, s0;
	s12 =	sand.u32 $0x1, s9;
	s17 =	smul.u32 $0xA000, s18  }
0x8: {  	s9 =	sadd.s32 $0xABA00, s0;
	_ =	strace $0x80000047;
	s14 =	smul.u32 $0xA000, s12  }
0x9: {  	s13 =	ssub.s32 $0x2, s12;
	s11 =	sadd.s32 s10, s0;
	s15 =	sshrl.u32 s8, $0x3  }
0xa: {  	s16 =	sshrl.u32 s13, $0x1;
	s14 =	sadd.s32 s10, s14;
	s11 =	sadd.s32 $0x29400, s11  }
0xb: {  	s0 =	sadd.s32 s15, s0;
	s1 =	sadd.s32 s1, s14;
	[dreg:$0x5] =	wrdreg s11  }
0xc: {  	s13 =	ssub.s32 s13, s16;
	s0 =	sadd.s32 $0x5B400, s0;
	[dreg:$0x4] =	wrdreg s1  }
0xd: {  	s10 =	sshrl.u32 s10, $0x2;
	s24 =	smax.u32 s13, $0x1;
	[dreg:$0x10] =	wrdreg s0  }
0xe: {  	s30 =	sshrl.u32 s17, $0x2;
	s10 =	sadd.s32 s10, s2;
	[dreg:$0x11] =	wrdreg s24  }
0xf: {  	s1 =	sadd.s32 s30, s2;
	[dreg:$0x7] =	wrdreg s10  }
0x10: {  	s11 =	sadd.s32 $0x2800, s10;
	[dreg:$0x6] =	wrdreg s1  }
0x11: {  	s14 =	sadd.s32 $0x5000, s10;
	[dreg:$0x8] =	wrdreg s11  }
0x12: {  	s15 =	sadd.s32 $0x7800, s10;
	[dreg:$0x9] =	wrdreg s14  }
0x13: {  	s16 =	sadd.s32 $0xA000, s10;
	[dreg:$0xa] =	wrdreg s15  }
0x14: {  	s17 =	sadd.s32 $0xC800, s10;
	[dreg:$0xb] =	wrdreg s16  }
0x15: {  	s19 =	sadd.s32 $0xF000, s10;
	[dreg:$0xc] =	wrdreg s17  }
0x16: {  	s20 =	sadd.s32 $0x11800, s10;
	[dreg:$0xd] =	wrdreg s19  }
0x17: {  	s21 =	sadd.s32 $0x14000, s10;
	[dreg:$0xe] =	wrdreg s20  }
0x18: {  	s25 =	sadd.s32 $0x16800, s10;
	[dreg:$0xf] =	wrdreg s21  }
0x19: {  	s26 =	sadd.s32 $0x19000, s10;
	[dreg:$0x12] =	wrdreg s25  }
0x1a: {  	s28 =	sadd.s32 $0x1B800, s10;
	[dreg:$0x13] =	wrdreg s26  }
0x1b: {  	s29 =	sadd.s32 $0x1E000, s10;
	[dreg:$0x14] =	wrdreg s28  }
0x1c: {  	s18 =	smul.u32 $0x28000, s18;
	s30 =	sadd.s32 $0x20800, s10;
	[dreg:$0x15] =	wrdreg s29  }
0x1d: {  	[dreg:$0x16] =	wrdreg s30;
	s1 =	sadd.s32 $0x23000, s10  }
0x1e: {  	s22 =	sshrl.u32 s18, $0x2;
	s10 =	sadd.s32 $0x25800, s10;
	[dreg:$0x17] =	wrdreg s1  }
0x1f: {  	p0 =	sne.s32 s12, $0x0;
	s11 =	sadd.s32 s22, s2;
	[dreg:$0x18] =	wrdreg s10  }
0x20: {  	s23 =	smul.u32 $0x2800, s12;
	s12 =	sadd.s32 $0x2000, s11;
	[dreg:$0x19] =	wrdreg s11  }
0x21: {  	s13 =	sadd.s32 $0x2800, s11;
	[dreg:$0x1b] =	wrdreg s12  }
0x22: {  	s14 =	sadd.s32 $0x3000, s11;
	[dreg:$0x1c] =	wrdreg s13  }
0x23: {  	s15 =	sadd.s32 $0x3800, s11;
	[dreg:$0x1d] =	wrdreg s14  }
0x24: {  	s16 =	sadd.s32 $0x4000, s11;
	[dreg:$0x1e] =	wrdreg s15  }
0x25: {  	s17 =	sadd.s32 $0x4800, s11;
	[dreg:$0x1f] =	wrdreg s16  }
0x26: {  	s18 =	sadd.s32 $0x5000, s11;
	[smem:$0x7F3] =	sst s17  }
0x27: {  	s19 =	sadd.s32 $0x5800, s11;
	[smem:$0x7F4] =	sst s18  }
0x28: {  	s20 =	sadd.s32 $0x6000, s11;
	[smem:$0x7F5] =	sst s19  }
0x29: {  	s21 =	sadd.s32 $0x6800, s11;
	[smem:$0x7F6] =	sst s20  }
0x2a: {  	s22 =	sadd.s32 $0x7000, s11;
	[smem:$0x7F7] =	sst s21  }
0x2b: {  	s10 =	sadd.s32 s8, s23;
	s25 =	sadd.s32 $0x7800, s11;
	[smem:$0x7F8] =	sst s22  }
0x2c: {  	s31 =	sadd.s32 $0x800, s11;
	s26 =	sadd.s32 $0x8000, s11;
	[smem:$0x7F9] =	sst s25  }
0x2d: {  	s1 =	sadd.s32 $0x1000, s11;
	s28 =	sadd.s32 $0x8800, s11;
	[smem:$0x7FA] =	sst s26  }
0x2e: {  	s24 =	sadd.s32 $0x1800, s11;
	s29 =	sadd.s32 $0x9000, s11;
	[smem:$0x7FB] =	sst s28  }
0x2f: {  	s30 =	sadd.s32 $0x9800, s11;
	s11 =	simm.s32 $0xE000;
	[smem:$0x7FC] =	sst s29  }
0x30: {  	[smem:$0x7FD] =	sst s30;
	s13 =	simm.s32 $0x3;
	s12 =	simm.s32 $0x13800  }
0x31: {  	s14 =	simm.s32 $0x10800;
	s15 =	simm.s32 $0x80;
	s16 =	simm.s32 $0xA000  }
0x32: {  	s17 =	simm.s32 $0xC000;
	s18 =	simm.s32 $0x1;
	s19 =	simm.s32 $0x2  }
0x33: {  	v0 =	vimm.f32 $0.0e+00;
	v1 =	vimm.f32 $1.000000000e+00;
	s20 =	simm.s32 $0x13A80;
	s21 =	simm.s32 $0x0;
	[dreg:$0x1a] =	wrdreg s24  }
.LBB2_1:
0x34: {  	s0 =	rddreg [dreg:$0x4]  }
0x35: {  	[tilespmem:s3], [sflag:$0x3] =	stream.linear.gather [hbm4b:s0+s3], $0x5000, $0x38;
	[tilespmem:$0x1DF80] =	vst v63  }
0x36: {  	_ =	swait.ge [sflag:s13], $0x5000  }
0x37: {  	[sflag:s13] =	ssyncset.done $0x0  }
0x38: {  	s22 =	simm.s32 $0x5000;
	s30 =	rddreg [dreg:$0x5];
	[sflag:s13] =	ssyncadd.s32 $0xFFFFB000  }
0x39: {  	[tilespmem:s22], [sflag:$0x3] =	stream.linear.gather [hbm4b:s30+s3], $0x5000, $0x38;
	[tilespmem:$0x1DF80] =	vst v63  }
0x3a: {  	_ =	swait.ge [sflag:s13], $0x5000  }
0x3b: {  	[sflag:s13] =	ssyncset.done $0x0  }
0x3c: {  	s25 =	simm.s32 $0x0;
	s22 =	simm.s32 $0x100;
	[sflag:s13] =	ssyncadd.s32 $0xFFFFB000  }
.LBB2_2:
0x3d: {  	p1 =	sne.s32 s22, $0x1F00;
	[tilespmem:s25+$0x10830] =	vst v0;
	s26 =	smov.u32 s22;
	s22 =	sadd.s32 $0x100, s22  }
.Ltmp0:
0x3e: {  	[tilespmem:s25+$0x10820] =	vst v0;
	(pc) =	sbr.rel @p1 .LBB2_2-.Ltmp0, $3  }
0x3f: {  	[tilespmem:s25+$0x10800] =	vst v0  }
0x40: {  	[tilespmem:s25+$0x10810] =	vst v0;
	_ =	sdelay $0x1  }
0x41: {  	s25 =	sshra.s32 s26, $0x2  }
0x42: {  	[tilespmem:s25+$0x10830] =	vst v0  }
0x43: {  	[tilespmem:s25+$0x10820] =	vst v0  }
0x44: {  	s24 =	smov.u32 s1;
	[tilespmem:s25+$0x10800] =	vst v0  }
0x45: {  	s22 =	simm.s32 $0x0;
	[tilespmem:s25+$0x10810] =	vst v0;
	s26 =	simm.s32 $0x100;
	s25 =	simm.s32 $0x0  }
.LBB2_4:
0x46: {  	p1 =	sne.s32 s26, $0x9F00;
	[tilespmem:s25+$0xE030] =	vst v0;
	s28 =	smov.u32 s26;
	s26 =	sadd.s32 $0x100, s26  }
.Ltmp1:
0x47: {  	[tilespmem:s25+$0xE020] =	vst v0;
	(pc) =	sbr.rel @p1 .LBB2_4-.Ltmp1, $3  }
0x48: {  	[tilespmem:s25+$0xE000] =	vst v0  }
0x49: {  	[tilespmem:s25+$0xE010] =	vst v0;
	_ =	sdelay $0x1  }
0x4a: {  	s25 =	sshra.s32 s28, $0x2  }
0x4b: {  	[tilespmem:s25+$0xE030] =	vst v0  }
0x4c: {  	[tilespmem:s25+$0xE020] =	vst v0  }
0x4d: {  	[tilespmem:s25+$0xE000] =	vst v0  }
0x4e: {  	s1 =	smov.u32 s31;
	[tilespmem:s25+$0xE010] =	vst v0  }
.LBB2_6:
0x4f: {  	s25 =	sshra.s32 s22, $0x2  }
0x50: {  	v2 =	vld [tilespmem:s25+$0x5000];
	_ =	sdelay $0x7  }
0x51: {  	[tilespmem:v2+s11+$0x0] =	vst.idx.add.f32.msk $0xffff, v1  }
0x52: {  	v2 =	vld [tilespmem:s25+$0x5010];
	_ =	sdelay $0x7  }
0x53: {  	[tilespmem:v2+s11+$0x0] =	vst.idx.add.f32.msk $0xffff, v1  }
0x54: {  	v2 =	vld [tilespmem:s25+$0x5020];
	_ =	sdelay $0x7  }
0x55: {  	[tilespmem:v2+s11+$0x0] =	vst.idx.add.f32.msk $0xffff, v1  }
0x56: {  	v2 =	vld [tilespmem:s25+$0x5030];
	_ =	sdelay $0x7  }
0x57: {  	[tilespmem:v2+s11+$0x0] =	vst.idx.add.f32.msk $0xffff, v1  }
0x58: {  	v2 =	vld [tilespmem:s25+$0x5040];
	_ =	sdelay $0x7  }
0x59: {  	[tilespmem:v2+s11+$0x0] =	vst.idx.add.f32.msk $0xffff, v1  }
0x5a: {  	v2 =	vld [tilespmem:s25+$0x5050];
	_ =	sdelay $0x7  }
0x5b: {  	[tilespmem:v2+s11+$0x0] =	vst.idx.add.f32.msk $0xffff, v1  }
0x5c: {  	v2 =	vld [tilespmem:s25+$0x5060];
	_ =	sdelay $0x7  }
0x5d: {  	[tilespmem:v2+s11+$0x0] =	vst.idx.add.f32.msk $0xffff, v1  }
0x5e: {  	v2 =	vld [tilespmem:s25+$0x5070];
	_ =	sdelay $0x2  }
0x5f: {  	p1 =	sne.s32 s22, $0x13E00  }
.Ltmp2:
0x60: {  	_ = 	snop;
	(pc) =	sbr.rel @p1 .LBB2_6-.Ltmp2, $2  }
0x61: {  	_ =	sdelay $0x2  }
0x62: {  	s22 =	sadd.s32 $0x200, s22;
	[tilespmem:v2+s11+$0x0] =	vst.idx.add.f32.msk $0xffff, v1  }
0x63: {  	s0 =	rddreg [dreg:$0x6]  }
0x64: {  	[spmem:s0] =	stream.linear.scatter [tilespmem:s11], [sflag:$0x3], $0x2800, $0x38;
	[tilespmem:$0x1DF80] =	vst v63  }
0x65: {  	_ =	swait.ge [sflag:s13], $0x2800  }
0x66: {  	[sflag:s13] =	ssyncset.done $0x0  }
0x67: {  	[sflag:s13] =	ssyncadd.s32 $0xFFFFD800  }
0x68: {  	[bflag:$0x0] =	sbarrier.arrive $0xFFFF  }
0x69: {  	s22 =	simm.s32 $0x11000;
	s26 =	rddreg [dreg:$0x7]  }
0x6a: {  	[tilespmem:s22], [sflag:$0x3] =	stream.linear.gather [spmem:s26], $0x280, $0x38;
	[tilespmem:$0x1DF80] =	vst v63  }
0x6b: {  	_ =	swait.ge [sflag:s13], $0x280  }
0x6c: {  	[sflag:s13] =	ssyncset.done $0x0  }
0x6d: {  	s31 =	simm.s32 $0x11280;
	s30 =	rddreg [dreg:$0x8];
	[sflag:s13] =	ssyncadd.s32 $0xFFFFFD80  }
0x6e: {  	[tilespmem:s31], [sflag:$0x3] =	stream.linear.gather [spmem:s30], $0x280, $0x38;
	[tilespmem:$0x1DF80] =	vst v63  }
0x6f: {  	_ =	swait.ge [sflag:s13], $0x280  }
0x70: {  	[sflag:s13] =	ssyncset.done $0x0  }
0x71: {  	s26 =	simm.s32 $0x11500;
	s25 =	rddreg [dreg:$0x9];
	[sflag:s13] =	ssyncadd.s32 $0xFFFFFD80  }
0x72: {  	[tilespmem:s26], [sflag:$0x3] =	stream.linear.gather [spmem:s25], $0x280, $0x38;
	[tilespmem:$0x1DF80] =	vst v63  }
0x73: {  	_ =	swait.ge [sflag:s13], $0x280  }
0x74: {  	[sflag:s13] =	ssyncset.done $0x0  }
0x75: {  	s31 =	simm.s32 $0x11780;
	s30 =	rddreg [dreg:$0xa];
	[sflag:s13] =	ssyncadd.s32 $0xFFFFFD80  }
0x76: {  	[tilespmem:s31], [sflag:$0x3] =	stream.linear.gather [spmem:s30], $0x280, $0x38;
	[tilespmem:$0x1DF80] =	vst v63  }
0x77: {  	_ =	swait.ge [sflag:s13], $0x280  }
0x78: {  	[sflag:s13] =	ssyncset.done $0x0  }
0x79: {  	s26 =	simm.s32 $0x11A00;
	s25 =	rddreg [dreg:$0xb];
	[sflag:s13] =	ssyncadd.s32 $0xFFFFFD80  }
0x7a: {  	[tilespmem:s26], [sflag:$0x3] =	stream.linear.gather [spmem:s25], $0x280, $0x38;
	[tilespmem:$0x1DF80] =	vst v63  }
0x7b: {  	_ =	swait.ge [sflag:s13], $0x280  }
0x7c: {  	[sflag:s13] =	ssyncset.done $0x0  }
0x7d: {  	s31 =	simm.s32 $0x11C80;
	s30 =	rddreg [dreg:$0xc];
	[sflag:s13] =	ssyncadd.s32 $0xFFFFFD80  }
0x7e: {  	[tilespmem:s31], [sflag:$0x3] =	stream.linear.gather [spmem:s30], $0x280, $0x38;
	[tilespmem:$0x1DF80] =	vst v63  }
0x7f: {  	_ =	swait.ge [sflag:s13], $0x280  }
0x80: {  	[sflag:s13] =	ssyncset.done $0x0  }
0x81: {  	s26 =	simm.s32 $0x11F00;
	s25 =	rddreg [dreg:$0xd];
	[sflag:s13] =	ssyncadd.s32 $0xFFFFFD80  }
0x82: {  	[tilespmem:s26], [sflag:$0x3] =	stream.linear.gather [spmem:s25], $0x280, $0x38;
	[tilespmem:$0x1DF80] =	vst v63  }
0x83: {  	_ =	swait.ge [sflag:s13], $0x280  }
0x84: {  	[sflag:s13] =	ssyncset.done $0x0  }
0x85: {  	s31 =	simm.s32 $0x12180;
	s30 =	rddreg [dreg:$0xe];
	[sflag:s13] =	ssyncadd.s32 $0xFFFFFD80  }
0x86: {  	[tilespmem:s31], [sflag:$0x3] =	stream.linear.gather [spmem:s30], $0x280, $0x38;
	[tilespmem:$0x1DF80] =	vst v63  }
0x87: {  	_ =	swait.ge [sflag:s13], $0x280  }
0x88: {  	[sflag:s13] =	ssyncset.done $0x0  }
0x89: {  	s26 =	simm.s32 $0x12400;
	s25 =	rddreg [dreg:$0xf];
	[sflag:s13] =	ssyncadd.s32 $0xFFFFFD80  }
0x8a: {  	[tilespmem:s26], [sflag:$0x3] =	stream.linear.gather [spmem:s25], $0x280, $0x38;
	[tilespmem:$0x1DF80] =	vst v63  }
0x8b: {  	_ =	swait.ge [sflag:s13], $0x280  }
0x8c: {  	[sflag:s13] =	ssyncset.done $0x0  }
0x8d: {  	s31 =	simm.s32 $0x12680;
	s30 =	rddreg [dreg:$0x12];
	[sflag:s13] =	ssyncadd.s32 $0xFFFFFD80  }
0x8e: {  	[tilespmem:s31], [sflag:$0x3] =	stream.linear.gather [spmem:s30], $0x280, $0x38;
	[tilespmem:$0x1DF80] =	vst v63  }
0x8f: {  	_ =	swait.ge [sflag:s13], $0x280  }
0x90: {  	[sflag:s13] =	ssyncset.done $0x0  }
0x91: {  	s26 =	simm.s32 $0x12900;
	s25 =	rddreg [dreg:$0x13];
	[sflag:s13] =	ssyncadd.s32 $0xFFFFFD80  }
0x92: {  	[tilespmem:s26], [sflag:$0x3] =	stream.linear.gather [spmem:s25], $0x280, $0x38;
	[tilespmem:$0x1DF80] =	vst v63  }
0x93: {  	_ =	swait.ge [sflag:s13], $0x280  }
0x94: {  	[sflag:s13] =	ssyncset.done $0x0  }
0x95: {  	s31 =	simm.s32 $0x12B80;
	s30 =	rddreg [dreg:$0x14];
	[sflag:s13] =	ssyncadd.s32 $0xFFFFFD80  }
0x96: {  	[tilespmem:s31], [sflag:$0x3] =	stream.linear.gather [spmem:s30], $0x280, $0x38;
	[tilespmem:$0x1DF80] =	vst v63  }
0x97: {  	_ =	swait.ge [sflag:s13], $0x280  }
0x98: {  	[sflag:s13] =	ssyncset.done $0x0  }
0x99: {  	s26 =	simm.s32 $0x12E00;
	s25 =	rddreg [dreg:$0x15];
	[sflag:s13] =	ssyncadd.s32 $0xFFFFFD80  }
0x9a: {  	[tilespmem:s26], [sflag:$0x3] =	stream.linear.gather [spmem:s25], $0x280, $0x38;
	[tilespmem:$0x1DF80] =	vst v63  }
0x9b: {  	_ =	swait.ge [sflag:s13], $0x280  }
0x9c: {  	[sflag:s13] =	ssyncset.done $0x0  }
0x9d: {  	s31 =	simm.s32 $0x13080;
	s30 =	rddreg [dreg:$0x16];
	[sflag:s13] =	ssyncadd.s32 $0xFFFFFD80  }
0x9e: {  	[tilespmem:s31], [sflag:$0x3] =	stream.linear.gather [spmem:s30], $0x280, $0x38;
	[tilespmem:$0x1DF80] =	vst v63  }
0x9f: {  	_ =	swait.ge [sflag:s13], $0x280  }
0xa0: {  	[sflag:s13] =	ssyncset.done $0x0  }
0xa1: {  	s25 =	simm.s32 $0x13300;
	s22 =	rddreg [dreg:$0x17];
	[sflag:s13] =	ssyncadd.s32 $0xFFFFFD80  }
0xa2: {  	[tilespmem:s25], [sflag:$0x3] =	stream.linear.gather [spmem:s22], $0x280, $0x38;
	[tilespmem:$0x1DF80] =	vst v63  }
0xa3: {  	_ =	swait.ge [sflag:s13], $0x280  }
0xa4: {  	[sflag:s13] =	ssyncset.done $0x0  }
0xa5: {  	s30 =	simm.s32 $0x13580;
	s26 =	rddreg [dreg:$0x18];
	[sflag:s13] =	ssyncadd.s32 $0xFFFFFD80  }
0xa6: {  	[tilespmem:s30], [sflag:$0x3] =	stream.linear.gather [spmem:s26], $0x280, $0x38;
	[tilespmem:$0x1DF80] =	vst v63  }
0xa7: {  	_ =	swait.ge [sflag:s13], $0x280  }
0xa8: {  	[sflag:s13] =	ssyncset.done $0x0  }
0xa9: {  	s31 =	simm.s32 $0x0;
	[sflag:s13] =	ssyncadd.s32 $0xFFFFFD80  }
0xaa: {  	s22 =	sand.u32 $0x3F0, s31;
	[bflag:$0x0] =	sbarrier.arrive $0xFFFF  }
0xab: {  	v2 =	vld [tilespmem:s22+$0x11000]  }
0xac: {  	v3 =	vld [tilespmem:s22+$0x11280];
	_ =	sdelay $0x1  }
0xad: {  	v4 =	vld [tilespmem:s22+$0x11500];
	_ =	sdelay $0x1  }
0xae: {  	v5 =	vld [tilespmem:s22+$0x11780]  }
0xaf: {  	v2 =	vadd.f32 v3, v2  }
0xb0: {  	v3 =	vld [tilespmem:s22+$0x11A00]  }
0xb1: {  	v2 =	vadd.f32 v4, v2  }
0xb2: {  	v4 =	vld [tilespmem:s22+$0x11C80]  }
0xb3: {  	v2 =	vadd.f32 v5, v2  }
0xb4: {  	v5 =	vld [tilespmem:s22+$0x11F00]  }
0xb5: {  	v2 =	vadd.f32 v3, v2  }
0xb6: {  	v3 =	vld [tilespmem:s22+$0x12180]  }
0xb7: {  	v2 =	vadd.f32 v4, v2  }
0xb8: {  	v4 =	vld [tilespmem:s22+$0x12400]  }
0xb9: {  	v2 =	vadd.f32 v5, v2  }
0xba: {  	v5 =	vld [tilespmem:s22+$0x12680]  }
0xbb: {  	v2 =	vadd.f32 v3, v2  }
0xbc: {  	v3 =	vld [tilespmem:s22+$0x12900]  }
0xbd: {  	v2 =	vadd.f32 v4, v2  }
0xbe: {  	v4 =	vld [tilespmem:s22+$0x12B80]  }
0xbf: {  	v2 =	vadd.f32 v5, v2  }
0xc0: {  	v5 =	vld [tilespmem:s22+$0x12E00]  }
0xc1: {  	v2 =	vadd.f32 v3, v2  }
0xc2: {  	v3 =	vld [tilespmem:s22+$0x13080]  }
0xc3: {  	v2 =	vadd.f32 v4, v2  }
0xc4: {  	v4 =	vld [tilespmem:s22+$0x13300]  }
0xc5: {  	v2 =	vadd.f32 v5, v2  }
0xc6: {  	v5 =	vld [tilespmem:s22+$0x13580]  }
0xc7: {  	v2 =	vadd.f32 v3, v2;
	_ =	sdelay $0x1  }
0xc8: {  	v2 =	vadd.f32 v4, v2;
	_ =	sdelay $0x1  }
0xc9: {  	v2 =	vadd.f32 v5, v2;
	_ =	sdelay $0x1  }
0xca: {  	v3 =	vshra.s32 v2, $0x1;
	v4 =	vmul.f32 $5.000000000e-01, v2  }
0xcb: {  	v3 =	vsub.s32 $0x5F3759DF, v3  }
0xcc: {  	v5 =	vmul.f32 v3, v4;
	_ =	sdelay $0x1  }
0xcd: {  	v5 =	vmul.f32 v3, v5;
	_ =	sdelay $0x1  }
0xce: {  	v5 =	vsub.f32 $1.500000000e+00, v5;
	_ =	sdelay $0x1  }
0xcf: {  	v3 =	vmul.f32 v3, v5;
	_ =	sdelay $0x1  }
0xd0: {  	v5 =	vmul.f32 v3, v4;
	_ =	sdelay $0x1  }
0xd1: {  	v5 =	vmul.f32 v5, v3;
	_ =	sdelay $0x1  }
0xd2: {  	v5 =	vsub.f32 $1.500000000e+00, v5;
	_ =	sdelay $0x1  }
0xd3: {  	v3 =	vmul.f32 v5, v3;
	_ =	sdelay $0x1  }
0xd4: {  	v4 =	vmul.f32 v3, v4;
	_ =	sdelay $0x1  }
0xd5: {  	v4 =	vmul.f32 v4, v3;
	_ =	sdelay $0x1  }
0xd6: {  	v4 =	vsub.f32 $1.500000000e+00, v4;
	_ =	sdelay $0x1  }
0xd7: {  	v3 =	vmul.f32 v4, v3  }
0xd8: {  	vm0 =	vgt.f32 v2, $0.0e+00  }
0xd9: {  	v3 =	vnsel vm0, $0x0, v3  }
0xda: {  	s25 =	simm.s32 $0x13800;
	v4 =	vmul.f32 v3, v3  }
0xdb: {  	s22 =	simm.s32 $0x13A80;
	[tilespmem:s25+$0x0] =	vst v3;
	v2 =	vmul.f32 v3, v2  }
0xdc: {  	s28 =	simm.s32 $0x10;
	s26 =	simm.s32 $0x13D00;
	[tilespmem:s22+$0x0] =	vst v4  }
0xdd: {  	s29 =	sand.u32 $0x3F0, s28;
	[tilespmem:s26+$0x0] =	vst v2  }
0xde: {  	v2 =	vld [tilespmem:s29+$0x11000]  }
0xdf: {  	s28 =	simm.s32 $0x20;
	v3 =	vld [tilespmem:s29+$0x11280]  }
.LBB2_8:
0xe0: {  	p1 =	sne.s32 s28, $0x270;
	v4 =	vld [tilespmem:s29+$0x11500]  }
0xe1: {  	v5 =	vld [tilespmem:s29+$0x11780]  }
0xe2: {  	v6 =	vld [tilespmem:s29+$0x11A00]  }
0xe3: {  	v7 =	vld [tilespmem:s29+$0x11C80]  }
0xe4: {  	v2 =	vadd.f32 v3, v2;
	v3 =	vld [tilespmem:s29+$0x11F00]  }
0xe5: {  	v8 =	vld [tilespmem:s29+$0x12180]  }
0xe6: {  	v2 =	vadd.f32 v4, v2;
	v4 =	vld [tilespmem:s29+$0x12400]  }
0xe7: {  	v9 =	vld [tilespmem:s29+$0x12680]  }
0xe8: {  	v2 =	vadd.f32 v5, v2;
	v5 =	vld [tilespmem:s29+$0x12900]  }
0xe9: {  	v10 =	vld [tilespmem:s29+$0x12B80]  }
0xea: {  	v2 =	vadd.f32 v6, v2;
	v6 =	vld [tilespmem:s29+$0x12E00]  }
0xeb: {  	v11 =	vld [tilespmem:s29+$0x13080]  }
0xec: {  	v2 =	vadd.f32 v7, v2;
	v7 =	vld [tilespmem:s29+$0x13300]  }
0xed: {  	v12 =	vld [tilespmem:s29+$0x13580]  }
0xee: {  	v2 =	vadd.f32 v3, v2;
	_ =	sdelay $0x1  }
0xef: {  	v2 =	vadd.f32 v8, v2;
	_ =	sdelay $0x1  }
0xf0: {  	v2 =	vadd.f32 v4, v2;
	_ =	sdelay $0x1  }
0xf1: {  	v2 =	vadd.f32 v9, v2;
	_ =	sdelay $0x1  }
0xf2: {  	v2 =	vadd.f32 v5, v2;
	_ =	sdelay $0x1  }
0xf3: {  	v2 =	vadd.f32 v10, v2;
	_ =	sdelay $0x1  }
0xf4: {  	v2 =	vadd.f32 v6, v2;
	_ =	sdelay $0x1  }
0xf5: {  	v2 =	vadd.f32 v11, v2;
	_ =	sdelay $0x1  }
0xf6: {  	v2 =	vadd.f32 v7, v2;
	_ =	sdelay $0x1  }
0xf7: {  	v2 =	vadd.f32 v12, v2;
	_ =	sdelay $0x1  }
0xf8: {  	v3 =	vshra.s32 v2, $0x1;
	v4 =	vmul.f32 $5.000000000e-01, v2  }
0xf9: {  	v3 =	vsub.s32 $0x5F3759DF, v3  }
0xfa: {  	v5 =	vmul.f32 v3, v4;
	_ =	sdelay $0x1  }
0xfb: {  	v5 =	vmul.f32 v3, v5;
	_ =	sdelay $0x1  }
0xfc: {  	v5 =	vsub.f32 $1.500000000e+00, v5;
	_ =	sdelay $0x1  }
0xfd: {  	v3 =	vmul.f32 v3, v5;
	_ =	sdelay $0x1  }
0xfe: {  	v5 =	vmul.f32 v3, v4;
	_ =	sdelay $0x1  }
0xff: {  	v5 =	vmul.f32 v5, v3;
	_ =	sdelay $0x1  }
0x100: {  	v5 =	vsub.f32 $1.500000000e+00, v5;
	_ =	sdelay $0x1  }
0x101: {  	v3 =	vmul.f32 v5, v3;
	_ =	sdelay $0x1  }
0x102: {  	v4 =	vmul.f32 v3, v4;
	_ =	sdelay $0x1  }
0x103: {  	v4 =	vmul.f32 v4, v3;
	_ =	sdelay $0x1  }
0x104: {  	v4 =	vsub.f32 $1.500000000e+00, v4;
	_ =	sdelay $0x1  }
0x105: {  	v3 =	vmul.f32 v4, v3  }
0x106: {  	vm0 =	vgt.f32 v2, $0.0e+00  }
0x107: {  	v3 =	vnsel vm0, $0x0, v3  }
0x108: {  	s25 =	sadd.s32 $0x10, s25;
	v4 =	vmul.f32 v3, v3  }
.Ltmp3:
0x109: {  	s22 =	sadd.s32 $0x10, s22;
	v2 =	vmul.f32 v3, v2;
	[tilespmem:s25+$0x0] =	vst v3;
	(pc) =	sbr.rel @p1 .LBB2_8-.Ltmp3, $4  }
0x10a: {  	s26 =	sadd.s32 $0x10, s26;
	[tilespmem:s22+$0x0] =	vst v4  }
0x10b: {  	s29 =	sand.u32 $0x3F0, s28;
	[tilespmem:s26+$0x0] =	vst v2  }
0x10c: {  	v2 =	vld [tilespmem:s29+$0x11000]  }
0x10d: {  	s28 =	sadd.s32 $0x10, s28;
	v3 =	vld [tilespmem:s29+$0x11280]  }
0x10e: {  	_ = 	snop  }
0x10f: {  	v4 =	vld [tilespmem:s29+$0x11500];
	_ =	sdelay $0x1  }
0x110: {  	v5 =	vld [tilespmem:s29+$0x11780]  }
0x111: {  	v2 =	vadd.f32 v3, v2  }
0x112: {  	v3 =	vld [tilespmem:s29+$0x11A00]  }
0x113: {  	v2 =	vadd.f32 v4, v2  }
0x114: {  	v53 =	vld [tilespmem:s29+$0x11C80]  }
0x115: {  	v2 =	vadd.f32 v5, v2  }
0x116: {  	v54 =	vld [tilespmem:s29+$0x11F00]  }
0x117: {  	v2 =	vadd.f32 v3, v2  }
0x118: {  	v3 =	vld [tilespmem:s29+$0x12180]  }
0x119: {  	v2 =	vadd.f32 v53, v2  }
0x11a: {  	v55 =	vld [tilespmem:s29+$0x12400]  }
0x11b: {  	v2 =	vadd.f32 v54, v2  }
0x11c: {  	v56 =	vld [tilespmem:s29+$0x12680]  }
0x11d: {  	v2 =	vadd.f32 v3, v2  }
0x11e: {  	v3 =	vld [tilespmem:s29+$0x12900]  }
0x11f: {  	v2 =	vadd.f32 v55, v2  }
0x120: {  	v57 =	vld [tilespmem:s29+$0x12B80]  }
0x121: {  	v2 =	vadd.f32 v56, v2  }
0x122: {  	v58 =	vld [tilespmem:s29+$0x12E00]  }
0x123: {  	v2 =	vadd.f32 v3, v2  }
0x124: {  	v3 =	vld [tilespmem:s29+$0x13080]  }
0x125: {  	v2 =	vadd.f32 v57, v2  }
0x126: {  	v59 =	vld [tilespmem:s29+$0x13300]  }
0x127: {  	v2 =	vadd.f32 v58, v2  }
0x128: {  	v60 =	vld [tilespmem:s29+$0x13580]  }
0x129: {  	v2 =	vadd.f32 v3, v2;
	_ =	sdelay $0x1  }
0x12a: {  	v2 =	vadd.f32 v59, v2;
	_ =	sdelay $0x1  }
0x12b: {  	v2 =	vadd.f32 v60, v2;
	_ =	sdelay $0x1  }
0x12c: {  	v3 =	vshra.s32 v2, $0x1;
	v61 =	vmul.f32 $5.000000000e-01, v2  }
0x12d: {  	v3 =	vsub.s32 $0x5F3759DF, v3  }
0x12e: {  	v62 =	vmul.f32 v3, v61;
	_ =	sdelay $0x1  }
0x12f: {  	v5 =	vmul.f32 v3, v62;
	_ =	sdelay $0x1  }
0x130: {  	v5 =	vsub.f32 $1.500000000e+00, v5;
	_ =	sdelay $0x1  }
0x131: {  	v3 =	vmul.f32 v3, v5;
	_ =	sdelay $0x1  }
0x132: {  	v5 =	vmul.f32 v3, v61;
	_ =	sdelay $0x1  }
0x133: {  	v5 =	vmul.f32 v5, v3;
	_ =	sdelay $0x1  }
0x134: {  	v5 =	vsub.f32 $1.500000000e+00, v5;
	_ =	sdelay $0x1  }
0x135: {  	v3 =	vmul.f32 v5, v3;
	_ =	sdelay $0x1  }
0x136: {  	v4 =	vmul.f32 v3, v61;
	_ =	sdelay $0x1  }
0x137: {  	v4 =	vmul.f32 v4, v3;
	_ =	sdelay $0x1  }
0x138: {  	v4 =	vsub.f32 $1.500000000e+00, v4;
	_ =	sdelay $0x1  }
0x139: {  	v3 =	vmul.f32 v4, v3  }
0x13a: {  	vm0 =	vgt.f32 v2, $0.0e+00  }
0x13b: {  	v3 =	vnsel vm0, $0x0, v3  }
0x13c: {  	s25 =	sadd.s32 $0x10, s25;
	v63 =	vmul.f32 v3, v3  }
0x13d: {  	s22 =	sadd.s32 $0x10, s22;
	[tilespmem:s25+$0x0] =	vst v3;
	v2 =	vmul.f32 v3, v2  }
0x13e: {  	s31 =	sadd.s32 $0x10, s26;
	[tilespmem:s22+$0x0] =	vst v63  }
0x13f: {  	s0 =	rddreg [dreg:$0x10];
	s25 =	simm.s32 @!p0 $0x13D00;
	s22 =	simm.s32 @!p0 $0x0;
	[tilespmem:s31+$0x0] =	vst v2  }
0x140: {  	[hbm4b:s0+s22] =	stream.linear.scatter @!p0 [tilespmem:s25], [sflag:$0x3], $0x280, $0x38;
	[tilespmem:$0x1DF80] =	vst v63  }
0x141: {  	s22 =	simm.s32 @!p0 $0x3  }
0x142: {  	_ =	swait.ge @!p0 [sflag:s22], $0x280  }
0x143: {  	s26 =	simm.s32 $0x0;
	[sflag:s22] =	ssyncset.done @!p0 $0x0  }
0x144: {  	s25 =	simm.s32 $0x0;
	[sflag:s22] =	ssyncadd.s32 @!p0 $0xFFFFFD80;
	s22 =	simm.s32 $0x0  }
.LBB2_10:
0x145: {  	s28 =	smul.u32 $0xA0, s26;
	_ =	sdelay $0x1  }
0x146: {  	s28 =	sadd.s32 s28, s10  }
0x147: {  	s28 =	sshll.u32 s28, $0x3  }
0x148: {  	s29 =	sadd.s32 s4, s28  }
0x149: {  	[tilespmem:s11], [sflag:$0x3] =	stream.linear.gather [hbm4b:s29+s22], $0x2800, $0x38;
	[tilespmem:$0x1DF80] =	vst v63  }
0x14a: {  	s29 =	sadd.s32 $0x0, s25  }
0x14b: {  	_ =	swait.ge [sflag:s13], $0x2800;
	v2 =	vmov s29  }
0x14c: {  	[sflag:s13] =	ssyncset.done $0x0  }
0x14d: {  	s29 =	simm.s32 $0xE020;
	[sflag:s13] =	ssyncadd.s32 $0xFFFFD800  }
0x14e: {  	v4 =	vld [tilespmem:s29+$0xFFFFFFF0]  }
0x14f: {  	v5 =	vld [tilespmem:s29+$0x10]  }
0x150: {  	v7 =	vld.idx.msk [tilespmem:v2+s12+$0x0], $0xffff  }
0x151: {  	v2 =	vld [tilespmem:s29+$0xFFFFFFE0]  }
0x152: {  	v8 =	vld [tilespmem:s29+$0x0];
	_ =	sdelay $0x3  }
0x153: {  	s31 =	sadd.s32 $0x1, s25;
	v3 =	vmul.f32 v2, v7;
	v6 =	vmul.f32 v5, v7  }
0x154: {  	s30 =	simm.s32 $0x2;
	v2 =	vmov s31;
	v5 =	vmul.f32 v4, v7;
	v4 =	vmul.f32 v8, v7;
	s31 =	simm.s32 $0xE020  }
.LBB2_11:
0x155: {  	p1 =	sne.s32 s30, $0x9F  }
0x156: {  	[tilespmem:s29+$0x10] =	vst v6;
	s31 =	sadd.s32 $0x40, s31;
	s0 =	smov.u32 s30;
	s30 =	sadd.s32 $0x1, s30  }
0x157: {  	[tilespmem:s29+$0xFFFFFFE0] =	vst v3  }
0x158: {  	v7 =	vld [tilespmem:s31+$0xFFFFFFF0];
	[tilespmem:s29+$0xFFFFFFF0] =	vst v5  }
0x159: {  	v5 =	vld [tilespmem:s31+$0x10];
	[tilespmem:s29+$0x0] =	vst v4;
	s29 =	smov.u32 s31  }
0x15a: {  	v4 =	vld.idx.msk [tilespmem:v2+s12+$0x0], $0xffff  }
0x15b: {  	v2 =	vld [tilespmem:s31+$0xFFFFFFE0]  }
0x15c: {  	v8 =	vld [tilespmem:s31+$0x0]  }
.Ltmp4:
0x15d: {  	(pc) =	sbr.rel @p1 .LBB2_11-.Ltmp4, $3  }
0x15e: {  	_ =	sdelay $0x1  }
0x15f: {  	s0 =	sadd.s32 s0, s25;
	v6 =	vmul.f32 v5, v4;
	v3 =	vmul.f32 v2, v4  }
0x160: {  	v5 =	vmul.f32 v7, v4;
	v2 =	vmov s0;
	v4 =	vmul.f32 v8, v4  }
0x161: {  	[tilespmem:s29+$0x10] =	vst v6  }
0x162: {  	s0 =	sadd.s32 $0x40, s31;
	[tilespmem:s29+$0xFFFFFFE0] =	vst v3  }
0x163: {  	v3 =	vld [tilespmem:s0+$0xFFFFFFF0];
	[tilespmem:s29+$0xFFFFFFF0] =	vst v5  }
0x164: {  	v5 =	vld [tilespmem:s0+$0x10];
	[tilespmem:s29+$0x0] =	vst v4  }
0x165: {  	v2 =	vld.idx.msk [tilespmem:v2+s12+$0x0], $0xffff  }
0x166: {  	v4 =	vld [tilespmem:s0+$0xFFFFFFE0];
	_ =	sdelay $0x1  }
0x167: {  	v6 =	vld [tilespmem:s0+$0x0];
	_ =	sdelay $0x1  }
0x168: {  	v5 =	vmul.f32 v5, v2  }
0x169: {  	v4 =	vmul.f32 v4, v2  }
0x16a: {  	v3 =	vmul.f32 v3, v2;
	[tilespmem:s0+$0x10] =	vst v5  }
0x16b: {  	s26 =	sadd.s32 $0x1, s26;
	v2 =	vmul.f32 v6, v2;
	[tilespmem:s0+$0xFFFFFFE0] =	vst v4  }
0x16c: {  	p1 =	sne.s32 s26, $0x4;
	[tilespmem:s0+$0xFFFFFFF0] =	vst v3  }
.Ltmp5:
0x16d: {  	s31 =	sadd.s32 s5, s28;
	[tilespmem:s0+$0x0] =	vst v2;
	(pc) =	sbr.rel @p1 .LBB2_10-.Ltmp5, $4  }
0x16e: {  	[hbm4b:s31+s3] =	stream.linear.scatter [tilespmem:s11], [sflag:$0x3], $0x2800, $0x38;
	[tilespmem:$0x1DF80] =	vst v63  }
0x16f: {  	_ =	swait.ge [sflag:s13], $0x2800  }
0x170: {  	[sflag:s13] =	ssyncset.done $0x0  }
0x171: {  	s25 =	sadd.s32 $0xA0, s25;
	[sflag:s13] =	ssyncadd.s32 $0xFFFFD800  }
0x172: {  	[bflag:$0x0] =	sbarrier.arrive $0xFFFF  }
0x173: {  	s0 =	rddreg [dreg:$0x19]  }
0x174: {  	[spmem:s0] =	stream.linear.scatter [tilespmem:s14], [sflag:$0x3], $0x800, $0x38;
	[tilespmem:$0x1DF80] =	vst v63  }
0x175: {  	_ =	swait.ge [sflag:s13], $0x800  }
0x176: {  	[sflag:s13] =	ssyncset.done $0x0  }
0x177: {  	[sflag:s13] =	ssyncadd.s32 $0xFFFFF800  }
0x178: {  	[spmem:s1] =	stream.linear.scatter [tilespmem:s14], [sflag:$0x3], $0x800, $0x38;
	[tilespmem:$0x1DF80] =	vst v63  }
0x179: {  	_ =	swait.ge [sflag:s13], $0x800  }
0x17a: {  	[sflag:s13] =	ssyncset.done $0x0  }
0x17b: {  	[sflag:s13] =	ssyncadd.s32 $0xFFFFF800  }
0x17c: {  	[spmem:s24] =	stream.linear.scatter [tilespmem:s14], [sflag:$0x3], $0x800, $0x38;
	[tilespmem:$0x1DF80] =	vst v63  }
0x17d: {  	_ =	swait.ge [sflag:s13], $0x800  }
0x17e: {  	s31 =	smov.u32 s1;
	[sflag:s13] =	ssyncset.done $0x0  }
0x17f: {  	s1 =	smov.u32 s24;
	s24 =	rddreg [dreg:$0x1a];
	[sflag:s13] =	ssyncadd.s32 $0xFFFFF800  }
0x180: {  	[spmem:s24] =	stream.linear.scatter [tilespmem:s14], [sflag:$0x3], $0x800, $0x38;
	[tilespmem:$0x1DF80] =	vst v63  }
0x181: {  	_ =	swait.ge [sflag:s13], $0x800  }
0x182: {  	[sflag:s13] =	ssyncset.done $0x0  }
0x183: {  	s29 =	rddreg [dreg:$0x1b];
	[sflag:s13] =	ssyncadd.s32 $0xFFFFF800  }
0x184: {  	[spmem:s29] =	stream.linear.scatter [tilespmem:s14], [sflag:$0x3], $0x800, $0x38;
	[tilespmem:$0x1DF80] =	vst v63  }
0x185: {  	_ =	swait.ge [sflag:s13], $0x800  }
0x186: {  	[sflag:s13] =	ssyncset.done $0x0  }
0x187: {  	s30 =	rddreg [dreg:$0x1c];
	[sflag:s13] =	ssyncadd.s32 $0xFFFFF800  }
0x188: {  	[spmem:s30] =	stream.linear.scatter [tilespmem:s14], [sflag:$0x3], $0x800, $0x38;
	[tilespmem:$0x1DF80] =	vst v63  }
0x189: {  	_ =	swait.ge [sflag:s13], $0x800  }
0x18a: {  	[sflag:s13] =	ssyncset.done $0x0  }
0x18b: {  	s22 =	rddreg [dreg:$0x1d];
	[sflag:s13] =	ssyncadd.s32 $0xFFFFF800  }
0x18c: {  	[spmem:s22] =	stream.linear.scatter [tilespmem:s14], [sflag:$0x3], $0x800, $0x38;
	[tilespmem:$0x1DF80] =	vst v63  }
0x18d: {  	_ =	swait.ge [sflag:s13], $0x800  }
0x18e: {  	[sflag:s13] =	ssyncset.done $0x0  }
0x18f: {  	s25 =	rddreg [dreg:$0x1e];
	[sflag:s13] =	ssyncadd.s32 $0xFFFFF800  }
0x190: {  	[spmem:s25] =	stream.linear.scatter [tilespmem:s14], [sflag:$0x3], $0x800, $0x38;
	[tilespmem:$0x1DF80] =	vst v63  }
0x191: {  	_ =	swait.ge [sflag:s13], $0x800  }
0x192: {  	[sflag:s13] =	ssyncset.done $0x0  }
0x193: {  	s26 =	rddreg [dreg:$0x1f];
	[sflag:s13] =	ssyncadd.s32 $0xFFFFF800  }
0x194: {  	[spmem:s26] =	stream.linear.scatter [tilespmem:s14], [sflag:$0x3], $0x800, $0x38;
	[tilespmem:$0x1DF80] =	vst v63  }
0x195: {  	_ =	swait.ge [sflag:s13], $0x800  }
0x196: {  	s28 =	sld [smem:$0x7F3]  }
0x197: {  	[sflag:s13] =	ssyncset.done $0x0  }
0x198: {  	[sflag:s13] =	ssyncadd.s32 $0xFFFFF800  }
0x199: {  	[spmem:s28] =	stream.linear.scatter [tilespmem:s14], [sflag:$0x3], $0x800, $0x38;
	[tilespmem:$0x1DF80] =	vst v63  }
0x19a: {  	_ =	swait.ge [sflag:s13], $0x800  }
0x19b: {  	s29 =	sld [smem:$0x7F4]  }
0x19c: {  	[sflag:s13] =	ssyncset.done $0x0  }
0x19d: {  	[sflag:s13] =	ssyncadd.s32 $0xFFFFF800  }
0x19e: {  	[spmem:s29] =	stream.linear.scatter [tilespmem:s14], [sflag:$0x3], $0x800, $0x38;
	[tilespmem:$0x1DF80] =	vst v63  }
0x19f: {  	_ =	swait.ge [sflag:s13], $0x800  }
0x1a0: {  	s30 =	sld [smem:$0x7F5]  }
0x1a1: {  	[sflag:s13] =	ssyncset.done $0x0  }
0x1a2: {  	[sflag:s13] =	ssyncadd.s32 $0xFFFFF800  }
0x1a3: {  	[spmem:s30] =	stream.linear.scatter [tilespmem:s14], [sflag:$0x3], $0x800, $0x38;
	[tilespmem:$0x1DF80] =	vst v63  }
0x1a4: {  	_ =	swait.ge [sflag:s13], $0x800  }
0x1a5: {  	s22 =	sld [smem:$0x7F6]  }
0x1a6: {  	[sflag:s13] =	ssyncset.done $0x0  }
0x1a7: {  	[sflag:s13] =	ssyncadd.s32 $0xFFFFF800  }
0x1a8: {  	[spmem:s22] =	stream.linear.scatter [tilespmem:s14], [sflag:$0x3], $0x800, $0x38;
	[tilespmem:$0x1DF80] =	vst v63  }
0x1a9: {  	_ =	swait.ge [sflag:s13], $0x800  }
0x1aa: {  	s25 =	sld [smem:$0x7F7]  }
0x1ab: {  	[sflag:s13] =	ssyncset.done $0x0  }
0x1ac: {  	[sflag:s13] =	ssyncadd.s32 $0xFFFFF800  }
0x1ad: {  	[spmem:s25] =	stream.linear.scatter [tilespmem:s14], [sflag:$0x3], $0x800, $0x38;
	[tilespmem:$0x1DF80] =	vst v63  }
0x1ae: {  	_ =	swait.ge [sflag:s13], $0x800  }
0x1af: {  	s26 =	sld [smem:$0x7F8]  }
0x1b0: {  	[sflag:s13] =	ssyncset.done $0x0  }
0x1b1: {  	[sflag:s13] =	ssyncadd.s32 $0xFFFFF800  }
0x1b2: {  	[spmem:s26] =	stream.linear.scatter [tilespmem:s14], [sflag:$0x3], $0x800, $0x38;
	[tilespmem:$0x1DF80] =	vst v63  }
0x1b3: {  	_ =	swait.ge [sflag:s13], $0x800  }
0x1b4: {  	s28 =	sld [smem:$0x7F9]  }
0x1b5: {  	[sflag:s13] =	ssyncset.done $0x0  }
0x1b6: {  	[sflag:s13] =	ssyncadd.s32 $0xFFFFF800  }
0x1b7: {  	[spmem:s28] =	stream.linear.scatter [tilespmem:s14], [sflag:$0x3], $0x800, $0x38;
	[tilespmem:$0x1DF80] =	vst v63  }
0x1b8: {  	_ =	swait.ge [sflag:s13], $0x800  }
0x1b9: {  	s29 =	sld [smem:$0x7FA]  }
0x1ba: {  	[sflag:s13] =	ssyncset.done $0x0  }
0x1bb: {  	[sflag:s13] =	ssyncadd.s32 $0xFFFFF800  }
0x1bc: {  	[spmem:s29] =	stream.linear.scatter [tilespmem:s14], [sflag:$0x3], $0x800, $0x38;
	[tilespmem:$0x1DF80] =	vst v63  }
0x1bd: {  	_ =	swait.ge [sflag:s13], $0x800  }
0x1be: {  	s30 =	sld [smem:$0x7FB]  }
0x1bf: {  	[sflag:s13] =	ssyncset.done $0x0  }
0x1c0: {  	[sflag:s13] =	ssyncadd.s32 $0xFFFFF800  }
0x1c1: {  	[spmem:s30] =	stream.linear.scatter [tilespmem:s14], [sflag:$0x3], $0x800, $0x38;
	[tilespmem:$0x1DF80] =	vst v63  }
0x1c2: {  	_ =	swait.ge [sflag:s13], $0x800  }
0x1c3: {  	s22 =	sld [smem:$0x7FC]  }
0x1c4: {  	[sflag:s13] =	ssyncset.done $0x0  }
0x1c5: {  	[sflag:s13] =	ssyncadd.s32 $0xFFFFF800  }
0x1c6: {  	[spmem:s22] =	stream.linear.scatter [tilespmem:s14], [sflag:$0x3], $0x800, $0x38;
	[tilespmem:$0x1DF80] =	vst v63  }
0x1c7: {  	_ =	swait.ge [sflag:s13], $0x800  }
0x1c8: {  	s25 =	sld [smem:$0x7FD]  }
0x1c9: {  	[sflag:s13] =	ssyncset.done $0x0  }
0x1ca: {  	[sflag:s13] =	ssyncadd.s32 $0xFFFFF800  }
0x1cb: {  	[spmem:s25] =	stream.linear.scatter [tilespmem:s14], [sflag:$0x3], $0x800, $0x38;
	[tilespmem:$0x1DF80] =	vst v63  }
0x1cc: {  	_ =	swait.ge [sflag:s13], $0x800  }
0x1cd: {  	[sflag:s13] =	ssyncset.done $0x0  }
0x1ce: {  	[sflag:s13] =	ssyncadd.s32 $0xFFFFF800  }
0x1cf: {  	s26 =	simm.s32 $0x0;
	[bflag:$0x0] =	sbarrier.arrive $0xFFFF  }
0x1d0: {  	[tilespmem:s16], [sflag:$0x1] =	stream.indirect.gather [hbm4b:s5+s15], $0x40, s26, s15, $0xb8;
	[tilespmem:$0x1DF80] =	vst v63  }
0x1d1: {  	_ = 	snop  }
0x1d2: {  	[tilespmem:s17], [sflag:$0x2] =	stream.indirect.gather [hbm4b:s5+s15], $0x40, s15, s15, $0xb8;
	[tilespmem:$0x1DF80] =	vst v63  }
0x1d3: {  	_ =	swait.ge [sflag:s18], $0x2000  }
0x1d4: {  	[sflag:s18] =	ssyncset.done $0x0  }
0x1d5: {  	s28 =	simm.s32 $0x5000;
	[sflag:s18] =	ssyncadd.s32 $0xFFFFE000  }
0x1d6: {  	[spmem:s2] =	stream.indirect.scatter.add.f32 [tilespmem:s16], [sflag:$0x3], $0x40, s28, s15, $0xb8;
	[tilespmem:$0x1DF80] =	vst v63  }
0x1d7: {  	_ =	swait.ge [sflag:s13], $0x2000  }
0x1d8: {  	[sflag:s13] =	ssyncset.done $0x0  }
0x1d9: {  	s29 =	simm.s32 $0x100;
	[sflag:s13] =	ssyncadd.s32 $0xFFFFE000  }
0x1da: {  	[tilespmem:s16], [sflag:$0x1] =	stream.indirect.gather [hbm4b:s5+s15], $0x40, s29, s15, $0xb8;
	[tilespmem:$0x1DF80] =	vst v63  }
0x1db: {  	_ =	swait.ge [sflag:s19], $0x2000  }
0x1dc: {  	[sflag:s19] =	ssyncset.done $0x0  }
0x1dd: {  	s30 =	simm.s32 $0x5080;
	[sflag:s19] =	ssyncadd.s32 $0xFFFFE000  }
0x1de: {  	[spmem:s2] =	stream.indirect.scatter.add.f32 [tilespmem:s17], [sflag:$0x3], $0x40, s30, s15, $0xb8;
	[tilespmem:$0x1DF80] =	vst v63  }
0x1df: {  	_ =	swait.ge [sflag:s13], $0x2000  }
0x1e0: {  	[sflag:s13] =	ssyncset.done $0x0  }
0x1e1: {  	s22 =	simm.s32 $0x400;
	s25 =	simm.s32 $0x180;
	[sflag:s13] =	ssyncadd.s32 $0xFFFFE000  }
.LBB2_14:
0x1e2: {  	[tilespmem:s17], [sflag:$0x2] =	stream.indirect.gather [hbm4b:s5+s15], $0x40, s25, s15, $0xb8;
	[tilespmem:$0x1DF80] =	vst v63  }
0x1e3: {  	s0 =	smov.u32 s22  }
0x1e4: {  	p1 =	sne.s32 s22, $0x13800;
	s22 =	sadd.s32 $0x400, s22;
	_ =	swait.ge [sflag:s18], $0x2000  }
0x1e5: {  	s0 =	sshra.s32 s0, $0x2;
	[sflag:s18] =	ssyncset.done $0x0  }
0x1e6: {  	s25 =	sadd.s32 $0x5000, s0;
	[sflag:s18] =	ssyncadd.s32 $0xFFFFE000  }
0x1e7: {  	[spmem:s2] =	stream.indirect.scatter.add.f32 [tilespmem:s16], [sflag:$0x3], $0x40, s25, s15, $0xb8;
	[tilespmem:$0x1DF80] =	vst v63  }
0x1e8: {  	_ =	swait.ge [sflag:s13], $0x2000  }
0x1e9: {  	[sflag:s13] =	ssyncset.done $0x0  }
0x1ea: {  	s25 =	sadd.s32 $0x100, s0;
	[sflag:s13] =	ssyncadd.s32 $0xFFFFE000  }
0x1eb: {  	[tilespmem:s16], [sflag:$0x1] =	stream.indirect.gather [hbm4b:s5+s15], $0x40, s25, s15, $0xb8;
	[tilespmem:$0x1DF80] =	vst v63  }
0x1ec: {  	_ =	swait.ge [sflag:s19], $0x2000  }
0x1ed: {  	[sflag:s19] =	ssyncset.done $0x0  }
.Ltmp6:
0x1ee: {  	s25 =	sadd.s32 $0x5080, s0;
	[sflag:s19] =	ssyncadd.s32 $0xFFFFE000;
	(pc) =	sbr.rel @p1 .LBB2_14-.Ltmp6, $4  }
0x1ef: {  	[spmem:s2] =	stream.indirect.scatter.add.f32 [tilespmem:s17], [sflag:$0x3], $0x40, s25, s15, $0xb8;
	[tilespmem:$0x1DF80] =	vst v63  }
0x1f0: {  	_ =	swait.ge [sflag:s13], $0x2000  }
0x1f1: {  	[sflag:s13] =	ssyncset.done $0x0  }
0x1f2: {  	s25 =	sadd.s32 $0x180, s0;
	[sflag:s13] =	ssyncadd.s32 $0xFFFFE000  }
0x1f3: {  	[tilespmem:s17], [sflag:$0x2] =	stream.indirect.gather [hbm4b:s5+s15], $0x40, s25, s15, $0xb8;
	[tilespmem:$0x1DF80] =	vst v63  }
0x1f4: {  	_ =	swait.ge [sflag:s18], $0x2000  }
0x1f5: {  	[sflag:s18] =	ssyncset.done $0x0  }
0x1f6: {  	s0 =	simm.s32 $0x9F00;
	[sflag:s18] =	ssyncadd.s32 $0xFFFFE000  }
0x1f7: {  	[spmem:s2] =	stream.indirect.scatter.add.f32 [tilespmem:s16], [sflag:$0x3], $0x40, s0, s15, $0xb8;
	[tilespmem:$0x1DF80] =	vst v63  }
0x1f8: {  	_ =	swait.ge [sflag:s13], $0x2000  }
0x1f9: {  	[sflag:s13] =	ssyncset.done $0x0  }
0x1fa: {  	[sflag:s13] =	ssyncadd.s32 $0xFFFFE000  }
0x1fb: {  	_ =	swait.ge [sflag:s19], $0x2000  }
0x1fc: {  	[sflag:s19] =	ssyncset.done $0x0  }
0x1fd: {  	s30 =	simm.s32 $0x9F80;
	[sflag:s19] =	ssyncadd.s32 $0xFFFFE000  }
0x1fe: {  	[spmem:s2] =	stream.indirect.scatter.add.f32 [tilespmem:s17], [sflag:$0x3], $0x40, s30, s15, $0xb8;
	[tilespmem:$0x1DF80] =	vst v63  }
0x1ff: {  	_ =	swait.ge [sflag:s13], $0x2000  }
0x200: {  	[sflag:s13] =	ssyncset.done $0x0  }
0x201: {  	[sflag:s13] =	ssyncadd.s32 $0xFFFFE000  }
0x202: {  	s22 =	simm.s32 $0x0;
	s25 =	simm.s32 $0x0;
	[bflag:$0x0] =	sbarrier.arrive $0xFFFF  }
.LBB2_16:
0x203: {  	s0 =	smul.u32 $0xA0, s25;
	_ =	sdelay $0x1  }
0x204: {  	s26 =	sadd.s32 s8, s0  }
0x205: {  	s0 =	sshll.u32 s26, $0x6  }
0x206: {  	s0 =	sand.u32 $0x3FFFFFC0, s0  }
0x207: {  	s0 =	sadd.s32 s0, s2  }
0x208: {  	[tilespmem:s11], [sflag:$0x3] =	stream.linear.gather [spmem:s0], $0x2800, $0x38;
	[tilespmem:$0x1DF80] =	vst v63  }
0x209: {  	s0 =	sadd.s32 $0x0, s22  }
0x20a: {  	_ =	swait.ge [sflag:s13], $0x2800;
	v2 =	vmov s0  }
0x20b: {  	[sflag:s13] =	ssyncset.done $0x0  }
0x20c: {  	s28 =	simm.s32 $0xE020;
	[sflag:s13] =	ssyncadd.s32 $0xFFFFD800  }
0x20d: {  	v4 =	vld [tilespmem:s28+$0xFFFFFFF0]  }
0x20e: {  	v5 =	vld [tilespmem:s28+$0x10]  }
0x20f: {  	v7 =	vld.idx.msk [tilespmem:v2+s20+$0x0], $0xffff  }
0x210: {  	v2 =	vld [tilespmem:s28+$0xFFFFFFE0]  }
0x211: {  	v8 =	vld [tilespmem:s28+$0x0];
	_ =	sdelay $0x3  }
0x212: {  	s0 =	sadd.s32 $0x1, s22;
	v3 =	vmul.f32 v2, v7;
	v6 =	vmul.f32 v5, v7  }
0x213: {  	s29 =	simm.s32 $0x2;
	s30 =	simm.s32 $0xE020;
	v2 =	vmov s0;
	v5 =	vmul.f32 v4, v7;
	v4 =	vmul.f32 v8, v7  }
.LBB2_17:
0x214: {  	p1 =	sne.s32 s29, $0x9F  }
0x215: {  	[tilespmem:s28+$0x10] =	vst v6;
	s30 =	sadd.s32 $0x40, s30;
	s0 =	smov.u32 s29;
	s29 =	sadd.s32 $0x1, s29  }
0x216: {  	[tilespmem:s28+$0xFFFFFFE0] =	vst v3  }
0x217: {  	v7 =	vld [tilespmem:s30+$0xFFFFFFF0];
	[tilespmem:s28+$0xFFFFFFF0] =	vst v5  }
0x218: {  	v5 =	vld [tilespmem:s30+$0x10];
	[tilespmem:s28+$0x0] =	vst v4;
	s28 =	smov.u32 s30  }
0x219: {  	v4 =	vld.idx.msk [tilespmem:v2+s20+$0x0], $0xffff  }
0x21a: {  	v2 =	vld [tilespmem:s30+$0xFFFFFFE0]  }
0x21b: {  	v8 =	vld [tilespmem:s30+$0x0]  }
.Ltmp7:
0x21c: {  	(pc) =	sbr.rel @p1 .LBB2_17-.Ltmp7, $3  }
0x21d: {  	_ =	sdelay $0x1  }
0x21e: {  	s0 =	sadd.s32 s0, s22;
	v6 =	vmul.f32 v5, v4;
	v3 =	vmul.f32 v2, v4  }
0x21f: {  	v5 =	vmul.f32 v7, v4;
	v2 =	vmov s0;
	v4 =	vmul.f32 v8, v4  }
0x220: {  	[tilespmem:s28+$0x10] =	vst v6  }
0x221: {  	s0 =	sadd.s32 $0x40, s30;
	[tilespmem:s28+$0xFFFFFFE0] =	vst v3  }
0x222: {  	v3 =	vld [tilespmem:s0+$0xFFFFFFF0];
	[tilespmem:s28+$0xFFFFFFF0] =	vst v5  }
0x223: {  	v5 =	vld [tilespmem:s0+$0x10];
	[tilespmem:s28+$0x0] =	vst v4  }
0x224: {  	v2 =	vld.idx.msk [tilespmem:v2+s20+$0x0], $0xffff  }
0x225: {  	v4 =	vld [tilespmem:s0+$0xFFFFFFE0];
	_ =	sdelay $0x1  }
0x226: {  	v6 =	vld [tilespmem:s0+$0x0];
	_ =	sdelay $0x1  }
0x227: {  	v5 =	vmul.f32 v5, v2  }
0x228: {  	v4 =	vmul.f32 v4, v2  }
0x229: {  	v3 =	vmul.f32 v3, v2;
	[tilespmem:s0+$0x10] =	vst v5  }
0x22a: {  	s26 =	sadd.s32 s23, s26;
	s25 =	sadd.s32 $0x1, s25;
	v2 =	vmul.f32 v6, v2;
	[tilespmem:s0+$0xFFFFFFE0] =	vst v4  }
0x22b: {  	s26 =	sshll.u32 s26, $0x3;
	p1 =	sne.s32 s25, $0x4;
	[tilespmem:s0+$0xFFFFFFF0] =	vst v3  }
.Ltmp8:
0x22c: {  	s30 =	sadd.s32 s6, s26;
	[tilespmem:s0+$0x0] =	vst v2;
	(pc) =	sbr.rel @p1 .LBB2_16-.Ltmp8, $4  }
0x22d: {  	[hbm4b:s30+s3] =	stream.linear.scatter [tilespmem:s11], [sflag:$0x3], $0x2800, $0x38;
	[tilespmem:$0x1DF80] =	vst v63  }
0x22e: {  	_ =	swait.ge [sflag:s13], $0x2800  }
0x22f: {  	[sflag:s13] =	ssyncset.done $0x0  }
0x230: {  	s22 =	sadd.s32 $0xA0, s22;
	[sflag:s13] =	ssyncadd.s32 $0xFFFFD800  }
0x231: {  	[bflag:$0x0] =	sbarrier.arrive $0xFFFF  }
0x232: {  	s0 =	rddreg [dreg:$0x19]  }
0x233: {  	[spmem:s0] =	stream.linear.scatter [tilespmem:s14], [sflag:$0x3], $0x800, $0x38;
	[tilespmem:$0x1DF80] =	vst v63  }
0x234: {  	_ =	swait.ge [sflag:s13], $0x800  }
0x235: {  	[sflag:s13] =	ssyncset.done $0x0  }
0x236: {  	[sflag:s13] =	ssyncadd.s32 $0xFFFFF800  }
0x237: {  	[spmem:s31] =	stream.linear.scatter [tilespmem:s14], [sflag:$0x3], $0x800, $0x38;
	[tilespmem:$0x1DF80] =	vst v63  }
0x238: {  	_ =	swait.ge [sflag:s13], $0x800  }
0x239: {  	[sflag:s13] =	ssyncset.done $0x0  }
0x23a: {  	[sflag:s13] =	ssyncadd.s32 $0xFFFFF800  }
0x23b: {  	[spmem:s1] =	stream.linear.scatter [tilespmem:s14], [sflag:$0x3], $0x800, $0x38;
	[tilespmem:$0x1DF80] =	vst v63  }
0x23c: {  	_ =	swait.ge [sflag:s13], $0x800  }
0x23d: {  	[sflag:s13] =	ssyncset.done $0x0  }
0x23e: {  	[sflag:s13] =	ssyncadd.s32 $0xFFFFF800  }
0x23f: {  	[spmem:s24] =	stream.linear.scatter [tilespmem:s14], [sflag:$0x3], $0x800, $0x38;
	[tilespmem:$0x1DF80] =	vst v63  }
0x240: {  	_ =	swait.ge [sflag:s13], $0x800  }
0x241: {  	[sflag:s13] =	ssyncset.done $0x0  }
0x242: {  	s29 =	rddreg [dreg:$0x1b];
	[sflag:s13] =	ssyncadd.s32 $0xFFFFF800  }
0x243: {  	[spmem:s29] =	stream.linear.scatter [tilespmem:s14], [sflag:$0x3], $0x800, $0x38;
	[tilespmem:$0x1DF80] =	vst v63  }
0x244: {  	_ =	swait.ge [sflag:s13], $0x800  }
0x245: {  	[sflag:s13] =	ssyncset.done $0x0  }
0x246: {  	s30 =	rddreg [dreg:$0x1c];
	[sflag:s13] =	ssyncadd.s32 $0xFFFFF800  }
0x247: {  	[spmem:s30] =	stream.linear.scatter [tilespmem:s14], [sflag:$0x3], $0x800, $0x38;
	[tilespmem:$0x1DF80] =	vst v63  }
0x248: {  	_ =	swait.ge [sflag:s13], $0x800  }
0x249: {  	[sflag:s13] =	ssyncset.done $0x0  }
0x24a: {  	s22 =	rddreg [dreg:$0x1d];
	[sflag:s13] =	ssyncadd.s32 $0xFFFFF800  }
0x24b: {  	[spmem:s22] =	stream.linear.scatter [tilespmem:s14], [sflag:$0x3], $0x800, $0x38;
	[tilespmem:$0x1DF80] =	vst v63  }
0x24c: {  	_ =	swait.ge [sflag:s13], $0x800  }
0x24d: {  	[sflag:s13] =	ssyncset.done $0x0  }
0x24e: {  	s25 =	rddreg [dreg:$0x1e];
	[sflag:s13] =	ssyncadd.s32 $0xFFFFF800  }
0x24f: {  	[spmem:s25] =	stream.linear.scatter [tilespmem:s14], [sflag:$0x3], $0x800, $0x38;
	[tilespmem:$0x1DF80] =	vst v63  }
0x250: {  	_ =	swait.ge [sflag:s13], $0x800  }
0x251: {  	[sflag:s13] =	ssyncset.done $0x0  }
0x252: {  	s26 =	rddreg [dreg:$0x1f];
	[sflag:s13] =	ssyncadd.s32 $0xFFFFF800  }
0x253: {  	[spmem:s26] =	stream.linear.scatter [tilespmem:s14], [sflag:$0x3], $0x800, $0x38;
	[tilespmem:$0x1DF80] =	vst v63  }
0x254: {  	_ =	swait.ge [sflag:s13], $0x800  }
0x255: {  	s28 =	sld [smem:$0x7F3]  }
0x256: {  	[sflag:s13] =	ssyncset.done $0x0  }
0x257: {  	[sflag:s13] =	ssyncadd.s32 $0xFFFFF800  }
0x258: {  	[spmem:s28] =	stream.linear.scatter [tilespmem:s14], [sflag:$0x3], $0x800, $0x38;
	[tilespmem:$0x1DF80] =	vst v63  }
0x259: {  	_ =	swait.ge [sflag:s13], $0x800  }
0x25a: {  	s29 =	sld [smem:$0x7F4]  }
0x25b: {  	[sflag:s13] =	ssyncset.done $0x0  }
0x25c: {  	[sflag:s13] =	ssyncadd.s32 $0xFFFFF800  }
0x25d: {  	[spmem:s29] =	stream.linear.scatter [tilespmem:s14], [sflag:$0x3], $0x800, $0x38;
	[tilespmem:$0x1DF80] =	vst v63  }
0x25e: {  	_ =	swait.ge [sflag:s13], $0x800  }
0x25f: {  	s30 =	sld [smem:$0x7F5]  }
0x260: {  	[sflag:s13] =	ssyncset.done $0x0  }
0x261: {  	[sflag:s13] =	ssyncadd.s32 $0xFFFFF800  }
0x262: {  	[spmem:s30] =	stream.linear.scatter [tilespmem:s14], [sflag:$0x3], $0x800, $0x38;
	[tilespmem:$0x1DF80] =	vst v63  }
0x263: {  	_ =	swait.ge [sflag:s13], $0x800  }
0x264: {  	s22 =	sld [smem:$0x7F6]  }
0x265: {  	[sflag:s13] =	ssyncset.done $0x0  }
0x266: {  	[sflag:s13] =	ssyncadd.s32 $0xFFFFF800  }
0x267: {  	[spmem:s22] =	stream.linear.scatter [tilespmem:s14], [sflag:$0x3], $0x800, $0x38;
	[tilespmem:$0x1DF80] =	vst v63  }
0x268: {  	_ =	swait.ge [sflag:s13], $0x800  }
0x269: {  	s25 =	sld [smem:$0x7F7]  }
0x26a: {  	[sflag:s13] =	ssyncset.done $0x0  }
0x26b: {  	[sflag:s13] =	ssyncadd.s32 $0xFFFFF800  }
0x26c: {  	[spmem:s25] =	stream.linear.scatter [tilespmem:s14], [sflag:$0x3], $0x800, $0x38;
	[tilespmem:$0x1DF80] =	vst v63  }
0x26d: {  	_ =	swait.ge [sflag:s13], $0x800  }
0x26e: {  	s26 =	sld [smem:$0x7F8]  }
0x26f: {  	[sflag:s13] =	ssyncset.done $0x0  }
0x270: {  	[sflag:s13] =	ssyncadd.s32 $0xFFFFF800  }
0x271: {  	[spmem:s26] =	stream.linear.scatter [tilespmem:s14], [sflag:$0x3], $0x800, $0x38;
	[tilespmem:$0x1DF80] =	vst v63  }
0x272: {  	_ =	swait.ge [sflag:s13], $0x800  }
0x273: {  	s28 =	sld [smem:$0x7F9]  }
0x274: {  	[sflag:s13] =	ssyncset.done $0x0  }
0x275: {  	[sflag:s13] =	ssyncadd.s32 $0xFFFFF800  }
0x276: {  	[spmem:s28] =	stream.linear.scatter [tilespmem:s14], [sflag:$0x3], $0x800, $0x38;
	[tilespmem:$0x1DF80] =	vst v63  }
0x277: {  	_ =	swait.ge [sflag:s13], $0x800  }
0x278: {  	s29 =	sld [smem:$0x7FA]  }
0x279: {  	[sflag:s13] =	ssyncset.done $0x0  }
0x27a: {  	[sflag:s13] =	ssyncadd.s32 $0xFFFFF800  }
0x27b: {  	[spmem:s29] =	stream.linear.scatter [tilespmem:s14], [sflag:$0x3], $0x800, $0x38;
	[tilespmem:$0x1DF80] =	vst v63  }
0x27c: {  	_ =	swait.ge [sflag:s13], $0x800  }
0x27d: {  	s30 =	sld [smem:$0x7FB]  }
0x27e: {  	[sflag:s13] =	ssyncset.done $0x0  }
0x27f: {  	[sflag:s13] =	ssyncadd.s32 $0xFFFFF800  }
0x280: {  	[spmem:s30] =	stream.linear.scatter [tilespmem:s14], [sflag:$0x3], $0x800, $0x38;
	[tilespmem:$0x1DF80] =	vst v63  }
0x281: {  	_ =	swait.ge [sflag:s13], $0x800  }
0x282: {  	s22 =	sld [smem:$0x7FC]  }
0x283: {  	[sflag:s13] =	ssyncset.done $0x0  }
0x284: {  	[sflag:s13] =	ssyncadd.s32 $0xFFFFF800  }
0x285: {  	[spmem:s22] =	stream.linear.scatter [tilespmem:s14], [sflag:$0x3], $0x800, $0x38;
	[tilespmem:$0x1DF80] =	vst v63  }
0x286: {  	_ =	swait.ge [sflag:s13], $0x800  }
0x287: {  	s25 =	sld [smem:$0x7FD]  }
0x288: {  	[sflag:s13] =	ssyncset.done $0x0  }
0x289: {  	[sflag:s13] =	ssyncadd.s32 $0xFFFFF800  }
0x28a: {  	[spmem:s25] =	stream.linear.scatter [tilespmem:s14], [sflag:$0x3], $0x800, $0x38;
	[tilespmem:$0x1DF80] =	vst v63  }
0x28b: {  	_ =	swait.ge [sflag:s13], $0x800  }
0x28c: {  	[sflag:s13] =	ssyncset.done $0x0  }
0x28d: {  	[sflag:s13] =	ssyncadd.s32 $0xFFFFF800  }
0x28e: {  	s26 =	simm.s32 $0x0;
	[bflag:$0x0] =	sbarrier.arrive $0xFFFF  }
0x28f: {  	[tilespmem:s16], [sflag:$0x1] =	stream.indirect.gather [hbm4b:s6+s15], $0x40, s26, s15, $0xb8;
	[tilespmem:$0x1DF80] =	vst v63  }
0x290: {  	_ = 	snop  }
0x291: {  	[tilespmem:s17], [sflag:$0x2] =	stream.indirect.gather [hbm4b:s6+s15], $0x40, s15, s15, $0xb8;
	[tilespmem:$0x1DF80] =	vst v63  }
0x292: {  	_ =	swait.ge [sflag:s18], $0x2000  }
0x293: {  	[sflag:s18] =	ssyncset.done $0x0  }
0x294: {  	s28 =	simm.s32 $0x5000;
	[sflag:s18] =	ssyncadd.s32 $0xFFFFE000  }
0x295: {  	[spmem:s2] =	stream.indirect.scatter.add.f32 [tilespmem:s16], [sflag:$0x3], $0x40, s28, s15, $0xb8;
	[tilespmem:$0x1DF80] =	vst v63  }
0x296: {  	_ =	swait.ge [sflag:s13], $0x2000  }
0x297: {  	[sflag:s13] =	ssyncset.done $0x0  }
0x298: {  	s29 =	simm.s32 $0x100;
	[sflag:s13] =	ssyncadd.s32 $0xFFFFE000  }
0x299: {  	[tilespmem:s16], [sflag:$0x1] =	stream.indirect.gather [hbm4b:s6+s15], $0x40, s29, s15, $0xb8;
	[tilespmem:$0x1DF80] =	vst v63  }
0x29a: {  	_ =	swait.ge [sflag:s19], $0x2000  }
0x29b: {  	[sflag:s19] =	ssyncset.done $0x0  }
0x29c: {  	s30 =	simm.s32 $0x5080;
	[sflag:s19] =	ssyncadd.s32 $0xFFFFE000  }
0x29d: {  	[spmem:s2] =	stream.indirect.scatter.add.f32 [tilespmem:s17], [sflag:$0x3], $0x40, s30, s15, $0xb8;
	[tilespmem:$0x1DF80] =	vst v63  }
0x29e: {  	_ =	swait.ge [sflag:s13], $0x2000  }
0x29f: {  	[sflag:s13] =	ssyncset.done $0x0  }
0x2a0: {  	s22 =	simm.s32 $0x400;
	s25 =	simm.s32 $0x180;
	[sflag:s13] =	ssyncadd.s32 $0xFFFFE000  }
.LBB2_20:
0x2a1: {  	[tilespmem:s17], [sflag:$0x2] =	stream.indirect.gather [hbm4b:s6+s15], $0x40, s25, s15, $0xb8;
	[tilespmem:$0x1DF80] =	vst v63  }
0x2a2: {  	s0 =	smov.u32 s22  }
0x2a3: {  	p1 =	sne.s32 s22, $0x13800;
	s22 =	sadd.s32 $0x400, s22;
	_ =	swait.ge [sflag:s18], $0x2000  }
0x2a4: {  	s0 =	sshra.s32 s0, $0x2;
	[sflag:s18] =	ssyncset.done $0x0  }
0x2a5: {  	s25 =	sadd.s32 $0x5000, s0;
	[sflag:s18] =	ssyncadd.s32 $0xFFFFE000  }
0x2a6: {  	[spmem:s2] =	stream.indirect.scatter.add.f32 [tilespmem:s16], [sflag:$0x3], $0x40, s25, s15, $0xb8;
	[tilespmem:$0x1DF80] =	vst v63  }
0x2a7: {  	_ =	swait.ge [sflag:s13], $0x2000  }
0x2a8: {  	[sflag:s13] =	ssyncset.done $0x0  }
0x2a9: {  	s25 =	sadd.s32 $0x100, s0;
	[sflag:s13] =	ssyncadd.s32 $0xFFFFE000  }
0x2aa: {  	[tilespmem:s16], [sflag:$0x1] =	stream.indirect.gather [hbm4b:s6+s15], $0x40, s25, s15, $0xb8;
	[tilespmem:$0x1DF80] =	vst v63  }
0x2ab: {  	_ =	swait.ge [sflag:s19], $0x2000  }
0x2ac: {  	[sflag:s19] =	ssyncset.done $0x0  }
.Ltmp9:
0x2ad: {  	s25 =	sadd.s32 $0x5080, s0;
	[sflag:s19] =	ssyncadd.s32 $0xFFFFE000;
	(pc) =	sbr.rel @p1 .LBB2_20-.Ltmp9, $4  }
0x2ae: {  	[spmem:s2] =	stream.indirect.scatter.add.f32 [tilespmem:s17], [sflag:$0x3], $0x40, s25, s15, $0xb8;
	[tilespmem:$0x1DF80] =	vst v63  }
0x2af: {  	_ =	swait.ge [sflag:s13], $0x2000  }
0x2b0: {  	[sflag:s13] =	ssyncset.done $0x0  }
0x2b1: {  	s25 =	sadd.s32 $0x180, s0;
	[sflag:s13] =	ssyncadd.s32 $0xFFFFE000  }
0x2b2: {  	[tilespmem:s17], [sflag:$0x2] =	stream.indirect.gather [hbm4b:s6+s15], $0x40, s25, s15, $0xb8;
	[tilespmem:$0x1DF80] =	vst v63  }
0x2b3: {  	_ =	swait.ge [sflag:s18], $0x2000  }
0x2b4: {  	[sflag:s18] =	ssyncset.done $0x0  }
0x2b5: {  	s0 =	simm.s32 $0x9F00;
	[sflag:s18] =	ssyncadd.s32 $0xFFFFE000  }
0x2b6: {  	[spmem:s2] =	stream.indirect.scatter.add.f32 [tilespmem:s16], [sflag:$0x3], $0x40, s0, s15, $0xb8;
	[tilespmem:$0x1DF80] =	vst v63  }
0x2b7: {  	_ =	swait.ge [sflag:s13], $0x2000  }
0x2b8: {  	[sflag:s13] =	ssyncset.done $0x0  }
0x2b9: {  	[sflag:s13] =	ssyncadd.s32 $0xFFFFE000  }
0x2ba: {  	_ =	swait.ge [sflag:s19], $0x2000  }
0x2bb: {  	[sflag:s19] =	ssyncset.done $0x0  }
0x2bc: {  	s30 =	simm.s32 $0x9F80;
	[sflag:s19] =	ssyncadd.s32 $0xFFFFE000  }
0x2bd: {  	[spmem:s2] =	stream.indirect.scatter.add.f32 [tilespmem:s17], [sflag:$0x3], $0x40, s30, s15, $0xb8;
	[tilespmem:$0x1DF80] =	vst v63  }
0x2be: {  	_ =	swait.ge [sflag:s13], $0x2000  }
0x2bf: {  	[sflag:s13] =	ssyncset.done $0x0  }
0x2c0: {  	[sflag:s13] =	ssyncadd.s32 $0xFFFFE000  }
0x2c1: {  	s22 =	simm.s32 $0x0;
	s25 =	simm.s32 $0x0;
	[bflag:$0x0] =	sbarrier.arrive $0xFFFF  }
.LBB2_22:
0x2c2: {  	s0 =	smul.u32 $0xA0, s25;
	_ =	sdelay $0x1  }
0x2c3: {  	s26 =	sadd.s32 s8, s0  }
0x2c4: {  	s0 =	sshll.u32 s26, $0x6  }
0x2c5: {  	s0 =	sand.u32 $0x3FFFFFC0, s0  }
0x2c6: {  	s0 =	sadd.s32 s0, s2  }
0x2c7: {  	[tilespmem:s11], [sflag:$0x3] =	stream.linear.gather [spmem:s0], $0x2800, $0x38;
	[tilespmem:$0x1DF80] =	vst v63  }
0x2c8: {  	s0 =	sadd.s32 $0x0, s22  }
0x2c9: {  	_ =	swait.ge [sflag:s13], $0x2800;
	v2 =	vmov s0  }
0x2ca: {  	[sflag:s13] =	ssyncset.done $0x0  }
0x2cb: {  	s28 =	simm.s32 $0xE020;
	[sflag:s13] =	ssyncadd.s32 $0xFFFFD800  }
0x2cc: {  	v4 =	vld [tilespmem:s28+$0xFFFFFFF0]  }
0x2cd: {  	v5 =	vld [tilespmem:s28+$0x10]  }
0x2ce: {  	v7 =	vld.idx.msk [tilespmem:v2+s20+$0x0], $0xffff  }
0x2cf: {  	v2 =	vld [tilespmem:s28+$0xFFFFFFE0]  }
0x2d0: {  	v8 =	vld [tilespmem:s28+$0x0];
	_ =	sdelay $0x3  }
0x2d1: {  	s0 =	sadd.s32 $0x1, s22;
	v3 =	vmul.f32 v2, v7;
	v6 =	vmul.f32 v5, v7  }
0x2d2: {  	s29 =	simm.s32 $0x2;
	s30 =	simm.s32 $0xE020;
	v2 =	vmov s0;
	v5 =	vmul.f32 v4, v7;
	v4 =	vmul.f32 v8, v7  }
.LBB2_23:
0x2d3: {  	p1 =	sne.s32 s29, $0x9F  }
0x2d4: {  	[tilespmem:s28+$0x10] =	vst v6;
	s30 =	sadd.s32 $0x40, s30;
	s0 =	smov.u32 s29;
	s29 =	sadd.s32 $0x1, s29  }
0x2d5: {  	[tilespmem:s28+$0xFFFFFFE0] =	vst v3  }
0x2d6: {  	v7 =	vld [tilespmem:s30+$0xFFFFFFF0];
	[tilespmem:s28+$0xFFFFFFF0] =	vst v5  }
0x2d7: {  	v5 =	vld [tilespmem:s30+$0x10];
	[tilespmem:s28+$0x0] =	vst v4;
	s28 =	smov.u32 s30  }
0x2d8: {  	v4 =	vld.idx.msk [tilespmem:v2+s20+$0x0], $0xffff  }
0x2d9: {  	v2 =	vld [tilespmem:s30+$0xFFFFFFE0]  }
0x2da: {  	v8 =	vld [tilespmem:s30+$0x0]  }
.Ltmp10:
0x2db: {  	(pc) =	sbr.rel @p1 .LBB2_23-.Ltmp10, $3  }
0x2dc: {  	_ =	sdelay $0x1  }
0x2dd: {  	s0 =	sadd.s32 s0, s22;
	v6 =	vmul.f32 v5, v4;
	v3 =	vmul.f32 v2, v4  }
0x2de: {  	v5 =	vmul.f32 v7, v4;
	v2 =	vmov s0;
	v4 =	vmul.f32 v8, v4  }
0x2df: {  	[tilespmem:s28+$0x10] =	vst v6  }
0x2e0: {  	s0 =	sadd.s32 $0x40, s30;
	[tilespmem:s28+$0xFFFFFFE0] =	vst v3  }
0x2e1: {  	v3 =	vld [tilespmem:s0+$0xFFFFFFF0];
	[tilespmem:s28+$0xFFFFFFF0] =	vst v5  }
0x2e2: {  	v5 =	vld [tilespmem:s0+$0x10];
	[tilespmem:s28+$0x0] =	vst v4  }
0x2e3: {  	v2 =	vld.idx.msk [tilespmem:v2+s20+$0x0], $0xffff  }
0x2e4: {  	v4 =	vld [tilespmem:s0+$0xFFFFFFE0];
	_ =	sdelay $0x1  }
0x2e5: {  	v6 =	vld [tilespmem:s0+$0x0];
	_ =	sdelay $0x1  }
0x2e6: {  	v5 =	vmul.f32 v5, v2  }
0x2e7: {  	v4 =	vmul.f32 v4, v2  }
0x2e8: {  	v3 =	vmul.f32 v3, v2;
	[tilespmem:s0+$0x10] =	vst v5  }
0x2e9: {  	s26 =	sadd.s32 s23, s26;
	s25 =	sadd.s32 $0x1, s25;
	v2 =	vmul.f32 v6, v2;
	[tilespmem:s0+$0xFFFFFFE0] =	vst v4  }
0x2ea: {  	s26 =	sshll.u32 s26, $0x3;
	p1 =	sne.s32 s25, $0x4;
	[tilespmem:s0+$0xFFFFFFF0] =	vst v3  }
.Ltmp11:
0x2eb: {  	s30 =	sadd.s32 s7, s26;
	[tilespmem:s0+$0x0] =	vst v2;
	(pc) =	sbr.rel @p1 .LBB2_22-.Ltmp11, $4  }
0x2ec: {  	[hbm4b:s30+s3] =	stream.linear.scatter [tilespmem:s11], [sflag:$0x3], $0x2800, $0x38;
	[tilespmem:$0x1DF80] =	vst v63  }
0x2ed: {  	_ =	swait.ge [sflag:s13], $0x2800  }
0x2ee: {  	[sflag:s13] =	ssyncset.done $0x0  }
0x2ef: {  	s22 =	sadd.s32 $0xA0, s22;
	[sflag:s13] =	ssyncadd.s32 $0xFFFFD800  }
0x2f0: {  	[bflag:$0x0] =	sbarrier.arrive $0xFFFF  }
0x2f1: {  	s0 =	rddreg [dreg:$0x19]  }
0x2f2: {  	[spmem:s0] =	stream.linear.scatter [tilespmem:s14], [sflag:$0x3], $0x800, $0x38;
	[tilespmem:$0x1DF80] =	vst v63  }
0x2f3: {  	_ =	swait.ge [sflag:s13], $0x800  }
0x2f4: {  	[sflag:s13] =	ssyncset.done $0x0  }
0x2f5: {  	[sflag:s13] =	ssyncadd.s32 $0xFFFFF800  }
0x2f6: {  	[spmem:s31] =	stream.linear.scatter [tilespmem:s14], [sflag:$0x3], $0x800, $0x38;
	[tilespmem:$0x1DF80] =	vst v63  }
0x2f7: {  	_ =	swait.ge [sflag:s13], $0x800  }
0x2f8: {  	[sflag:s13] =	ssyncset.done $0x0  }
0x2f9: {  	[sflag:s13] =	ssyncadd.s32 $0xFFFFF800  }
0x2fa: {  	[spmem:s1] =	stream.linear.scatter [tilespmem:s14], [sflag:$0x3], $0x800, $0x38;
	[tilespmem:$0x1DF80] =	vst v63  }
0x2fb: {  	_ =	swait.ge [sflag:s13], $0x800  }
0x2fc: {  	[sflag:s13] =	ssyncset.done $0x0  }
0x2fd: {  	[sflag:s13] =	ssyncadd.s32 $0xFFFFF800  }
0x2fe: {  	[spmem:s24] =	stream.linear.scatter [tilespmem:s14], [sflag:$0x3], $0x800, $0x38;
	[tilespmem:$0x1DF80] =	vst v63  }
0x2ff: {  	_ =	swait.ge [sflag:s13], $0x800  }
0x300: {  	[sflag:s13] =	ssyncset.done $0x0  }
0x301: {  	s24 =	rddreg [dreg:$0x1b];
	[sflag:s13] =	ssyncadd.s32 $0xFFFFF800  }
0x302: {  	[spmem:s24] =	stream.linear.scatter [tilespmem:s14], [sflag:$0x3], $0x800, $0x38;
	[tilespmem:$0x1DF80] =	vst v63  }
0x303: {  	_ =	swait.ge [sflag:s13], $0x800  }
0x304: {  	[sflag:s13] =	ssyncset.done $0x0  }
0x305: {  	s25 =	rddreg [dreg:$0x1c];
	[sflag:s13] =	ssyncadd.s32 $0xFFFFF800  }
0x306: {  	[spmem:s25] =	stream.linear.scatter [tilespmem:s14], [sflag:$0x3], $0x800, $0x38;
	[tilespmem:$0x1DF80] =	vst v63  }
0x307: {  	_ =	swait.ge [sflag:s13], $0x800  }
0x308: {  	[sflag:s13] =	ssyncset.done $0x0  }
0x309: {  	s26 =	rddreg [dreg:$0x1d];
	[sflag:s13] =	ssyncadd.s32 $0xFFFFF800  }
0x30a: {  	[spmem:s26] =	stream.linear.scatter [tilespmem:s14], [sflag:$0x3], $0x800, $0x38;
	[tilespmem:$0x1DF80] =	vst v63  }
0x30b: {  	_ =	swait.ge [sflag:s13], $0x800  }
0x30c: {  	[sflag:s13] =	ssyncset.done $0x0  }
0x30d: {  	s28 =	rddreg [dreg:$0x1e];
	[sflag:s13] =	ssyncadd.s32 $0xFFFFF800  }
0x30e: {  	[spmem:s28] =	stream.linear.scatter [tilespmem:s14], [sflag:$0x3], $0x800, $0x38;
	[tilespmem:$0x1DF80] =	vst v63  }
0x30f: {  	_ =	swait.ge [sflag:s13], $0x800  }
0x310: {  	[sflag:s13] =	ssyncset.done $0x0  }
0x311: {  	s29 =	rddreg [dreg:$0x1f];
	[sflag:s13] =	ssyncadd.s32 $0xFFFFF800  }
0x312: {  	[spmem:s29] =	stream.linear.scatter [tilespmem:s14], [sflag:$0x3], $0x800, $0x38;
	[tilespmem:$0x1DF80] =	vst v63  }
0x313: {  	_ =	swait.ge [sflag:s13], $0x800  }
0x314: {  	s30 =	sld [smem:$0x7F3]  }
0x315: {  	[sflag:s13] =	ssyncset.done $0x0  }
0x316: {  	[sflag:s13] =	ssyncadd.s32 $0xFFFFF800  }
0x317: {  	[spmem:s30] =	stream.linear.scatter [tilespmem:s14], [sflag:$0x3], $0x800, $0x38;
	[tilespmem:$0x1DF80] =	vst v63  }
0x318: {  	_ =	swait.ge [sflag:s13], $0x800  }
0x319: {  	s22 =	sld [smem:$0x7F4]  }
0x31a: {  	[sflag:s13] =	ssyncset.done $0x0  }
0x31b: {  	[sflag:s13] =	ssyncadd.s32 $0xFFFFF800  }
0x31c: {  	[spmem:s22] =	stream.linear.scatter [tilespmem:s14], [sflag:$0x3], $0x800, $0x38;
	[tilespmem:$0x1DF80] =	vst v63  }
0x31d: {  	_ =	swait.ge [sflag:s13], $0x800  }
0x31e: {  	s24 =	sld [smem:$0x7F5]  }
0x31f: {  	[sflag:s13] =	ssyncset.done $0x0  }
0x320: {  	[sflag:s13] =	ssyncadd.s32 $0xFFFFF800  }
0x321: {  	[spmem:s24] =	stream.linear.scatter [tilespmem:s14], [sflag:$0x3], $0x800, $0x38;
	[tilespmem:$0x1DF80] =	vst v63  }
0x322: {  	_ =	swait.ge [sflag:s13], $0x800  }
0x323: {  	s25 =	sld [smem:$0x7F6]  }
0x324: {  	[sflag:s13] =	ssyncset.done $0x0  }
0x325: {  	[sflag:s13] =	ssyncadd.s32 $0xFFFFF800  }
0x326: {  	[spmem:s25] =	stream.linear.scatter [tilespmem:s14], [sflag:$0x3], $0x800, $0x38;
	[tilespmem:$0x1DF80] =	vst v63  }
0x327: {  	_ =	swait.ge [sflag:s13], $0x800  }
0x328: {  	s26 =	sld [smem:$0x7F7]  }
0x329: {  	[sflag:s13] =	ssyncset.done $0x0  }
0x32a: {  	[sflag:s13] =	ssyncadd.s32 $0xFFFFF800  }
0x32b: {  	[spmem:s26] =	stream.linear.scatter [tilespmem:s14], [sflag:$0x3], $0x800, $0x38;
	[tilespmem:$0x1DF80] =	vst v63  }
0x32c: {  	_ =	swait.ge [sflag:s13], $0x800  }
0x32d: {  	s28 =	sld [smem:$0x7F8]  }
0x32e: {  	[sflag:s13] =	ssyncset.done $0x0  }
0x32f: {  	[sflag:s13] =	ssyncadd.s32 $0xFFFFF800  }
0x330: {  	[spmem:s28] =	stream.linear.scatter [tilespmem:s14], [sflag:$0x3], $0x800, $0x38;
	[tilespmem:$0x1DF80] =	vst v63  }
0x331: {  	_ =	swait.ge [sflag:s13], $0x800  }
0x332: {  	s29 =	sld [smem:$0x7F9]  }
0x333: {  	[sflag:s13] =	ssyncset.done $0x0  }
0x334: {  	[sflag:s13] =	ssyncadd.s32 $0xFFFFF800  }
0x335: {  	[spmem:s29] =	stream.linear.scatter [tilespmem:s14], [sflag:$0x3], $0x800, $0x38;
	[tilespmem:$0x1DF80] =	vst v63  }
0x336: {  	_ =	swait.ge [sflag:s13], $0x800  }
0x337: {  	s30 =	sld [smem:$0x7FA]  }
0x338: {  	[sflag:s13] =	ssyncset.done $0x0  }
0x339: {  	[sflag:s13] =	ssyncadd.s32 $0xFFFFF800  }
0x33a: {  	[spmem:s30] =	stream.linear.scatter [tilespmem:s14], [sflag:$0x3], $0x800, $0x38;
	[tilespmem:$0x1DF80] =	vst v63  }
0x33b: {  	_ =	swait.ge [sflag:s13], $0x800  }
0x33c: {  	s22 =	sld [smem:$0x7FB]  }
0x33d: {  	[sflag:s13] =	ssyncset.done $0x0  }
0x33e: {  	[sflag:s13] =	ssyncadd.s32 $0xFFFFF800  }
0x33f: {  	[spmem:s22] =	stream.linear.scatter [tilespmem:s14], [sflag:$0x3], $0x800, $0x38;
	[tilespmem:$0x1DF80] =	vst v63  }
0x340: {  	_ =	swait.ge [sflag:s13], $0x800  }
0x341: {  	s24 =	sld [smem:$0x7FC]  }
0x342: {  	[sflag:s13] =	ssyncset.done $0x0  }
0x343: {  	[sflag:s13] =	ssyncadd.s32 $0xFFFFF800  }
0x344: {  	[spmem:s24] =	stream.linear.scatter [tilespmem:s14], [sflag:$0x3], $0x800, $0x38;
	[tilespmem:$0x1DF80] =	vst v63  }
0x345: {  	_ =	swait.ge [sflag:s13], $0x800  }
0x346: {  	s25 =	sld [smem:$0x7FD]  }
0x347: {  	[sflag:s13] =	ssyncset.done $0x0  }
0x348: {  	[sflag:s13] =	ssyncadd.s32 $0xFFFFF800  }
0x349: {  	[spmem:s25] =	stream.linear.scatter [tilespmem:s14], [sflag:$0x3], $0x800, $0x38;
	[tilespmem:$0x1DF80] =	vst v63  }
0x34a: {  	_ =	swait.ge [sflag:s13], $0x800  }
0x34b: {  	[sflag:s13] =	ssyncset.done $0x0  }
0x34c: {  	[sflag:s13] =	ssyncadd.s32 $0xFFFFF800  }
0x34d: {  	s26 =	simm.s32 $0x0;
	[bflag:$0x0] =	sbarrier.arrive $0xFFFF  }
0x34e: {  	[tilespmem:s16], [sflag:$0x1] =	stream.indirect.gather [hbm4b:s7+s15], $0x40, s26, s15, $0xb8;
	[tilespmem:$0x1DF80] =	vst v63  }
0x34f: {  	_ = 	snop  }
0x350: {  	[tilespmem:s17], [sflag:$0x2] =	stream.indirect.gather [hbm4b:s7+s15], $0x40, s15, s15, $0xb8;
	[tilespmem:$0x1DF80] =	vst v63  }
0x351: {  	_ =	swait.ge [sflag:s18], $0x2000  }
0x352: {  	[sflag:s18] =	ssyncset.done $0x0  }
0x353: {  	s28 =	simm.s32 $0x5000;
	[sflag:s18] =	ssyncadd.s32 $0xFFFFE000  }
0x354: {  	[spmem:s2] =	stream.indirect.scatter.add.f32 [tilespmem:s16], [sflag:$0x3], $0x40, s28, s15, $0xb8;
	[tilespmem:$0x1DF80] =	vst v63  }
0x355: {  	_ =	swait.ge [sflag:s13], $0x2000  }
0x356: {  	[sflag:s13] =	ssyncset.done $0x0  }
0x357: {  	s29 =	simm.s32 $0x100;
	[sflag:s13] =	ssyncadd.s32 $0xFFFFE000  }
0x358: {  	[tilespmem:s16], [sflag:$0x1] =	stream.indirect.gather [hbm4b:s7+s15], $0x40, s29, s15, $0xb8;
	[tilespmem:$0x1DF80] =	vst v63  }
0x359: {  	_ =	swait.ge [sflag:s19], $0x2000  }
0x35a: {  	[sflag:s19] =	ssyncset.done $0x0  }
0x35b: {  	s30 =	simm.s32 $0x5080;
	[sflag:s19] =	ssyncadd.s32 $0xFFFFE000  }
0x35c: {  	[spmem:s2] =	stream.indirect.scatter.add.f32 [tilespmem:s17], [sflag:$0x3], $0x40, s30, s15, $0xb8;
	[tilespmem:$0x1DF80] =	vst v63  }
0x35d: {  	_ =	swait.ge [sflag:s13], $0x2000  }
0x35e: {  	[sflag:s13] =	ssyncset.done $0x0  }
0x35f: {  	s22 =	simm.s32 $0x400;
	s25 =	simm.s32 $0x180;
	[sflag:s13] =	ssyncadd.s32 $0xFFFFE000  }
.LBB2_26:
0x360: {  	[tilespmem:s17], [sflag:$0x2] =	stream.indirect.gather [hbm4b:s7+s15], $0x40, s25, s15, $0xb8;
	[tilespmem:$0x1DF80] =	vst v63  }
0x361: {  	s0 =	smov.u32 s22  }
0x362: {  	p1 =	sne.s32 s22, $0x13800;
	s22 =	sadd.s32 $0x400, s22;
	_ =	swait.ge [sflag:s18], $0x2000  }
0x363: {  	s0 =	sshra.s32 s0, $0x2;
	[sflag:s18] =	ssyncset.done $0x0  }
0x364: {  	s25 =	sadd.s32 $0x5000, s0;
	[sflag:s18] =	ssyncadd.s32 $0xFFFFE000  }
0x365: {  	[spmem:s2] =	stream.indirect.scatter.add.f32 [tilespmem:s16], [sflag:$0x3], $0x40, s25, s15, $0xb8;
	[tilespmem:$0x1DF80] =	vst v63  }
0x366: {  	_ =	swait.ge [sflag:s13], $0x2000  }
0x367: {  	[sflag:s13] =	ssyncset.done $0x0  }
0x368: {  	s25 =	sadd.s32 $0x100, s0;
	[sflag:s13] =	ssyncadd.s32 $0xFFFFE000  }
0x369: {  	[tilespmem:s16], [sflag:$0x1] =	stream.indirect.gather [hbm4b:s7+s15], $0x40, s25, s15, $0xb8;
	[tilespmem:$0x1DF80] =	vst v63  }
0x36a: {  	_ =	swait.ge [sflag:s19], $0x2000  }
0x36b: {  	[sflag:s19] =	ssyncset.done $0x0  }
.Ltmp12:
0x36c: {  	s25 =	sadd.s32 $0x5080, s0;
	[sflag:s19] =	ssyncadd.s32 $0xFFFFE000;
	(pc) =	sbr.rel @p1 .LBB2_26-.Ltmp12, $4  }
0x36d: {  	[spmem:s2] =	stream.indirect.scatter.add.f32 [tilespmem:s17], [sflag:$0x3], $0x40, s25, s15, $0xb8;
	[tilespmem:$0x1DF80] =	vst v63  }
0x36e: {  	_ =	swait.ge [sflag:s13], $0x2000  }
0x36f: {  	[sflag:s13] =	ssyncset.done $0x0  }
0x370: {  	s25 =	sadd.s32 $0x180, s0;
	[sflag:s13] =	ssyncadd.s32 $0xFFFFE000  }
0x371: {  	[tilespmem:s17], [sflag:$0x2] =	stream.indirect.gather [hbm4b:s7+s15], $0x40, s25, s15, $0xb8;
	[tilespmem:$0x1DF80] =	vst v63  }
0x372: {  	_ =	swait.ge [sflag:s18], $0x2000  }
0x373: {  	[sflag:s18] =	ssyncset.done $0x0  }
0x374: {  	s0 =	simm.s32 $0x9F00;
	[sflag:s18] =	ssyncadd.s32 $0xFFFFE000  }
0x375: {  	[spmem:s2] =	stream.indirect.scatter.add.f32 [tilespmem:s16], [sflag:$0x3], $0x40, s0, s15, $0xb8;
	[tilespmem:$0x1DF80] =	vst v63  }
0x376: {  	_ =	swait.ge [sflag:s13], $0x2000  }
0x377: {  	[sflag:s13] =	ssyncset.done $0x0  }
0x378: {  	[sflag:s13] =	ssyncadd.s32 $0xFFFFE000  }
0x379: {  	_ =	swait.ge [sflag:s19], $0x2000  }
0x37a: {  	[sflag:s19] =	ssyncset.done $0x0  }
0x37b: {  	s30 =	simm.s32 $0x9F80;
	[sflag:s19] =	ssyncadd.s32 $0xFFFFE000  }
0x37c: {  	[spmem:s2] =	stream.indirect.scatter.add.f32 [tilespmem:s17], [sflag:$0x3], $0x40, s30, s15, $0xb8;
	[tilespmem:$0x1DF80] =	vst v63  }
0x37d: {  	_ =	swait.ge [sflag:s13], $0x2000  }
0x37e: {  	[sflag:s13] =	ssyncset.done $0x0  }
0x37f: {  	[sflag:s13] =	ssyncadd.s32 $0xFFFFE000  }
0x380: {  	s22 =	simm.s32 $0x0;
	s25 =	simm.s32 $0x0;
	[bflag:$0x0] =	sbarrier.arrive $0xFFFF  }
.LBB2_28:
0x381: {  	s0 =	smul.u32 $0xA0, s25;
	_ =	sdelay $0x1  }
0x382: {  	s26 =	sadd.s32 s8, s0  }
0x383: {  	s0 =	sshll.u32 s26, $0x6  }
0x384: {  	s0 =	sand.u32 $0x3FFFFFC0, s0  }
0x385: {  	s24 =	sadd.s32 $0x0, s22;
	s0 =	sadd.s32 s0, s2  }
0x386: {  	[tilespmem:s11], [sflag:$0x3] =	stream.linear.gather [spmem:s0], $0x2800, $0x38;
	[tilespmem:$0x1DF80] =	vst v63  }
0x387: {  	v2 =	vmov s24;
	_ =	swait.ge [sflag:s13], $0x2800  }
0x388: {  	[sflag:s13] =	ssyncset.done $0x0  }
0x389: {  	s28 =	simm.s32 $0xE020;
	[sflag:s13] =	ssyncadd.s32 $0xFFFFD800  }
0x38a: {  	v4 =	vld [tilespmem:s28+$0xFFFFFFF0]  }
0x38b: {  	v5 =	vld [tilespmem:s28+$0x10]  }
0x38c: {  	v7 =	vld.idx.msk [tilespmem:v2+s20+$0x0], $0xffff  }
0x38d: {  	v2 =	vld [tilespmem:s28+$0xFFFFFFE0]  }
0x38e: {  	v8 =	vld [tilespmem:s28+$0x0];
	_ =	sdelay $0x3  }
0x38f: {  	s24 =	sadd.s32 $0x1, s22;
	v3 =	vmul.f32 v2, v7;
	v6 =	vmul.f32 v5, v7  }
0x390: {  	s29 =	simm.s32 $0x2;
	s30 =	simm.s32 $0xE020;
	v2 =	vmov s24;
	v5 =	vmul.f32 v4, v7;
	v4 =	vmul.f32 v8, v7  }
.LBB2_29:
0x391: {  	p1 =	sne.s32 s29, $0x9F  }
0x392: {  	[tilespmem:s28+$0x10] =	vst v6;
	s30 =	sadd.s32 $0x40, s30;
	s0 =	smov.u32 s29;
	s29 =	sadd.s32 $0x1, s29  }
0x393: {  	[tilespmem:s28+$0xFFFFFFE0] =	vst v3  }
0x394: {  	v7 =	vld [tilespmem:s30+$0xFFFFFFF0];
	[tilespmem:s28+$0xFFFFFFF0] =	vst v5  }
0x395: {  	v5 =	vld [tilespmem:s30+$0x10];
	[tilespmem:s28+$0x0] =	vst v4;
	s28 =	smov.u32 s30  }
0x396: {  	v4 =	vld.idx.msk [tilespmem:v2+s20+$0x0], $0xffff  }
0x397: {  	v2 =	vld [tilespmem:s30+$0xFFFFFFE0]  }
0x398: {  	v8 =	vld [tilespmem:s30+$0x0]  }
.Ltmp13:
0x399: {  	(pc) =	sbr.rel @p1 .LBB2_29-.Ltmp13, $3  }
0x39a: {  	_ =	sdelay $0x1  }
0x39b: {  	s0 =	sadd.s32 s0, s22;
	v6 =	vmul.f32 v5, v4;
	v3 =	vmul.f32 v2, v4  }
0x39c: {  	v5 =	vmul.f32 v7, v4;
	v2 =	vmov s0;
	v4 =	vmul.f32 v8, v4  }
0x39d: {  	[tilespmem:s28+$0x10] =	vst v6  }
0x39e: {  	s0 =	sadd.s32 $0x40, s30;
	[tilespmem:s28+$0xFFFFFFE0] =	vst v3  }
0x39f: {  	v3 =	vld [tilespmem:s0+$0xFFFFFFF0];
	[tilespmem:s28+$0xFFFFFFF0] =	vst v5  }
0x3a0: {  	v5 =	vld [tilespmem:s0+$0x10];
	[tilespmem:s28+$0x0] =	vst v4  }
0x3a1: {  	v2 =	vld.idx.msk [tilespmem:v2+s20+$0x0], $0xffff  }
0x3a2: {  	v4 =	vld [tilespmem:s0+$0xFFFFFFE0];
	_ =	sdelay $0x1  }
0x3a3: {  	v6 =	vld [tilespmem:s0+$0x0];
	_ =	sdelay $0x1  }
0x3a4: {  	v5 =	vmul.f32 v5, v2  }
0x3a5: {  	v4 =	vmul.f32 v4, v2  }
0x3a6: {  	v3 =	vmul.f32 v3, v2;
	[tilespmem:s0+$0x10] =	vst v5  }
0x3a7: {  	s26 =	sadd.s32 s23, s26;
	s25 =	sadd.s32 $0x1, s25;
	v2 =	vmul.f32 v6, v2;
	[tilespmem:s0+$0xFFFFFFE0] =	vst v4  }
0x3a8: {  	s26 =	sshll.u32 s26, $0x3;
	p1 =	sne.s32 s25, $0x4;
	[tilespmem:s0+$0xFFFFFFF0] =	vst v3  }
.Ltmp14:
0x3a9: {  	s30 =	sadd.s32 s9, s26;
	[tilespmem:s0+$0x0] =	vst v2;
	(pc) =	sbr.rel @p1 .LBB2_28-.Ltmp14, $4  }
0x3aa: {  	[hbm4b:s30+s3] =	stream.linear.scatter [tilespmem:s11], [sflag:$0x3], $0x2800, $0x38;
	[tilespmem:$0x1DF80] =	vst v63  }
0x3ab: {  	_ =	swait.ge [sflag:s13], $0x2800  }
0x3ac: {  	[sflag:s13] =	ssyncset.done $0x0  }
0x3ad: {  	s22 =	sadd.s32 $0xA0, s22;
	[sflag:s13] =	ssyncadd.s32 $0xFFFFD800  }
0x3ae: {  	s21 =	sadd.s32 $0x1, s21;
	s0 =	rddreg [dreg:$0x11]  }
0x3af: {  	p1 =	sne.s32 s21, s0  }
.Ltmp15:
0x3b0: {  	_ = 	snop;
	(pc) =	sbr.rel @p1 .LBB2_1-.Ltmp15, $2  }
0x3b1: {  	_ =	sdelay $0x1  }
0x3b2: {  	[bflag:$0x0] =	sbarrier.arrive $0xFFFF;
	_ =	sdelay $0x1  }
0x3b3: {  	_ =	sfence.sel $0x180000  }
0x3b4: {  	[bflag:$0x0] =	sbarrier.arrive $0xFFFF  }
0x3b5: {  	_ =	strace $0x90000047  }
0x3b6: {  	s0 =	stileid.u32;
	[bflag:$0x2] =	sbarrier.arrive $0xFFFF  }
0x3b7: {  	p0 =	sne.s32 s0, $0x0;
	s0 =	rddreg [dreg:$0x3]  }
0x3b8: {  	s0 =	sadd.s32 @!p0 $0x100000, s0  }
0x3b9: {  	[sflag:s0] =	ssyncadd.tile.s32 @!p0 $0x1;
	_ =	shalt  }
.Lfunc_end2:
_tile_overlayer_lowered:
.L_overlay_start_2:
0x3ba: {  	(tag) =	ssettag $0x2  }
0x3bb: {  	s0 =	rddreg [dreg:$0x0];
	s2 =	stileid.u32  }
0x3bc: {  	s1 =	rddreg [dreg:$0x1];
	p0 =	sne.s32 s2, $0x0  }
0x3bd: {  	s3 =	rddreg [dreg:$0x2];
	[bflag:$0x3] =	sbarrier.arrive $0xFFFF;
	s2 =	simm.s32 @!p0 $0x1C03  }
0x3be: {  	[timem:s3], [sflag:s2] =	dma.local @!p0 [hbm:s0], s1  }
0x3bf: {  	s0 =	simm.s32 @!p0 $0x3  }
0x3c0: {  	_ =	swait.ge @!p0 [sflag:s0], s1  }
0x3c1: {  	s1 =	ssub.s32 @!p0 $0x0, s1;
	[sflag:s0] =	ssyncset.done @!p0 $0x0  }
0x3c2: {  	[sflag:s0] =	ssyncadd.s32 @!p0 s1  }
0x3c3: {  	[bflag:$0x3] =	sbarrier.arrive $0xFFFF  }
0x3c4: {  	_ =	shalt  }

</sc_bundles>
